<compile_context>
chip_gen: v7x
topology: tpu7x:2x2x1
jax: 0.10.2.dev20260603
libtpu: 0.0.44.dev20260713+nightly
codegen_flags: <defaults>
</compile_context>

<pallas_src>
import functools

import jax
import jax.numpy as jnp
from jax import lax
from jax.experimental import pallas as pl
from jax.experimental.pallas import tpu as pltpu
from jax.experimental.pallas import tpu_sc as plsc

B, S, H = 1, 2048, 768
E, K, DFF = 8, 2, 1024
T = B * S
NP = T * K
BT = 512
NB = NP // BT + E
P = NB * BT
ROUTER_AUX_COEF = 0.001
ROUTER_Z_COEF = 0.001


def _excl_cumsum0(x):
    c = x
    s = 1
    n = x.shape[0]
    while s < n:
        c = c + jnp.concatenate(
            [jnp.zeros((s, x.shape[1]), x.dtype), c[:-s, :]], axis=0)
        s *= 2
    return c - x


def _incl_cumsum1(x):
    c = x
    s = 1
    n = x.shape[1]
    while s < n:
        c = c + jnp.concatenate(
            [jnp.zeros((x.shape[0], s), x.dtype), c[:, :-s]], axis=1)
        s *= 2
    return c


def _router_body(x_ref, w_ref, b_ref,
                 tp_ref, ti_ref, aux_ref, pf_ref, bm_ref, w0_ref, w1_ref):
    xb = x_ref[...].astype(jnp.bfloat16)
    wb = w_ref[...].astype(jnp.bfloat16)
    logits = lax.dot_general(
        xb, wb, (((1,), (0,)), ((), ())),
        preferred_element_type=jnp.float32) + b_ref[...][None, :]
    m = jnp.max(logits, axis=-1, keepdims=True)
    ex = jnp.exp(logits - m)
    z = jnp.sum(ex, axis=-1, keepdims=True)
    p = ex / z

    lane = lax.broadcasted_iota(jnp.int32, (T, E), 1)
    v1 = jnp.max(p, axis=-1, keepdims=True)
    i1 = jnp.min(jnp.where(p == v1, lane, E), axis=-1, keepdims=True)
    p_m = jnp.where(lane == i1, -jnp.inf, p)
    v2 = jnp.max(p_m, axis=-1, keepdims=True)
    i2 = jnp.min(jnp.where(p_m == v2, lane, E), axis=-1, keepdims=True)

    tp_ref[...] = jnp.concatenate([v1, v2], axis=1)
    ti_ref[...] = jnp.concatenate([i1, i2], axis=1)
    oh1 = (lane == i1).astype(jnp.int32)
    oh2 = (lane == i2).astype(jnp.int32)

    mask = (oh1 + oh2).astype(jnp.float32)
    fraction = jnp.mean(mask, axis=0, keepdims=True)
    mean_prob = jnp.mean(p, axis=0, keepdims=True)
    lbl = E * jnp.sum(fraction * mean_prob, axis=1, keepdims=True)
    zm = jnp.maximum(v1, v2)
    lse = zm + jnp.log(jnp.exp(v1 - zm) + jnp.exp(v2 - zm))
    zl = jnp.mean(lse * lse, axis=0, keepdims=True)
    aux_ref[...] = lbl * ROUTER_AUX_COEF + zl * ROUTER_Z_COEF

    cc = _excl_cumsum0(jnp.concatenate([oh1, oh2], axis=1))
    c0 = cc[:, :E]
    c1 = cc[:, E:]
    cnt0 = jnp.sum(oh1, axis=0, keepdims=True)
    cnt_t = cnt0 + jnp.sum(oh2, axis=0, keepdims=True)
    nb = (cnt_t + (BT - 1)) // BT
    end_blk = _incl_cumsum1(nb)
    start_blk = end_blk - nb
    group_start = start_blk * BT
    pf_ref[0:T] = jnp.sum(
        jnp.where(lane == i1, group_start + c0, 0), axis=1, keepdims=True)
    pf_ref[T:2 * T] = jnp.sum(
        jnp.where(lane == i2, group_start + cnt0 + c1, 0),
        axis=1, keepdims=True)

    b_iota = lax.broadcasted_iota(jnp.int32, (NB, E), 0)
    bm = jnp.sum((end_blk <= b_iota).astype(jnp.int32), axis=1, keepdims=True)
    bm_ref[0:NB] = jnp.minimum(bm, E - 1)
    bm_ref[NB:NB + 1] = end_blk[:, E - 1:E]

    ones128 = jnp.ones((1, 128), jnp.float32)
    w0_ref[...] = v1 * ones128
    w1_ref[...] = v2 * ones128


def _grouped_ffn_body(bm_ref, nb_ref, x_ref, w1_ref, b1_ref, w2_ref, b2_ref,
                      o_ref):
    b = pl.program_id(0)

    @pl.when(b < nb_ref[0])
    def _():
        xb = x_ref[...].astype(jnp.bfloat16)
        h = lax.dot_general(
            xb, w1_ref[0].astype(jnp.bfloat16), (((1,), (0,)), ((), ())),
            preferred_element_type=jnp.float32) + b1_ref[0]
        h = jax.nn.gelu(h)
        y = lax.dot_general(
            h.astype(jnp.bfloat16), w2_ref[0].astype(jnp.bfloat16),
            (((1,), (0,)), ((), ())),
            preferred_element_type=jnp.float32) + b2_ref[0]
        o_ref[...] = y


def _make_dispatch():
    info = plsc.get_sparse_core_info()
    nw = info.num_cores * info.num_subcores
    cpw = NP // nw
    mesh = plsc.VectorSubcoreMesh(core_axis_name="c", subcore_axis_name="s")

    @functools.partial(
        pl.kernel, mesh=mesh,
        out_type=jax.ShapeDtypeStruct((P, H), jnp.float32),
        scratch_types=[
            pltpu.VMEM((cpw // 2,), jnp.int32),
            pltpu.VMEM((cpw // 2,), jnp.int32),
            pltpu.VMEM((cpw // 2,), jnp.int32),
            pltpu.VMEM((cpw // 2,), jnp.int32),
            pltpu.VMEM((cpw // 2, H), jnp.float32),
            pltpu.VMEM((cpw // 2, H), jnp.float32),
            pltpu.SemaphoreType.DMA,
            pltpu.SemaphoreType.DMA,
        ],
    )
    def dispatch(tok_hbm, pos_hbm, xs_hbm,
                 pos_a, pos_b, tix_a, tix_b, rows_a, rows_b, s0, s1):
        wid = lax.axis_index("s") * info.num_cores + lax.axis_index("c")
        half = cpw // 2
        base = wid * cpw
        tbase = lax.rem(base, T)
        pltpu.sync_copy(pos_hbm.at[pl.ds(base, half)], pos_a)
        pltpu.sync_copy(pos_hbm.at[pl.ds(base + half, half)], pos_b)
        for j in range(half // 16):
            tix_a[pl.ds(j * 16, 16)] = lax.iota(jnp.int32, 16) + (
                tbase + j * 16)
            tix_b[pl.ds(j * 16, 16)] = lax.iota(jnp.int32, 16) + (
                tbase + half + j * 16)
        ga = pltpu.async_copy(tok_hbm.at[tix_a], rows_a, s0)
        gb = pltpu.async_copy(tok_hbm.at[tix_b], rows_b, s1)
        ga.wait()
        sa = pltpu.async_copy(rows_a, xs_hbm.at[pos_a], s0)
        gb.wait()
        sb = pltpu.async_copy(rows_b, xs_hbm.at[pos_b], s1)
        sa.wait()
        sb.wait()

    return dispatch


def _make_combine():
    info = plsc.get_sparse_core_info()
    nw = info.num_cores * info.num_subcores
    tpw = T // nw
    mesh = plsc.VectorSubcoreMesh(core_axis_name="c", subcore_axis_name="s")

    @functools.partial(
        pl.kernel, mesh=mesh,
        out_type=jax.ShapeDtypeStruct((T, H), jnp.float32),
        scratch_types=[
            pltpu.VMEM((tpw,), jnp.int32),
            pltpu.VMEM((tpw,), jnp.int32),
            pltpu.VMEM((tpw, 128), jnp.float32),
            pltpu.VMEM((tpw, 128), jnp.float32),
            pltpu.VMEM((tpw, H), jnp.float32),
            pltpu.VMEM((tpw, H), jnp.float32),
            pltpu.SemaphoreType.DMA,
            pltpu.SemaphoreType.DMA,
        ],
    )
    def combine(y_hbm, pos_hbm, w0_hbm, w1_hbm, out_hbm,
                p0_v, p1_v, w0_v, w1_v, y0_v, y1_v, sem0, sem1):
        wid = lax.axis_index("s") * info.num_cores + lax.axis_index("c")
        tb = wid * tpw
        pltpu.sync_copy(pos_hbm.at[pl.ds(tb, tpw)], p0_v)
        pltpu.sync_copy(pos_hbm.at[pl.ds(T + tb, tpw)], p1_v)
        g0 = pltpu.async_copy(y_hbm.at[p0_v], y0_v, sem0)
        g1 = pltpu.async_copy(y_hbm.at[p1_v], y1_v, sem1)
        pltpu.sync_copy(w0_hbm.at[pl.ds(tb, tpw)], w0_v)
        pltpu.sync_copy(w1_hbm.at[pl.ds(tb, tpw)], w1_v)
        g0.wait()
        g1.wait()

        def row(i, carry):
            wr0 = w0_v[i, pl.ds(0, 16)]
            wr1 = w1_v[i, pl.ds(0, 16)]
            for j in range(H // 16):
                sl = pl.ds(j * 16, 16)
                y0_v[i, sl] = y0_v[i, sl] * wr0 + y1_v[i, sl] * wr1
            return carry

        lax.fori_loop(0, tpw, row, 0)
        pltpu.sync_copy(y0_v, out_hbm.at[pl.ds(tb, tpw)])

    return combine


@jax.jit
def kernel(hidden_states, router_w, router_b, w1, b1, w2, b2):
    tokens = hidden_states.reshape(T, H)

    top_probs, top_idx, aux, posflat2, blkmap2, w0r, w1r = pl.pallas_call(
        _router_body,
        out_shape=(
            jax.ShapeDtypeStruct((T, K), jnp.float32),
            jax.ShapeDtypeStruct((T, K), jnp.int32),
            jax.ShapeDtypeStruct((1, 1), jnp.float32),
            jax.ShapeDtypeStruct((NP, 1), jnp.int32),
            jax.ShapeDtypeStruct((NB + 1, 1), jnp.int32),
            jax.ShapeDtypeStruct((T, 128), jnp.float32),
            jax.ShapeDtypeStruct((T, 128), jnp.float32),
        ),
    )(tokens, router_w, router_b)

    posflat = posflat2.reshape(NP)

    x_sorted = _make_dispatch()(tokens, posflat)

    grid_spec = pltpu.PrefetchScalarGridSpec(
        num_scalar_prefetch=2,
        grid=(NB,),
        in_specs=[
            pl.BlockSpec((BT, H), lambda b, m, n: (b, 0)),
            pl.BlockSpec((1, H, DFF), lambda b, m, n: (m[b], 0, 0)),
            pl.BlockSpec((1, 1, DFF), lambda b, m, n: (m[b], 0, 0)),
            pl.BlockSpec((1, DFF, H), lambda b, m, n: (m[b], 0, 0)),
            pl.BlockSpec((1, 1, H), lambda b, m, n: (m[b], 0, 0)),
        ],
        out_specs=pl.BlockSpec((BT, H), lambda b, m, n: (b, 0)),
    )
    y_sorted = pl.pallas_call(
        _grouped_ffn_body,
        grid_spec=grid_spec,
        out_shape=jax.ShapeDtypeStruct((P, H), jnp.float32),
    )(blkmap2[:NB].reshape(NB), blkmap2[NB:].reshape(1),
      x_sorted, w1, b1.reshape(E, 1, DFF), w2, b2.reshape(E, 1, H))

    out = _make_combine()(y_sorted, posflat, w0r, w1r)

    output = out.reshape(B, S, H)
    aux_loss = aux[0, 0]
    route_probs = top_probs.reshape(B, S, K)
    route_indices = top_idx.reshape(B, S, K)
    return (output, aux_loss, route_probs, route_indices)

# --- scband reference (transcript-rebuilt; emitter-appended) ---
"""Pipeline reference for scband-mo-elayer-50843822850159 (READ-ONLY COPY).

The authoritative reference and input builder live on the scoring server;
editing this copy changes nothing except your own understanding.
"""

import jax, jax.numpy as jnp
import numpy as np

B, S, H = 1, 2048, 768
E, K, DFF = 8, 2, 1024
ROUTER_AUX_COEF = 0.001
ROUTER_Z_COEF = 0.001


def setup_inputs(seed: int = 0) -> dict:
    key = jax.random.key(seed)
    ks = jax.random.split(key, 8)
    return {
        "hidden_states": jax.random.normal(ks[0], (B, S, H), dtype=jnp.float32),
        "router_w": jax.random.normal(ks[1], (H, E), dtype=jnp.float32) * 0.02,
        "router_b": jnp.zeros((E,), dtype=jnp.float32),
        "w1": jax.random.normal(ks[2], (E, H, DFF), dtype=jnp.float32) * 0.02,
        "b1": jnp.zeros((E, DFF), dtype=jnp.float32),
        "w2": jax.random.normal(ks[3], (E, DFF, H), dtype=jnp.float32) * 0.02,
        "b2": jnp.zeros((E, H), dtype=jnp.float32),
    }


def reference(hidden_states, router_w, router_b, w1, b1, w2, b2):
    b, s, h = hidden_states.shape
    e = router_w.shape[1]
    tokens = hidden_states.reshape(-1, h)  # [T, H]
    # --- TopKRouter (eval: no jitter, no dropout) ---
    logits = tokens @ router_w + router_b  # [T, E]
    probs = jax.nn.softmax(logits, axis=-1)  # [T, E]
    top_probs, top_idx = jax.lax.top_k(probs, K)  # [T, K]
    # --- dispatch / combine (sequential-path semantics: weighted sum over selected experts) ---
    onehot = jax.nn.one_hot(top_idx, e, dtype=tokens.dtype)  # [T, K, E]
    combine = jnp.sum(top_probs[..., None] * onehot, axis=1)  # [T, E]
    hidden = jnp.einsum('th,ehf->tef', tokens, w1) + b1  # [T, E, DFF]
    hidden = jax.nn.gelu(hidden)
    expert_out = jnp.einsum('tef,efh->teh', hidden, w2) + b2  # [T, E, H]
    out = jnp.sum(expert_out * combine[..., None], axis=1)  # [T, H]
    output = out.reshape(b, s, h)
    # --- aux losses ---
    expert_mask = jnp.sum(onehot, axis=1)  # [T, E] in {0,1}
    fraction = jnp.mean(expert_mask, axis=0)  # [E]
    mean_prob = jnp.mean(probs, axis=0)  # [E]
    load_balancing_loss = e * jnp.sum(fraction * mean_prob)
    z_loss = jnp.mean(jnp.square(jax.nn.logsumexp(top_probs, axis=-1)))
    aux_loss = load_balancing_loss * ROUTER_AUX_COEF + z_loss * ROUTER_Z_COEF
    route_probs = top_probs.reshape(b, s, K)
    route_indices = top_idx.reshape(b, s, K)
    return (output, aux_loss, route_probs, route_indices)

if __name__ == "__main__":
    import jax
    _d = setup_inputs()
    print(jax.jit(kernel)(*tuple(_d.values())))

</pallas_src>

<mosaic_0001>
#map = affine_map<(d0, d1) -> (0, 0)>
#map1 = affine_map<(d0, d1) -> (0)>
module attributes {stable_mosaic.version = 14 : i64} {
  func.func @combine(%arg0: i32, %arg1: i32, %arg2: memref<8192x768xf32, #tpu.memory_space<hbm>>, %arg3: memref<4096xi32, #tpu.memory_space<hbm>>, %arg4: memref<2048x128xf32, #tpu.memory_space<hbm>>, %arg5: memref<2048x128xf32, #tpu.memory_space<hbm>>, %arg6: memref<2048x768xf32, #tpu.memory_space<hbm>>, %arg7: memref<64xi32, #tpu.memory_space<vmem>>, %arg8: memref<64xi32, #tpu.memory_space<vmem>>, %arg9: memref<64x128xf32, #tpu.memory_space<vmem>>, %arg10: memref<64x128xf32, #tpu.memory_space<vmem>>, %arg11: memref<64x768xf32, #tpu.memory_space<vmem>>, %arg12: memref<64x768xf32, #tpu.memory_space<vmem>>, %arg13: memref<!tpu.dma_semaphore, #tpu.memory_space<semaphore_mem>>, %arg14: memref<!tpu.dma_semaphore, #tpu.memory_space<semaphore_mem>>) attributes {dimension_semantics = [#tpu.dimension_semantics<core_parallel>, #tpu.dimension_semantics<subcore_parallel>], iteration_bounds = array<i64: 2, 16>, scalar_prefetch = 0 : i64, scratch_operands = 8 : i64, tpu.core_type = #tpu.core_type<sc_vector_subcore>, window_params = [{transform_indices = #map}, {transform_indices = #map1}, {transform_indices = #map}, {transform_indices = #map}, {transform_indices = #map}]} {
    %mul3A = arith.constant 2 : i32
    %mul3A_0 = arith.muli %arg1, %mul3A : i32
    %add3A = arith.addi %mul3A_0, %arg0 : i32
    %mul3A_1 = arith.constant 64 : i32
    %mul3A_2 = arith.muli %add3A, %mul3A_1 : i32
    "tpu.region"() ({
      %run_scoped3A = tpu.sem_alloc : memref<!tpu.dma_semaphore, #tpu.memory_space<semaphore_mem>>
      %dma_start3A_20 = tpu.memref_slice %arg3[%mul3A_2] : memref<4096xi32, #tpu.memory_space<hbm>> -> memref<64xi32, #tpu.memory_space<hbm>>
      %dma_start3A_21 = tpu.memref_slice %arg3[%mul3A_2] : memref<4096xi32, #tpu.memory_space<hbm>> -> memref<64xi32, #tpu.memory_space<hbm>>
      tpu.enqueue_dma source(%dma_start3A_21 : memref<64xi32, #tpu.memory_space<hbm>>) target(%arg7 : memref<64xi32, #tpu.memory_space<vmem>>) target_semaphore(%run_scoped3A : memref<!tpu.dma_semaphore, #tpu.memory_space<semaphore_mem>>)
      %dma_wait3A_22 = tpu.memref_slice %arg3[%mul3A_2] : memref<4096xi32, #tpu.memory_space<hbm>> -> memref<64xi32, #tpu.memory_space<hbm>>
      %dma_wait3A_23 = tpu.memref_slice %arg3[%mul3A_2] : memref<4096xi32, #tpu.memory_space<hbm>> -> memref<64xi32, #tpu.memory_space<hbm>>
      tpu.wait_dma2 semaphore(%run_scoped3A : memref<!tpu.dma_semaphore, #tpu.memory_space<semaphore_mem>>) src(%dma_wait3A_23 : memref<64xi32, #tpu.memory_space<hbm>>) dst(%arg7 : memref<64xi32, #tpu.memory_space<vmem>>)
      tpu.yield
    }) : () -> ()
    %add3A_3 = arith.constant 2048 : i32
    %add3A_4 = arith.addi %add3A_3, %mul3A_2 : i32
    "tpu.region"() ({
      %run_scoped3A = tpu.sem_alloc : memref<!tpu.dma_semaphore, #tpu.memory_space<semaphore_mem>>
      %dma_start3A_20 = tpu.memref_slice %arg3[%add3A_4] : memref<4096xi32, #tpu.memory_space<hbm>> -> memref<64xi32, #tpu.memory_space<hbm>>
      %dma_start3A_21 = tpu.memref_slice %arg3[%add3A_4] : memref<4096xi32, #tpu.memory_space<hbm>> -> memref<64xi32, #tpu.memory_space<hbm>>
      tpu.enqueue_dma source(%dma_start3A_21 : memref<64xi32, #tpu.memory_space<hbm>>) target(%arg8 : memref<64xi32, #tpu.memory_space<vmem>>) target_semaphore(%run_scoped3A : memref<!tpu.dma_semaphore, #tpu.memory_space<semaphore_mem>>)
      %dma_wait3A_22 = tpu.memref_slice %arg3[%add3A_4] : memref<4096xi32, #tpu.memory_space<hbm>> -> memref<64xi32, #tpu.memory_space<hbm>>
      %dma_wait3A_23 = tpu.memref_slice %arg3[%add3A_4] : memref<4096xi32, #tpu.memory_space<hbm>> -> memref<64xi32, #tpu.memory_space<hbm>>
      tpu.wait_dma2 semaphore(%run_scoped3A : memref<!tpu.dma_semaphore, #tpu.memory_space<semaphore_mem>>) src(%dma_wait3A_23 : memref<64xi32, #tpu.memory_space<hbm>>) dst(%arg8 : memref<64xi32, #tpu.memory_space<vmem>>)
      tpu.yield
    }) : () -> ()
    %dma_start3A = arith.constant 0 : i32
    %dma_start3A_5 = arith.constant 0 : i32
    %dma_start3A_6 = tpu.memref_slice %arg2[%dma_start3A, %dma_start3A_5] : memref<8192x768xf32, #tpu.memory_space<hbm>> -> memref<8192x768xf32, #tpu.memory_space<hbm>>
    tpu.enqueue_indirect_dma source(%dma_start3A_6 : memref<8192x768xf32, #tpu.memory_space<hbm>>) target(%arg11 : memref<64x768xf32, #tpu.memory_space<vmem>>) offsets(%arg7 : memref<64xi32, #tpu.memory_space<vmem>>) semaphore(%arg13 : memref<!tpu.dma_semaphore, #tpu.memory_space<semaphore_mem>>)
    %dma_start3A_7 = arith.constant 0 : i32
    %dma_start3A_8 = arith.constant 0 : i32
    %dma_start3A_9 = tpu.memref_slice %arg2[%dma_start3A_7, %dma_start3A_8] : memref<8192x768xf32, #tpu.memory_space<hbm>> -> memref<8192x768xf32, #tpu.memory_space<hbm>>
    tpu.enqueue_indirect_dma source(%dma_start3A_9 : memref<8192x768xf32, #tpu.memory_space<hbm>>) target(%arg12 : memref<64x768xf32, #tpu.memory_space<vmem>>) offsets(%arg8 : memref<64xi32, #tpu.memory_space<vmem>>) semaphore(%arg14 : memref<!tpu.dma_semaphore, #tpu.memory_space<semaphore_mem>>)
    "tpu.region"() ({
      %run_scoped3A = tpu.sem_alloc : memref<!tpu.dma_semaphore, #tpu.memory_space<semaphore_mem>>
      %dma_start3A_20 = arith.constant 0 : i32
      %dma_start3A_21 = tpu.memref_slice %arg4[%mul3A_2, %dma_start3A_20] : memref<2048x128xf32, #tpu.memory_space<hbm>> -> memref<64x128xf32, #tpu.memory_space<hbm>>
      %dma_start3A_22 = arith.constant 0 : i32
      %dma_start3A_23 = tpu.memref_slice %arg4[%mul3A_2, %dma_start3A_22] : memref<2048x128xf32, #tpu.memory_space<hbm>> -> memref<64x128xf32, #tpu.memory_space<hbm>>
      tpu.enqueue_dma source(%dma_start3A_23 : memref<64x128xf32, #tpu.memory_space<hbm>>) target(%arg9 : memref<64x128xf32, #tpu.memory_space<vmem>>) target_semaphore(%run_scoped3A : memref<!tpu.dma_semaphore, #tpu.memory_space<semaphore_mem>>)
      %dma_wait3A_24 = arith.constant 0 : i32
      %dma_wait3A_25 = tpu.memref_slice %arg4[%mul3A_2, %dma_wait3A_24] : memref<2048x128xf32, #tpu.memory_space<hbm>> -> memref<64x128xf32, #tpu.memory_space<hbm>>
      %dma_wait3A_26 = arith.constant 0 : i32
      %dma_wait3A_27 = tpu.memref_slice %arg4[%mul3A_2, %dma_wait3A_26] : memref<2048x128xf32, #tpu.memory_space<hbm>> -> memref<64x128xf32, #tpu.memory_space<hbm>>
      tpu.wait_dma2 semaphore(%run_scoped3A : memref<!tpu.dma_semaphore, #tpu.memory_space<semaphore_mem>>) src(%dma_wait3A_27 : memref<64x128xf32, #tpu.memory_space<hbm>>) dst(%arg9 : memref<64x128xf32, #tpu.memory_space<vmem>>)
      tpu.yield
    }) : () -> ()
    "tpu.region"() ({
      %run_scoped3A = tpu.sem_alloc : memref<!tpu.dma_semaphore, #tpu.memory_space<semaphore_mem>>
      %dma_start3A_20 = arith.constant 0 : i32
      %dma_start3A_21 = tpu.memref_slice %arg5[%mul3A_2, %dma_start3A_20] : memref<2048x128xf32, #tpu.memory_space<hbm>> -> memref<64x128xf32, #tpu.memory_space<hbm>>
      %dma_start3A_22 = arith.constant 0 : i32
      %dma_start3A_23 = tpu.memref_slice %arg5[%mul3A_2, %dma_start3A_22] : memref<2048x128xf32, #tpu.memory_space<hbm>> -> memref<64x128xf32, #tpu.memory_space<hbm>>
      tpu.enqueue_dma source(%dma_start3A_23 : memref<64x128xf32, #tpu.memory_space<hbm>>) target(%arg10 : memref<64x128xf32, #tpu.memory_space<vmem>>) target_semaphore(%run_scoped3A : memref<!tpu.dma_semaphore, #tpu.memory_space<semaphore_mem>>)
      %dma_wait3A_24 = arith.constant 0 : i32
      %dma_wait3A_25 = tpu.memref_slice %arg5[%mul3A_2, %dma_wait3A_24] : memref<2048x128xf32, #tpu.memory_space<hbm>> -> memref<64x128xf32, #tpu.memory_space<hbm>>
      %dma_wait3A_26 = arith.constant 0 : i32
      %dma_wait3A_27 = tpu.memref_slice %arg5[%mul3A_2, %dma_wait3A_26] : memref<2048x128xf32, #tpu.memory_space<hbm>> -> memref<64x128xf32, #tpu.memory_space<hbm>>
      tpu.wait_dma2 semaphore(%run_scoped3A : memref<!tpu.dma_semaphore, #tpu.memory_space<semaphore_mem>>) src(%dma_wait3A_27 : memref<64x128xf32, #tpu.memory_space<hbm>>) dst(%arg10 : memref<64x128xf32, #tpu.memory_space<vmem>>)
      tpu.yield
    }) : () -> ()
    %dma_wait3A = arith.constant 0 : i32
    %dma_wait3A_10 = arith.constant 0 : i32
    %dma_wait3A_11 = tpu.memref_slice %arg2[%dma_wait3A, %dma_wait3A_10] : memref<8192x768xf32, #tpu.memory_space<hbm>> -> memref<8192x768xf32, #tpu.memory_space<hbm>>
    tpu.wait_indirect_dma semaphore(%arg13 : memref<!tpu.dma_semaphore, #tpu.memory_space<semaphore_mem>>) src(%dma_wait3A_11 : memref<8192x768xf32, #tpu.memory_space<hbm>>) dst(%arg11 : memref<64x768xf32, #tpu.memory_space<vmem>>)
    %dma_wait3A_12 = arith.constant 0 : i32
    %dma_wait3A_13 = arith.constant 0 : i32
    %dma_wait3A_14 = tpu.memref_slice %arg2[%dma_wait3A_12, %dma_wait3A_13] : memref<8192x768xf32, #tpu.memory_space<hbm>> -> memref<8192x768xf32, #tpu.memory_space<hbm>>
    tpu.wait_indirect_dma semaphore(%arg14 : memref<!tpu.dma_semaphore, #tpu.memory_space<semaphore_mem>>) src(%dma_wait3A_14 : memref<8192x768xf32, #tpu.memory_space<hbm>>) dst(%arg12 : memref<64x768xf32, #tpu.memory_space<vmem>>)
    %scan3A = arith.constant 0 : i32
    %scan3A_15 = arith.constant 0 : i32
    %scan3A_16 = arith.constant 64 : i32
    %scan3A_17 = arith.addi %scan3A_15, %scan3A_16 : i32
    %scan3A_18 = arith.constant 1 : i32
    scf.for %scan3A_20 = %scan3A_15 to %scan3A_17 step %scan3A_18  : i32 {
      %get3A = arith.index_cast %scan3A_20 : i32 to index
      %get3A_21 = arith.constant 0 : index
      %get3A_22 = tpu.vector_load %arg9[%get3A, %get3A_21] {strides = array<i32>} : memref<64x128xf32, #tpu.memory_space<vmem>>, vector<1x16xf32>,
      %get3A_23 = vector.shape_cast %get3A_22 : vector<1x16xf32> to vector<16xf32>
      %get3A_24 = arith.index_cast %scan3A_20 : i32 to index
      %get3A_25 = arith.constant 0 : index
      %get3A_26 = tpu.vector_load %arg10[%get3A_24, %get3A_25] {strides = array<i32>} : memref<64x128xf32, #tpu.memory_space<vmem>>, vector<1x16xf32>,
      %get3A_27 = vector.shape_cast %get3A_26 : vector<1x16xf32> to vector<16xf32>
      %get3A_28 = arith.index_cast %scan3A_20 : i32 to index
      %get3A_29 = arith.constant 0 : index
      %get3A_30 = tpu.vector_load %arg11[%get3A_28, %get3A_29] {strides = array<i32>} : memref<64x768xf32, #tpu.memory_space<vmem>>, vector<1x16xf32>,
      %get3A_31 = vector.shape_cast %get3A_30 : vector<1x16xf32> to vector<16xf32>
      %mul3A_32 = arith.mulf %get3A_31, %get3A_23 : vector<16xf32>
      %get3A_33 = arith.index_cast %scan3A_20 : i32 to index
      %get3A_34 = arith.constant 0 : index
      %get3A_35 = tpu.vector_load %arg12[%get3A_33, %get3A_34] {strides = array<i32>} : memref<64x768xf32, #tpu.memory_space<vmem>>, vector<1x16xf32>,
      %get3A_36 = vector.shape_cast %get3A_35 : vector<1x16xf32> to vector<16xf32>
      %mul3A_37 = arith.mulf %get3A_36, %get3A_27 : vector<16xf32>
      %add3A_38 = arith.addf %mul3A_32, %mul3A_37 : vector<16xf32>
      %swap3A = arith.index_cast %scan3A_20 : i32 to index
      %swap3A_39 = arith.constant 0 : index
      %swap3A_40 = tpu.vector_load %arg11[%swap3A, %swap3A_39] {strides = array<i32>} : memref<64x768xf32, #tpu.memory_space<vmem>>, vector<1x16xf32>,
      %swap3A_41 = vector.shape_cast %swap3A_40 : vector<1x16xf32> to vector<16xf32>
      %swap3A_42 = vector.shape_cast %add3A_38 : vector<16xf32> to vector<1x16xf32>
      tpu.vector_store %arg11[%swap3A, %swap3A_39], %swap3A_42 {strides = array<i32>} : memref<64x768xf32, #tpu.memory_space<vmem>>, vector<1x16xf32>,
      %get3A_43 = arith.index_cast %scan3A_20 : i32 to index
      %get3A_44 = arith.constant 16 : index
      %get3A_45 = tpu.vector_load %arg11[%get3A_43, %get3A_44] {strides = array<i32>} : memref<64x768xf32, #tpu.memory_space<vmem>>, vector<1x16xf32>,
      %get3A_46 = vector.shape_cast %get3A_45 : vector<1x16xf32> to vector<16xf32>
      %mul3A_47 = arith.mulf %get3A_46, %get3A_23 : vector<16xf32>
      %get3A_48 = arith.index_cast %scan3A_20 : i32 to index
      %get3A_49 = arith.constant 16 : index
      %get3A_50 = tpu.vector_load %arg12[%get3A_48, %get3A_49] {strides = array<i32>} : memref<64x768xf32, #tpu.memory_space<vmem>>, vector<1x16xf32>,
      %get3A_51 = vector.shape_cast %get3A_50 : vector<1x16xf32> to vector<16xf32>
      %mul3A_52 = arith.mulf %get3A_51, %get3A_27 : vector<16xf32>
      %add3A_53 = arith.addf %mul3A_47, %mul3A_52 : vector<16xf32>
      %swap3A_54 = arith.index_cast %scan3A_20 : i32 to index
      %swap3A_55 = arith.constant 16 : index
      %swap3A_56 = tpu.vector_load %arg11[%swap3A_54, %swap3A_55] {strides = array<i32>} : memref<64x768xf32, #tpu.memory_space<vmem>>, vector<1x16xf32>,
      %swap3A_57 = vector.shape_cast %swap3A_56 : vector<1x16xf32> to vector<16xf32>
      %swap3A_58 = vector.shape_cast %add3A_53 : vector<16xf32> to vector<1x16xf32>
      tpu.vector_store %arg11[%swap3A_54, %swap3A_55], %swap3A_58 {strides = array<i32>} : memref<64x768xf32, #tpu.memory_space<vmem>>, vector<1x16xf32>,
      %get3A_59 = arith.index_cast %scan3A_20 : i32 to index
      %get3A_60 = arith.constant 32 : index
      %get3A_61 = tpu.vector_load %arg11[%get3A_59, %get3A_60] {strides = array<i32>} : memref<64x768xf32, #tpu.memory_space<vmem>>, vector<1x16xf32>,
      %get3A_62 = vector.shape_cast %get3A_61 : vector<1x16xf32> to vector<16xf32>
      %mul3A_63 = arith.mulf %get3A_62, %get3A_23 : vector<16xf32>
      %get3A_64 = arith.index_cast %scan3A_20 : i32 to index
      %get3A_65 = arith.constant 32 : index
      %get3A_66 = tpu.vector_load %arg12[%get3A_64, %get3A_65] {strides = array<i32>} : memref<64x768xf32, #tpu.memory_space<vmem>>, vector<1x16xf32>,
      %get3A_67 = vector.shape_cast %get3A_66 : vector<1x16xf32> to vector<16xf32>
      %mul3A_68 = arith.mulf %get3A_67, %get3A_27 : vector<16xf32>
      %add3A_69 = arith.addf %mul3A_63, %mul3A_68 : vector<16xf32>
      %swap3A_70 = arith.index_cast %scan3A_20 : i32 to index
      %swap3A_71 = arith.constant 32 : index
      %swap3A_72 = tpu.vector_load %arg11[%swap3A_70, %swap3A_71] {strides = array<i32>} : memref<64x768xf32, #tpu.memory_space<vmem>>, vector<1x16xf32>,
      %swap3A_73 = vector.shape_cast %swap3A_72 : vector<1x16xf32> to vector<16xf32>
      %swap3A_74 = vector.shape_cast %add3A_69 : vector<16xf32> to vector<1x16xf32>
      tpu.vector_store %arg11[%swap3A_70, %swap3A_71], %swap3A_74 {strides = array<i32>} : memref<64x768xf32, #tpu.memory_space<vmem>>, vector<1x16xf32>,
      %get3A_75 = arith.index_cast %scan3A_20 : i32 to index
      %get3A_76 = arith.constant 48 : index
      %get3A_77 = tpu.vector_load %arg11[%get3A_75, %get3A_76] {strides = array<i32>} : memref<64x768xf32, #tpu.memory_space<vmem>>, vector<1x16xf32>,
      %get3A_78 = vector.shape_cast %get3A_77 : vector<1x16xf32> to vector<16xf32>
      %mul3A_79 = arith.mulf %get3A_78, %get3A_23 : vector<16xf32>
      %get3A_80 = arith.index_cast %scan3A_20 : i32 to index
      %get3A_81 = arith.constant 48 : index
      %get3A_82 = tpu.vector_load %arg12[%get3A_80, %get3A_81] {strides = array<i32>} : memref<64x768xf32, #tpu.memory_space<vmem>>, vector<1x16xf32>,
      %get3A_83 = vector.shape_cast %get3A_82 : vector<1x16xf32> to vector<16xf32>
      %mul3A_84 = arith.mulf %get3A_83, %get3A_27 : vector<16xf32>
      %add3A_85 = arith.addf %mul3A_79, %mul3A_84 : vector<16xf32>
      %swap3A_86 = arith.index_cast %scan3A_20 : i32 to index
      %swap3A_87 = arith.constant 48 : index
      %swap3A_88 = tpu.vector_load %arg11[%swap3A_86, %swap3A_87] {strides = array<i32>} : memref<64x768xf32, #tpu.memory_space<vmem>>, vector<1x16xf32>,
      %swap3A_89 = vector.shape_cast %swap3A_88 : vector<1x16xf32> to vector<16xf32>
      %swap3A_90 = vector.shape_cast %add3A_85 : vector<16xf32> to vector<1x16xf32>
      tpu.vector_store %arg11[%swap3A_86, %swap3A_87], %swap3A_90 {strides = array<i32>} : memref<64x768xf32, #tpu.memory_space<vmem>>, vector<1x16xf32>,
      %get3A_91 = arith.index_cast %scan3A_20 : i32 to index
      %get3A_92 = arith.constant 64 : index
      %get3A_93 = tpu.vector_load %arg11[%get3A_91, %get3A_92] {strides = array<i32>} : memref<64x768xf32, #tpu.memory_space<vmem>>, vector<1x16xf32>,
      %get3A_94 = vector.shape_cast %get3A_93 : vector<1x16xf32> to vector<16xf32>
      %mul3A_95 = arith.mulf %get3A_94, %get3A_23 : vector<16xf32>
      %get3A_96 = arith.index_cast %scan3A_20 : i32 to index
      %get3A_97 = arith.constant 64 : index
      %get3A_98 = tpu.vector_load %arg12[%get3A_96, %get3A_97] {strides = array<i32>} : memref<64x768xf32, #tpu.memory_space<vmem>>, vector<1x16xf32>,
      %get3A_99 = vector.shape_cast %get3A_98 : vector<1x16xf32> to vector<16xf32>
      %mul3A_100 = arith.mulf %get3A_99, %get3A_27 : vector<16xf32>
      %add3A_101 = arith.addf %mul3A_95, %mul3A_100 : vector<16xf32>
      %swap3A_102 = arith.index_cast %scan3A_20 : i32 to index
      %swap3A_103 = arith.constant 64 : index
      %swap3A_104 = tpu.vector_load %arg11[%swap3A_102, %swap3A_103] {strides = array<i32>} : memref<64x768xf32, #tpu.memory_space<vmem>>, vector<1x16xf32>,
      %swap3A_105 = vector.shape_cast %swap3A_104 : vector<1x16xf32> to vector<16xf32>
      %swap3A_106 = vector.shape_cast %add3A_101 : vector<16xf32> to vector<1x16xf32>
      tpu.vector_store %arg11[%swap3A_102, %swap3A_103], %swap3A_106 {strides = array<i32>} : memref<64x768xf32, #tpu.memory_space<vmem>>, vector<1x16xf32>,
      %get3A_107 = arith.index_cast %scan3A_20 : i32 to index
      %get3A_108 = arith.constant 80 : index
      %get3A_109 = tpu.vector_load %arg11[%get3A_107, %get3A_108] {strides = array<i32>} : memref<64x768xf32, #tpu.memory_space<vmem>>, vector<1x16xf32>,
      %get3A_110 = vector.shape_cast %get3A_109 : vector<1x16xf32> to vector<16xf32>
      %mul3A_111 = arith.mulf %get3A_110, %get3A_23 : vector<16xf32>
      %get3A_112 = arith.index_cast %scan3A_20 : i32 to index
      %get3A_113 = arith.constant 80 : index
      %get3A_114 = tpu.vector_load %arg12[%get3A_112, %get3A_113] {strides = array<i32>} : memref<64x768xf32, #tpu.memory_space<vmem>>, vector<1x16xf32>,
      %get3A_115 = vector.shape_cast %get3A_114 : vector<1x16xf32> to vector<16xf32>
      %mul3A_116 = arith.mulf %get3A_115, %get3A_27 : vector<16xf32>
      %add3A_117 = arith.addf %mul3A_111, %mul3A_116 : vector<16xf32>
      %swap3A_118 = arith.index_cast %scan3A_20 : i32 to index
      %swap3A_119 = arith.constant 80 : index
      %swap3A_120 = tpu.vector_load %arg11[%swap3A_118, %swap3A_119] {strides = array<i32>} : memref<64x768xf32, #tpu.memory_space<vmem>>, vector<1x16xf32>,
      %swap3A_121 = vector.shape_cast %swap3A_120 : vector<1x16xf32> to vector<16xf32>
      %swap3A_122 = vector.shape_cast %add3A_117 : vector<16xf32> to vector<1x16xf32>
      tpu.vector_store %arg11[%swap3A_118, %swap3A_119], %swap3A_122 {strides = array<i32>} : memref<64x768xf32, #tpu.memory_space<vmem>>, vector<1x16xf32>,
      %get3A_123 = arith.index_cast %scan3A_20 : i32 to index
      %get3A_124 = arith.constant 96 : index
      %get3A_125 = tpu.vector_load %arg11[%get3A_123, %get3A_124] {strides = array<i32>} : memref<64x768xf32, #tpu.memory_space<vmem>>, vector<1x16xf32>,
      %get3A_126 = vector.shape_cast %get3A_125 : vector<1x16xf32> to vector<16xf32>
      %mul3A_127 = arith.mulf %get3A_126, %get3A_23 : vector<16xf32>
      %get3A_128 = arith.index_cast %scan3A_20 : i32 to index
      %get3A_129 = arith.constant 96 : index
      %get3A_130 = tpu.vector_load %arg12[%get3A_128, %get3A_129] {strides = array<i32>} : memref<64x768xf32, #tpu.memory_space<vmem>>, vector<1x16xf32>,
      %get3A_131 = vector.shape_cast %get3A_130 : vector<1x16xf32> to vector<16xf32>
      %mul3A_132 = arith.mulf %get3A_131, %get3A_27 : vector<16xf32>
      %add3A_133 = arith.addf %mul3A_127, %mul3A_132 : vector<16xf32>
      %swap3A_134 = arith.index_cast %scan3A_20 : i32 to index
      %swap3A_135 = arith.constant 96 : index
      %swap3A_136 = tpu.vector_load %arg11[%swap3A_134, %swap3A_135] {strides = array<i32>} : memref<64x768xf32, #tpu.memory_space<vmem>>, vector<1x16xf32>,
      %swap3A_137 = vector.shape_cast %swap3A_136 : vector<1x16xf32> to vector<16xf32>
      %swap3A_138 = vector.shape_cast %add3A_133 : vector<16xf32> to vector<1x16xf32>
      tpu.vector_store %arg11[%swap3A_134, %swap3A_135], %swap3A_138 {strides = array<i32>} : memref<64x768xf32, #tpu.memory_space<vmem>>, vector<1x16xf32>,
      %get3A_139 = arith.index_cast %scan3A_20 : i32 to index
      %get3A_140 = arith.constant 112 : index
      %get3A_141 = tpu.vector_load %arg11[%get3A_139, %get3A_140] {strides = array<i32>} : memref<64x768xf32, #tpu.memory_space<vmem>>, vector<1x16xf32>,
      %get3A_142 = vector.shape_cast %get3A_141 : vector<1x16xf32> to vector<16xf32>
      %mul3A_143 = arith.mulf %get3A_142, %get3A_23 : vector<16xf32>
      %get3A_144 = arith.index_cast %scan3A_20 : i32 to index
      %get3A_145 = arith.constant 112 : index
      %get3A_146 = tpu.vector_load %arg12[%get3A_144, %get3A_145] {strides = array<i32>} : memref<64x768xf32, #tpu.memory_space<vmem>>, vector<1x16xf32>,
      %get3A_147 = vector.shape_cast %get3A_146 : vector<1x16xf32> to vector<16xf32>
      %mul3A_148 = arith.mulf %get3A_147, %get3A_27 : vector<16xf32>
      %add3A_149 = arith.addf %mul3A_143, %mul3A_148 : vector<16xf32>
      %swap3A_150 = arith.index_cast %scan3A_20 : i32 to index
      %swap3A_151 = arith.constant 112 : index
      %swap3A_152 = tpu.vector_load %arg11[%swap3A_150, %swap3A_151] {strides = array<i32>} : memref<64x768xf32, #tpu.memory_space<vmem>>, vector<1x16xf32>,
      %swap3A_153 = vector.shape_cast %swap3A_152 : vector<1x16xf32> to vector<16xf32>
      %swap3A_154 = vector.shape_cast %add3A_149 : vector<16xf32> to vector<1x16xf32>
      tpu.vector_store %arg11[%swap3A_150, %swap3A_151], %swap3A_154 {strides = array<i32>} : memref<64x768xf32, #tpu.memory_space<vmem>>, vector<1x16xf32>,
      %get3A_155 = arith.index_cast %scan3A_20 : i32 to index
      %get3A_156 = arith.constant 128 : index
      %get3A_157 = tpu.vector_load %arg11[%get3A_155, %get3A_156] {strides = array<i32>} : memref<64x768xf32, #tpu.memory_space<vmem>>, vector<1x16xf32>,
      %get3A_158 = vector.shape_cast %get3A_157 : vector<1x16xf32> to vector<16xf32>
      %mul3A_159 = arith.mulf %get3A_158, %get3A_23 : vector<16xf32>
      %get3A_160 = arith.index_cast %scan3A_20 : i32 to index
      %get3A_161 = arith.constant 128 : index
      %get3A_162 = tpu.vector_load %arg12[%get3A_160, %get3A_161] {strides = array<i32>} : memref<64x768xf32, #tpu.memory_space<vmem>>, vector<1x16xf32>,
      %get3A_163 = vector.shape_cast %get3A_162 : vector<1x16xf32> to vector<16xf32>
      %mul3A_164 = arith.mulf %get3A_163, %get3A_27 : vector<16xf32>
      %add3A_165 = arith.addf %mul3A_159, %mul3A_164 : vector<16xf32>
      %swap3A_166 = arith.index_cast %scan3A_20 : i32 to index
      %swap3A_167 = arith.constant 128 : index
      %swap3A_168 = tpu.vector_load %arg11[%swap3A_166, %swap3A_167] {strides = array<i32>} : memref<64x768xf32, #tpu.memory_space<vmem>>, vector<1x16xf32>,
      %swap3A_169 = vector.shape_cast %swap3A_168 : vector<1x16xf32> to vector<16xf32>
      %swap3A_170 = vector.shape_cast %add3A_165 : vector<16xf32> to vector<1x16xf32>
      tpu.vector_store %arg11[%swap3A_166, %swap3A_167], %swap3A_170 {strides = array<i32>} : memref<64x768xf32, #tpu.memory_space<vmem>>, vector<1x16xf32>,
      %get3A_171 = arith.index_cast %scan3A_20 : i32 to index
      %get3A_172 = arith.constant 144 : index
      %get3A_173 = tpu.vector_load %arg11[%get3A_171, %get3A_172] {strides = array<i32>} : memref<64x768xf32, #tpu.memory_space<vmem>>, vector<1x16xf32>,
      %get3A_174 = vector.shape_cast %get3A_173 : vector<1x16xf32> to vector<16xf32>
      %mul3A_175 = arith.mulf %get3A_174, %get3A_23 : vector<16xf32>
      %get3A_176 = arith.index_cast %scan3A_20 : i32 to index
      %get3A_177 = arith.constant 144 : index
      %get3A_178 = tpu.vector_load %arg12[%get3A_176, %get3A_177] {strides = array<i32>} : memref<64x768xf32, #tpu.memory_space<vmem>>, vector<1x16xf32>,
      %get3A_179 = vector.shape_cast %get3A_178 : vector<1x16xf32> to vector<16xf32>
      %mul3A_180 = arith.mulf %get3A_179, %get3A_27 : vector<16xf32>
      %add3A_181 = arith.addf %mul3A_175, %mul3A_180 : vector<16xf32>
      %swap3A_182 = arith.index_cast %scan3A_20 : i32 to index
      %swap3A_183 = arith.constant 144 : index
      %swap3A_184 = tpu.vector_load %arg11[%swap3A_182, %swap3A_183] {strides = array<i32>} : memref<64x768xf32, #tpu.memory_space<vmem>>, vector<1x16xf32>,
      %swap3A_185 = vector.shape_cast %swap3A_184 : vector<1x16xf32> to vector<16xf32>
      %swap3A_186 = vector.shape_cast %add3A_181 : vector<16xf32> to vector<1x16xf32>
      tpu.vector_store %arg11[%swap3A_182, %swap3A_183], %swap3A_186 {strides = array<i32>} : memref<64x768xf32, #tpu.memory_space<vmem>>, vector<1x16xf32>,
      %get3A_187 = arith.index_cast %scan3A_20 : i32 to index
      %get3A_188 = arith.constant 160 : index
      %get3A_189 = tpu.vector_load %arg11[%get3A_187, %get3A_188] {strides = array<i32>} : memref<64x768xf32, #tpu.memory_space<vmem>>, vector<1x16xf32>,
      %get3A_190 = vector.shape_cast %get3A_189 : vector<1x16xf32> to vector<16xf32>
      %mul3A_191 = arith.mulf %get3A_190, %get3A_23 : vector<16xf32>
      %get3A_192 = arith.index_cast %scan3A_20 : i32 to index
      %get3A_193 = arith.constant 160 : index
      %get3A_194 = tpu.vector_load %arg12[%get3A_192, %get3A_193] {strides = array<i32>} : memref<64x768xf32, #tpu.memory_space<vmem>>, vector<1x16xf32>,
      %get3A_195 = vector.shape_cast %get3A_194 : vector<1x16xf32> to vector<16xf32>
      %mul3A_196 = arith.mulf %get3A_195, %get3A_27 : vector<16xf32>
      %add3A_197 = arith.addf %mul3A_191, %mul3A_196 : vector<16xf32>
      %swap3A_198 = arith.index_cast %scan3A_20 : i32 to index
      %swap3A_199 = arith.constant 160 : index
      %swap3A_200 = tpu.vector_load %arg11[%swap3A_198, %swap3A_199] {strides = array<i32>} : memref<64x768xf32, #tpu.memory_space<vmem>>, vector<1x16xf32>,
      %swap3A_201 = vector.shape_cast %swap3A_200 : vector<1x16xf32> to vector<16xf32>
      %swap3A_202 = vector.shape_cast %add3A_197 : vector<16xf32> to vector<1x16xf32>
      tpu.vector_store %arg11[%swap3A_198, %swap3A_199], %swap3A_202 {strides = array<i32>} : memref<64x768xf32, #tpu.memory_space<vmem>>, vector<1x16xf32>,
      %get3A_203 = arith.index_cast %scan3A_20 : i32 to index
      %get3A_204 = arith.constant 176 : index
      %get3A_205 = tpu.vector_load %arg11[%get3A_203, %get3A_204] {strides = array<i32>} : memref<64x768xf32, #tpu.memory_space<vmem>>, vector<1x16xf32>,
      %get3A_206 = vector.shape_cast %get3A_205 : vector<1x16xf32> to vector<16xf32>
      %mul3A_207 = arith.mulf %get3A_206, %get3A_23 : vector<16xf32>
      %get3A_208 = arith.index_cast %scan3A_20 : i32 to index
      %get3A_209 = arith.constant 176 : index
      %get3A_210 = tpu.vector_load %arg12[%get3A_208, %get3A_209] {strides = array<i32>} : memref<64x768xf32, #tpu.memory_space<vmem>>, vector<1x16xf32>,
      %get3A_211 = vector.shape_cast %get3A_210 : vector<1x16xf32> to vector<16xf32>
      %mul3A_212 = arith.mulf %get3A_211, %get3A_27 : vector<16xf32>
      %add3A_213 = arith.addf %mul3A_207, %mul3A_212 : vector<16xf32>
      %swap3A_214 = arith.index_cast %scan3A_20 : i32 to index
      %swap3A_215 = arith.constant 176 : index
      %swap3A_216 = tpu.vector_load %arg11[%swap3A_214, %swap3A_215] {strides = array<i32>} : memref<64x768xf32, #tpu.memory_space<vmem>>, vector<1x16xf32>,
      %swap3A_217 = vector.shape_cast %swap3A_216 : vector<1x16xf32> to vector<16xf32>
      %swap3A_218 = vector.shape_cast %add3A_213 : vector<16xf32> to vector<1x16xf32>
      tpu.vector_store %arg11[%swap3A_214, %swap3A_215], %swap3A_218 {strides = array<i32>} : memref<64x768xf32, #tpu.memory_space<vmem>>, vector<1x16xf32>,
      %get3A_219 = arith.index_cast %scan3A_20 : i32 to index
      %get3A_220 = arith.constant 192 : index
      %get3A_221 = tpu.vector_load %arg11[%get3A_219, %get3A_220] {strides = array<i32>} : memref<64x768xf32, #tpu.memory_space<vmem>>, vector<1x16xf32>,
      %get3A_222 = vector.shape_cast %get3A_221 : vector<1x16xf32> to vector<16xf32>
      %mul3A_223 = arith.mulf %get3A_222, %get3A_23 : vector<16xf32>
      %get3A_224 = arith.index_cast %scan3A_20 : i32 to index
      %get3A_225 = arith.constant 192 : index
      %get3A_226 = tpu.vector_load %arg12[%get3A_224, %get3A_225] {strides = array<i32>} : memref<64x768xf32, #tpu.memory_space<vmem>>, vector<1x16xf32>,
      %get3A_227 = vector.shape_cast %get3A_226 : vector<1x16xf32> to vector<16xf32>
      %mul3A_228 = arith.mulf %get3A_227, %get3A_27 : vector<16xf32>
      %add3A_229 = arith.addf %mul3A_223, %mul3A_228 : vector<16xf32>
      %swap3A_230 = arith.index_cast %scan3A_20 : i32 to index
      %swap3A_231 = arith.constant 192 : index
      %swap3A_232 = tpu.vector_load %arg11[%swap3A_230, %swap3A_231] {strides = array<i32>} : memref<64x768xf32, #tpu.memory_space<vmem>>, vector<1x16xf32>,
      %swap3A_233 = vector.shape_cast %swap3A_232 : vector<1x16xf32> to vector<16xf32>
      %swap3A_234 = vector.shape_cast %add3A_229 : vector<16xf32> to vector<1x16xf32>
      tpu.vector_store %arg11[%swap3A_230, %swap3A_231], %swap3A_234 {strides = array<i32>} : memref<64x768xf32, #tpu.memory_space<vmem>>, vector<1x16xf32>,
      %get3A_235 = arith.index_cast %scan3A_20 : i32 to index
      %get3A_236 = arith.constant 208 : index
      %get3A_237 = tpu.vector_load %arg11[%get3A_235, %get3A_236] {strides = array<i32>} : memref<64x768xf32, #tpu.memory_space<vmem>>, vector<1x16xf32>,
      %get3A_238 = vector.shape_cast %get3A_237 : vector<1x16xf32> to vector<16xf32>
      %mul3A_239 = arith.mulf %get3A_238, %get3A_23 : vector<16xf32>
      %get3A_240 = arith.index_cast %scan3A_20 : i32 to index
      %get3A_241 = arith.constant 208 : index
      %get3A_242 = tpu.vector_load %arg12[%get3A_240, %get3A_241] {strides = array<i32>} : memref<64x768xf32, #tpu.memory_space<vmem>>, vector<1x16xf32>,
      %get3A_243 = vector.shape_cast %get3A_242 : vector<1x16xf32> to vector<16xf32>
      %mul3A_244 = arith.mulf %get3A_243, %get3A_27 : vector<16xf32>
      %add3A_245 = arith.addf %mul3A_239, %mul3A_244 : vector<16xf32>
      %swap3A_246 = arith.index_cast %scan3A_20 : i32 to index
      %swap3A_247 = arith.constant 208 : index
      %swap3A_248 = tpu.vector_load %arg11[%swap3A_246, %swap3A_247] {strides = array<i32>} : memref<64x768xf32, #tpu.memory_space<vmem>>, vector<1x16xf32>,
      %swap3A_249 = vector.shape_cast %swap3A_248 : vector<1x16xf32> to vector<16xf32>
      %swap3A_250 = vector.shape_cast %add3A_245 : vector<16xf32> to vector<1x16xf32>
      tpu.vector_store %arg11[%swap3A_246, %swap3A_247], %swap3A_250 {strides = array<i32>} : memref<64x768xf32, #tpu.memory_space<vmem>>, vector<1x16xf32>,
      %get3A_251 = arith.index_cast %scan3A_20 : i32 to index
      %get3A_252 = arith.constant 224 : index
      %get3A_253 = tpu.vector_load %arg11[%get3A_251, %get3A_252] {strides = array<i32>} : memref<64x768xf32, #tpu.memory_space<vmem>>, vector<1x16xf32>,
      %get3A_254 = vector.shape_cast %get3A_253 : vector<1x16xf32> to vector<16xf32>
      %mul3A_255 = arith.mulf %get3A_254, %get3A_23 : vector<16xf32>
      %get3A_256 = arith.index_cast %scan3A_20 : i32 to index
      %get3A_257 = arith.constant 224 : index
      %get3A_258 = tpu.vector_load %arg12[%get3A_256, %get3A_257] {strides = array<i32>} : memref<64x768xf32, #tpu.memory_space<vmem>>, vector<1x16xf32>,
      %get3A_259 = vector.shape_cast %get3A_258 : vector<1x16xf32> to vector<16xf32>
      %mul3A_260 = arith.mulf %get3A_259, %get3A_27 : vector<16xf32>
      %add3A_261 = arith.addf %mul3A_255, %mul3A_260 : vector<16xf32>
      %swap3A_262 = arith.index_cast %scan3A_20 : i32 to index
      %swap3A_263 = arith.constant 224 : index
      %swap3A_264 = tpu.vector_load %arg11[%swap3A_262, %swap3A_263] {strides = array<i32>} : memref<64x768xf32, #tpu.memory_space<vmem>>, vector<1x16xf32>,
      %swap3A_265 = vector.shape_cast %swap3A_264 : vector<1x16xf32> to vector<16xf32>
      %swap3A_266 = vector.shape_cast %add3A_261 : vector<16xf32> to vector<1x16xf32>
      tpu.vector_store %arg11[%swap3A_262, %swap3A_263], %swap3A_266 {strides = array<i32>} : memref<64x768xf32, #tpu.memory_space<vmem>>, vector<1x16xf32>,
      %get3A_267 = arith.index_cast %scan3A_20 : i32 to index
      %get3A_268 = arith.constant 240 : index
      %get3A_269 = tpu.vector_load %arg11[%get3A_267, %get3A_268] {strides = array<i32>} : memref<64x768xf32, #tpu.memory_space<vmem>>, vector<1x16xf32>,
      %get3A_270 = vector.shape_cast %get3A_269 : vector<1x16xf32> to vector<16xf32>
      %mul3A_271 = arith.mulf %get3A_270, %get3A_23 : vector<16xf32>
      %get3A_272 = arith.index_cast %scan3A_20 : i32 to index
      %get3A_273 = arith.constant 240 : index
      %get3A_274 = tpu.vector_load %arg12[%get3A_272, %get3A_273] {strides = array<i32>} : memref<64x768xf32, #tpu.memory_space<vmem>>, vector<1x16xf32>,
      %get3A_275 = vector.shape_cast %get3A_274 : vector<1x16xf32> to vector<16xf32>
      %mul3A_276 = arith.mulf %get3A_275, %get3A_27 : vector<16xf32>
      %add3A_277 = arith.addf %mul3A_271, %mul3A_276 : vector<16xf32>
      %swap3A_278 = arith.index_cast %scan3A_20 : i32 to index
      %swap3A_279 = arith.constant 240 : index
      %swap3A_280 = tpu.vector_load %arg11[%swap3A_278, %swap3A_279] {strides = array<i32>} : memref<64x768xf32, #tpu.memory_space<vmem>>, vector<1x16xf32>,
      %swap3A_281 = vector.shape_cast %swap3A_280 : vector<1x16xf32> to vector<16xf32>
      %swap3A_282 = vector.shape_cast %add3A_277 : vector<16xf32> to vector<1x16xf32>
      tpu.vector_store %arg11[%swap3A_278, %swap3A_279], %swap3A_282 {strides = array<i32>} : memref<64x768xf32, #tpu.memory_space<vmem>>, vector<1x16xf32>,
      %get3A_283 = arith.index_cast %scan3A_20 : i32 to index
      %get3A_284 = arith.constant 256 : index
      %get3A_285 = tpu.vector_load %arg11[%get3A_283, %get3A_284] {strides = array<i32>} : memref<64x768xf32, #tpu.memory_space<vmem>>, vector<1x16xf32>,
      %get3A_286 = vector.shape_cast %get3A_285 : vector<1x16xf32> to vector<16xf32>
      %mul3A_287 = arith.mulf %get3A_286, %get3A_23 : vector<16xf32>
      %get3A_288 = arith.index_cast %scan3A_20 : i32 to index
      %get3A_289 = arith.constant 256 : index
      %get3A_290 = tpu.vector_load %arg12[%get3A_288, %get3A_289] {strides = array<i32>} : memref<64x768xf32, #tpu.memory_space<vmem>>, vector<1x16xf32>,
      %get3A_291 = vector.shape_cast %get3A_290 : vector<1x16xf32> to vector<16xf32>
      %mul3A_292 = arith.mulf %get3A_291, %get3A_27 : vector<16xf32>
      %add3A_293 = arith.addf %mul3A_287, %mul3A_292 : vector<16xf32>
      %swap3A_294 = arith.index_cast %scan3A_20 : i32 to index
      %swap3A_295 = arith.constant 256 : index
      %swap3A_296 = tpu.vector_load %arg11[%swap3A_294, %swap3A_295] {strides = array<i32>} : memref<64x768xf32, #tpu.memory_space<vmem>>, vector<1x16xf32>,
      %swap3A_297 = vector.shape_cast %swap3A_296 : vector<1x16xf32> to vector<16xf32>
      %swap3A_298 = vector.shape_cast %add3A_293 : vector<16xf32> to vector<1x16xf32>
      tpu.vector_store %arg11[%swap3A_294, %swap3A_295], %swap3A_298 {strides = array<i32>} : memref<64x768xf32, #tpu.memory_space<vmem>>, vector<1x16xf32>,
      %get3A_299 = arith.index_cast %scan3A_20 : i32 to index
      %get3A_300 = arith.constant 272 : index
      %get3A_301 = tpu.vector_load %arg11[%get3A_299, %get3A_300] {strides = array<i32>} : memref<64x768xf32, #tpu.memory_space<vmem>>, vector<1x16xf32>,
      %get3A_302 = vector.shape_cast %get3A_301 : vector<1x16xf32> to vector<16xf32>
      %mul3A_303 = arith.mulf %get3A_302, %get3A_23 : vector<16xf32>
      %get3A_304 = arith.index_cast %scan3A_20 : i32 to index
      %get3A_305 = arith.constant 272 : index
      %get3A_306 = tpu.vector_load %arg12[%get3A_304, %get3A_305] {strides = array<i32>} : memref<64x768xf32, #tpu.memory_space<vmem>>, vector<1x16xf32>,
      %get3A_307 = vector.shape_cast %get3A_306 : vector<1x16xf32> to vector<16xf32>
      %mul3A_308 = arith.mulf %get3A_307, %get3A_27 : vector<16xf32>
      %add3A_309 = arith.addf %mul3A_303, %mul3A_308 : vector<16xf32>
      %swap3A_310 = arith.index_cast %scan3A_20 : i32 to index
      %swap3A_311 = arith.constant 272 : index
      %swap3A_312 = tpu.vector_load %arg11[%swap3A_310, %swap3A_311] {strides = array<i32>} : memref<64x768xf32, #tpu.memory_space<vmem>>, vector<1x16xf32>,
      %swap3A_313 = vector.shape_cast %swap3A_312 : vector<1x16xf32> to vector<16xf32>
      %swap3A_314 = vector.shape_cast %add3A_309 : vector<16xf32> to vector<1x16xf32>
      tpu.vector_store %arg11[%swap3A_310, %swap3A_311], %swap3A_314 {strides = array<i32>} : memref<64x768xf32, #tpu.memory_space<vmem>>, vector<1x16xf32>,
      %get3A_315 = arith.index_cast %scan3A_20 : i32 to index
      %get3A_316 = arith.constant 288 : index
      %get3A_317 = tpu.vector_load %arg11[%get3A_315, %get3A_316] {strides = array<i32>} : memref<64x768xf32, #tpu.memory_space<vmem>>, vector<1x16xf32>,
      %get3A_318 = vector.shape_cast %get3A_317 : vector<1x16xf32> to vector<16xf32>
      %mul3A_319 = arith.mulf %get3A_318, %get3A_23 : vector<16xf32>
      %get3A_320 = arith.index_cast %scan3A_20 : i32 to index
      %get3A_321 = arith.constant 288 : index
      %get3A_322 = tpu.vector_load %arg12[%get3A_320, %get3A_321] {strides = array<i32>} : memref<64x768xf32, #tpu.memory_space<vmem>>, vector<1x16xf32>,
      %get3A_323 = vector.shape_cast %get3A_322 : vector<1x16xf32> to vector<16xf32>
      %mul3A_324 = arith.mulf %get3A_323, %get3A_27 : vector<16xf32>
      %add3A_325 = arith.addf %mul3A_319, %mul3A_324 : vector<16xf32>
      %swap3A_326 = arith.index_cast %scan3A_20 : i32 to index
      %swap3A_327 = arith.constant 288 : index
      %swap3A_328 = tpu.vector_load %arg11[%swap3A_326, %swap3A_327] {strides = array<i32>} : memref<64x768xf32, #tpu.memory_space<vmem>>, vector<1x16xf32>,
      %swap3A_329 = vector.shape_cast %swap3A_328 : vector<1x16xf32> to vector<16xf32>
      %swap3A_330 = vector.shape_cast %add3A_325 : vector<16xf32> to vector<1x16xf32>
      tpu.vector_store %arg11[%swap3A_326, %swap3A_327], %swap3A_330 {strides = array<i32>} : memref<64x768xf32, #tpu.memory_space<vmem>>, vector<1x16xf32>,
      %get3A_331 = arith.index_cast %scan3A_20 : i32 to index
      %get3A_332 = arith.constant 304 : index
      %get3A_333 = tpu.vector_load %arg11[%get3A_331, %get3A_332] {strides = array<i32>} : memref<64x768xf32, #tpu.memory_space<vmem>>, vector<1x16xf32>,
      %get3A_334 = vector.shape_cast %get3A_333 : vector<1x16xf32> to vector<16xf32>
      %mul3A_335 = arith.mulf %get3A_334, %get3A_23 : vector<16xf32>
      %get3A_336 = arith.index_cast %scan3A_20 : i32 to index
      %get3A_337 = arith.constant 304 : index
      %get3A_338 = tpu.vector_load %arg12[%get3A_336, %get3A_337] {strides = array<i32>} : memref<64x768xf32, #tpu.memory_space<vmem>>, vector<1x16xf32>,
      %get3A_339 = vector.shape_cast %get3A_338 : vector<1x16xf32> to vector<16xf32>
      %mul3A_340 = arith.mulf %get3A_339, %get3A_27 : vector<16xf32>
      %add3A_341 = arith.addf %mul3A_335, %mul3A_340 : vector<16xf32>
      %swap3A_342 = arith.index_cast %scan3A_20 : i32 to index
      %swap3A_343 = arith.constant 304 : index
      %swap3A_344 = tpu.vector_load %arg11[%swap3A_342, %swap3A_343] {strides = array<i32>} : memref<64x768xf32, #tpu.memory_space<vmem>>, vector<1x16xf32>,
      %swap3A_345 = vector.shape_cast %swap3A_344 : vector<1x16xf32> to vector<16xf32>
      %swap3A_346 = vector.shape_cast %add3A_341 : vector<16xf32> to vector<1x16xf32>
      tpu.vector_store %arg11[%swap3A_342, %swap3A_343], %swap3A_346 {strides = array<i32>} : memref<64x768xf32, #tpu.memory_space<vmem>>, vector<1x16xf32>,
      %get3A_347 = arith.index_cast %scan3A_20 : i32 to index
      %get3A_348 = arith.constant 320 : index
      %get3A_349 = tpu.vector_load %arg11[%get3A_347, %get3A_348] {strides = array<i32>} : memref<64x768xf32, #tpu.memory_space<vmem>>, vector<1x16xf32>,
      %get3A_350 = vector.shape_cast %get3A_349 : vector<1x16xf32> to vector<16xf32>
      %mul3A_351 = arith.mulf %get3A_350, %get3A_23 : vector<16xf32>
      %get3A_352 = arith.index_cast %scan3A_20 : i32 to index
      %get3A_353 = arith.constant 320 : index
      %get3A_354 = tpu.vector_load %arg12[%get3A_352, %get3A_353] {strides = array<i32>} : memref<64x768xf32, #tpu.memory_space<vmem>>, vector<1x16xf32>,
      %get3A_355 = vector.shape_cast %get3A_354 : vector<1x16xf32> to vector<16xf32>
      %mul3A_356 = arith.mulf %get3A_355, %get3A_27 : vector<16xf32>
      %add3A_357 = arith.addf %mul3A_351, %mul3A_356 : vector<16xf32>
      %swap3A_358 = arith.index_cast %scan3A_20 : i32 to index
      %swap3A_359 = arith.constant 320 : index
      %swap3A_360 = tpu.vector_load %arg11[%swap3A_358, %swap3A_359] {strides = array<i32>} : memref<64x768xf32, #tpu.memory_space<vmem>>, vector<1x16xf32>,
      %swap3A_361 = vector.shape_cast %swap3A_360 : vector<1x16xf32> to vector<16xf32>
      %swap3A_362 = vector.shape_cast %add3A_357 : vector<16xf32> to vector<1x16xf32>
      tpu.vector_store %arg11[%swap3A_358, %swap3A_359], %swap3A_362 {strides = array<i32>} : memref<64x768xf32, #tpu.memory_space<vmem>>, vector<1x16xf32>,
      %get3A_363 = arith.index_cast %scan3A_20 : i32 to index
      %get3A_364 = arith.constant 336 : index
      %get3A_365 = tpu.vector_load %arg11[%get3A_363, %get3A_364] {strides = array<i32>} : memref<64x768xf32, #tpu.memory_space<vmem>>, vector<1x16xf32>,
      %get3A_366 = vector.shape_cast %get3A_365 : vector<1x16xf32> to vector<16xf32>
      %mul3A_367 = arith.mulf %get3A_366, %get3A_23 : vector<16xf32>
      %get3A_368 = arith.index_cast %scan3A_20 : i32 to index
      %get3A_369 = arith.constant 336 : index
      %get3A_370 = tpu.vector_load %arg12[%get3A_368, %get3A_369] {strides = array<i32>} : memref<64x768xf32, #tpu.memory_space<vmem>>, vector<1x16xf32>,
      %get3A_371 = vector.shape_cast %get3A_370 : vector<1x16xf32> to vector<16xf32>
      %mul3A_372 = arith.mulf %get3A_371, %get3A_27 : vector<16xf32>
      %add3A_373 = arith.addf %mul3A_367, %mul3A_372 : vector<16xf32>
      %swap3A_374 = arith.index_cast %scan3A_20 : i32 to index
      %swap3A_375 = arith.constant 336 : index
      %swap3A_376 = tpu.vector_load %arg11[%swap3A_374, %swap3A_375] {strides = array<i32>} : memref<64x768xf32, #tpu.memory_space<vmem>>, vector<1x16xf32>,
      %swap3A_377 = vector.shape_cast %swap3A_376 : vector<1x16xf32> to vector<16xf32>
      %swap3A_378 = vector.shape_cast %add3A_373 : vector<16xf32> to vector<1x16xf32>
      tpu.vector_store %arg11[%swap3A_374, %swap3A_375], %swap3A_378 {strides = array<i32>} : memref<64x768xf32, #tpu.memory_space<vmem>>, vector<1x16xf32>,
      %get3A_379 = arith.index_cast %scan3A_20 : i32 to index
      %get3A_380 = arith.constant 352 : index
      %get3A_381 = tpu.vector_load %arg11[%get3A_379, %get3A_380] {strides = array<i32>} : memref<64x768xf32, #tpu.memory_space<vmem>>, vector<1x16xf32>,
      %get3A_382 = vector.shape_cast %get3A_381 : vector<1x16xf32> to vector<16xf32>
      %mul3A_383 = arith.mulf %get3A_382, %get3A_23 : vector<16xf32>
      %get3A_384 = arith.index_cast %scan3A_20 : i32 to index
      %get3A_385 = arith.constant 352 : index
      %get3A_386 = tpu.vector_load %arg12[%get3A_384, %get3A_385] {strides = array<i32>} : memref<64x768xf32, #tpu.memory_space<vmem>>, vector<1x16xf32>,
      %get3A_387 = vector.shape_cast %get3A_386 : vector<1x16xf32> to vector<16xf32>
      %mul3A_388 = arith.mulf %get3A_387, %get3A_27 : vector<16xf32>
      %add3A_389 = arith.addf %mul3A_383, %mul3A_388 : vector<16xf32>
      %swap3A_390 = arith.index_cast %scan3A_20 : i32 to index
      %swap3A_391 = arith.constant 352 : index
      %swap3A_392 = tpu.vector_load %arg11[%swap3A_390, %swap3A_391] {strides = array<i32>} : memref<64x768xf32, #tpu.memory_space<vmem>>, vector<1x16xf32>,
      %swap3A_393 = vector.shape_cast %swap3A_392 : vector<1x16xf32> to vector<16xf32>
      %swap3A_394 = vector.shape_cast %add3A_389 : vector<16xf32> to vector<1x16xf32>
      tpu.vector_store %arg11[%swap3A_390, %swap3A_391], %swap3A_394 {strides = array<i32>} : memref<64x768xf32, #tpu.memory_space<vmem>>, vector<1x16xf32>,
      %get3A_395 = arith.index_cast %scan3A_20 : i32 to index
      %get3A_396 = arith.constant 368 : index
      %get3A_397 = tpu.vector_load %arg11[%get3A_395, %get3A_396] {strides = array<i32>} : memref<64x768xf32, #tpu.memory_space<vmem>>, vector<1x16xf32>,
      %get3A_398 = vector.shape_cast %get3A_397 : vector<1x16xf32> to vector<16xf32>
      %mul3A_399 = arith.mulf %get3A_398, %get3A_23 : vector<16xf32>
      %get3A_400 = arith.index_cast %scan3A_20 : i32 to index
      %get3A_401 = arith.constant 368 : index
      %get3A_402 = tpu.vector_load %arg12[%get3A_400, %get3A_401] {strides = array<i32>} : memref<64x768xf32, #tpu.memory_space<vmem>>, vector<1x16xf32>,
      %get3A_403 = vector.shape_cast %get3A_402 : vector<1x16xf32> to vector<16xf32>
      %mul3A_404 = arith.mulf %get3A_403, %get3A_27 : vector<16xf32>
      %add3A_405 = arith.addf %mul3A_399, %mul3A_404 : vector<16xf32>
      %swap3A_406 = arith.index_cast %scan3A_20 : i32 to index
      %swap3A_407 = arith.constant 368 : index
      %swap3A_408 = tpu.vector_load %arg11[%swap3A_406, %swap3A_407] {strides = array<i32>} : memref<64x768xf32, #tpu.memory_space<vmem>>, vector<1x16xf32>,
      %swap3A_409 = vector.shape_cast %swap3A_408 : vector<1x16xf32> to vector<16xf32>
      %swap3A_410 = vector.shape_cast %add3A_405 : vector<16xf32> to vector<1x16xf32>
      tpu.vector_store %arg11[%swap3A_406, %swap3A_407], %swap3A_410 {strides = array<i32>} : memref<64x768xf32, #tpu.memory_space<vmem>>, vector<1x16xf32>,
      %get3A_411 = arith.index_cast %scan3A_20 : i32 to index
      %get3A_412 = arith.constant 384 : index
      %get3A_413 = tpu.vector_load %arg11[%get3A_411, %get3A_412] {strides = array<i32>} : memref<64x768xf32, #tpu.memory_space<vmem>>, vector<1x16xf32>,
      %get3A_414 = vector.shape_cast %get3A_413 : vector<1x16xf32> to vector<16xf32>
      %mul3A_415 = arith.mulf %get3A_414, %get3A_23 : vector<16xf32>
      %get3A_416 = arith.index_cast %scan3A_20 : i32 to index
      %get3A_417 = arith.constant 384 : index
      %get3A_418 = tpu.vector_load %arg12[%get3A_416, %get3A_417] {strides = array<i32>} : memref<64x768xf32, #tpu.memory_space<vmem>>, vector<1x16xf32>,
      %get3A_419 = vector.shape_cast %get3A_418 : vector<1x16xf32> to vector<16xf32>
      %mul3A_420 = arith.mulf %get3A_419, %get3A_27 : vector<16xf32>
      %add3A_421 = arith.addf %mul3A_415, %mul3A_420 : vector<16xf32>
      %swap3A_422 = arith.index_cast %scan3A_20 : i32 to index
      %swap3A_423 = arith.constant 384 : index
      %swap3A_424 = tpu.vector_load %arg11[%swap3A_422, %swap3A_423] {strides = array<i32>} : memref<64x768xf32, #tpu.memory_space<vmem>>, vector<1x16xf32>,
      %swap3A_425 = vector.shape_cast %swap3A_424 : vector<1x16xf32> to vector<16xf32>
      %swap3A_426 = vector.shape_cast %add3A_421 : vector<16xf32> to vector<1x16xf32>
      tpu.vector_store %arg11[%swap3A_422, %swap3A_423], %swap3A_426 {strides = array<i32>} : memref<64x768xf32, #tpu.memory_space<vmem>>, vector<1x16xf32>,
      %get3A_427 = arith.index_cast %scan3A_20 : i32 to index
      %get3A_428 = arith.constant 400 : index
      %get3A_429 = tpu.vector_load %arg11[%get3A_427, %get3A_428] {strides = array<i32>} : memref<64x768xf32, #tpu.memory_space<vmem>>, vector<1x16xf32>,
      %get3A_430 = vector.shape_cast %get3A_429 : vector<1x16xf32> to vector<16xf32>
      %mul3A_431 = arith.mulf %get3A_430, %get3A_23 : vector<16xf32>
      %get3A_432 = arith.index_cast %scan3A_20 : i32 to index
      %get3A_433 = arith.constant 400 : index
      %get3A_434 = tpu.vector_load %arg12[%get3A_432, %get3A_433] {strides = array<i32>} : memref<64x768xf32, #tpu.memory_space<vmem>>, vector<1x16xf32>,
      %get3A_435 = vector.shape_cast %get3A_434 : vector<1x16xf32> to vector<16xf32>
      %mul3A_436 = arith.mulf %get3A_435, %get3A_27 : vector<16xf32>
      %add3A_437 = arith.addf %mul3A_431, %mul3A_436 : vector<16xf32>
      %swap3A_438 = arith.index_cast %scan3A_20 : i32 to index
      %swap3A_439 = arith.constant 400 : index
      %swap3A_440 = tpu.vector_load %arg11[%swap3A_438, %swap3A_439] {strides = array<i32>} : memref<64x768xf32, #tpu.memory_space<vmem>>, vector<1x16xf32>,
      %swap3A_441 = vector.shape_cast %swap3A_440 : vector<1x16xf32> to vector<16xf32>
      %swap3A_442 = vector.shape_cast %add3A_437 : vector<16xf32> to vector<1x16xf32>
      tpu.vector_store %arg11[%swap3A_438, %swap3A_439], %swap3A_442 {strides = array<i32>} : memref<64x768xf32, #tpu.memory_space<vmem>>, vector<1x16xf32>,
      %get3A_443 = arith.index_cast %scan3A_20 : i32 to index
      %get3A_444 = arith.constant 416 : index
      %get3A_445 = tpu.vector_load %arg11[%get3A_443, %get3A_444] {strides = array<i32>} : memref<64x768xf32, #tpu.memory_space<vmem>>, vector<1x16xf32>,
      %get3A_446 = vector.shape_cast %get3A_445 : vector<1x16xf32> to vector<16xf32>
      %mul3A_447 = arith.mulf %get3A_446, %get3A_23 : vector<16xf32>
      %get3A_448 = arith.index_cast %scan3A_20 : i32 to index
      %get3A_449 = arith.constant 416 : index
      %get3A_450 = tpu.vector_load %arg12[%get3A_448, %get3A_449] {strides = array<i32>} : memref<64x768xf32, #tpu.memory_space<vmem>>, vector<1x16xf32>,
      %get3A_451 = vector.shape_cast %get3A_450 : vector<1x16xf32> to vector<16xf32>
      %mul3A_452 = arith.mulf %get3A_451, %get3A_27 : vector<16xf32>
      %add3A_453 = arith.addf %mul3A_447, %mul3A_452 : vector<16xf32>
      %swap3A_454 = arith.index_cast %scan3A_20 : i32 to index
      %swap3A_455 = arith.constant 416 : index
      %swap3A_456 = tpu.vector_load %arg11[%swap3A_454, %swap3A_455] {strides = array<i32>} : memref<64x768xf32, #tpu.memory_space<vmem>>, vector<1x16xf32>,
      %swap3A_457 = vector.shape_cast %swap3A_456 : vector<1x16xf32> to vector<16xf32>
      %swap3A_458 = vector.shape_cast %add3A_453 : vector<16xf32> to vector<1x16xf32>
      tpu.vector_store %arg11[%swap3A_454, %swap3A_455], %swap3A_458 {strides = array<i32>} : memref<64x768xf32, #tpu.memory_space<vmem>>, vector<1x16xf32>,
      %get3A_459 = arith.index_cast %scan3A_20 : i32 to index
      %get3A_460 = arith.constant 432 : index
      %get3A_461 = tpu.vector_load %arg11[%get3A_459, %get3A_460] {strides = array<i32>} : memref<64x768xf32, #tpu.memory_space<vmem>>, vector<1x16xf32>,
      %get3A_462 = vector.shape_cast %get3A_461 : vector<1x16xf32> to vector<16xf32>
      %mul3A_463 = arith.mulf %get3A_462, %get3A_23 : vector<16xf32>
      %get3A_464 = arith.index_cast %scan3A_20 : i32 to index
      %get3A_465 = arith.constant 432 : index
      %get3A_466 = tpu.vector_load %arg12[%get3A_464, %get3A_465] {strides = array<i32>} : memref<64x768xf32, #tpu.memory_space<vmem>>, vector<1x16xf32>,
      %get3A_467 = vector.shape_cast %get3A_466 : vector<1x16xf32> to vector<16xf32>
      %mul3A_468 = arith.mulf %get3A_467, %get3A_27 : vector<16xf32>
      %add3A_469 = arith.addf %mul3A_463, %mul3A_468 : vector<16xf32>
      %swap3A_470 = arith.index_cast %scan3A_20 : i32 to index
      %swap3A_471 = arith.constant 432 : index
      %swap3A_472 = tpu.vector_load %arg11[%swap3A_470, %swap3A_471] {strides = array<i32>} : memref<64x768xf32, #tpu.memory_space<vmem>>, vector<1x16xf32>,
      %swap3A_473 = vector.shape_cast %swap3A_472 : vector<1x16xf32> to vector<16xf32>
      %swap3A_474 = vector.shape_cast %add3A_469 : vector<16xf32> to vector<1x16xf32>
      tpu.vector_store %arg11[%swap3A_470, %swap3A_471], %swap3A_474 {strides = array<i32>} : memref<64x768xf32, #tpu.memory_space<vmem>>, vector<1x16xf32>,
      %get3A_475 = arith.index_cast %scan3A_20 : i32 to index
      %get3A_476 = arith.constant 448 : index
      %get3A_477 = tpu.vector_load %arg11[%get3A_475, %get3A_476] {strides = array<i32>} : memref<64x768xf32, #tpu.memory_space<vmem>>, vector<1x16xf32>,
      %get3A_478 = vector.shape_cast %get3A_477 : vector<1x16xf32> to vector<16xf32>
      %mul3A_479 = arith.mulf %get3A_478, %get3A_23 : vector<16xf32>
      %get3A_480 = arith.index_cast %scan3A_20 : i32 to index
      %get3A_481 = arith.constant 448 : index
      %get3A_482 = tpu.vector_load %arg12[%get3A_480, %get3A_481] {strides = array<i32>} : memref<64x768xf32, #tpu.memory_space<vmem>>, vector<1x16xf32>,
      %get3A_483 = vector.shape_cast %get3A_482 : vector<1x16xf32> to vector<16xf32>
      %mul3A_484 = arith.mulf %get3A_483, %get3A_27 : vector<16xf32>
      %add3A_485 = arith.addf %mul3A_479, %mul3A_484 : vector<16xf32>
      %swap3A_486 = arith.index_cast %scan3A_20 : i32 to index
      %swap3A_487 = arith.constant 448 : index
      %swap3A_488 = tpu.vector_load %arg11[%swap3A_486, %swap3A_487] {strides = array<i32>} : memref<64x768xf32, #tpu.memory_space<vmem>>, vector<1x16xf32>,
      %swap3A_489 = vector.shape_cast %swap3A_488 : vector<1x16xf32> to vector<16xf32>
      %swap3A_490 = vector.shape_cast %add3A_485 : vector<16xf32> to vector<1x16xf32>
      tpu.vector_store %arg11[%swap3A_486, %swap3A_487], %swap3A_490 {strides = array<i32>} : memref<64x768xf32, #tpu.memory_space<vmem>>, vector<1x16xf32>,
      %get3A_491 = arith.index_cast %scan3A_20 : i32 to index
      %get3A_492 = arith.constant 464 : index
      %get3A_493 = tpu.vector_load %arg11[%get3A_491, %get3A_492] {strides = array<i32>} : memref<64x768xf32, #tpu.memory_space<vmem>>, vector<1x16xf32>,
      %get3A_494 = vector.shape_cast %get3A_493 : vector<1x16xf32> to vector<16xf32>
      %mul3A_495 = arith.mulf %get3A_494, %get3A_23 : vector<16xf32>
      %get3A_496 = arith.index_cast %scan3A_20 : i32 to index
      %get3A_497 = arith.constant 464 : index
      %get3A_498 = tpu.vector_load %arg12[%get3A_496, %get3A_497] {strides = array<i32>} : memref<64x768xf32, #tpu.memory_space<vmem>>, vector<1x16xf32>,
      %get3A_499 = vector.shape_cast %get3A_498 : vector<1x16xf32> to vector<16xf32>
      %mul3A_500 = arith.mulf %get3A_499, %get3A_27 : vector<16xf32>
      %add3A_501 = arith.addf %mul3A_495, %mul3A_500 : vector<16xf32>
      %swap3A_502 = arith.index_cast %scan3A_20 : i32 to index
      %swap3A_503 = arith.constant 464 : index
      %swap3A_504 = tpu.vector_load %arg11[%swap3A_502, %swap3A_503] {strides = array<i32>} : memref<64x768xf32, #tpu.memory_space<vmem>>, vector<1x16xf32>,
      %swap3A_505 = vector.shape_cast %swap3A_504 : vector<1x16xf32> to vector<16xf32>
      %swap3A_506 = vector.shape_cast %add3A_501 : vector<16xf32> to vector<1x16xf32>
      tpu.vector_store %arg11[%swap3A_502, %swap3A_503], %swap3A_506 {strides = array<i32>} : memref<64x768xf32, #tpu.memory_space<vmem>>, vector<1x16xf32>,
      %get3A_507 = arith.index_cast %scan3A_20 : i32 to index
      %get3A_508 = arith.constant 480 : index
      %get3A_509 = tpu.vector_load %arg11[%get3A_507, %get3A_508] {strides = array<i32>} : memref<64x768xf32, #tpu.memory_space<vmem>>, vector<1x16xf32>,
      %get3A_510 = vector.shape_cast %get3A_509 : vector<1x16xf32> to vector<16xf32>
      %mul3A_511 = arith.mulf %get3A_510, %get3A_23 : vector<16xf32>
      %get3A_512 = arith.index_cast %scan3A_20 : i32 to index
      %get3A_513 = arith.constant 480 : index
      %get3A_514 = tpu.vector_load %arg12[%get3A_512, %get3A_513] {strides = array<i32>} : memref<64x768xf32, #tpu.memory_space<vmem>>, vector<1x16xf32>,
      %get3A_515 = vector.shape_cast %get3A_514 : vector<1x16xf32> to vector<16xf32>
      %mul3A_516 = arith.mulf %get3A_515, %get3A_27 : vector<16xf32>
      %add3A_517 = arith.addf %mul3A_511, %mul3A_516 : vector<16xf32>
      %swap3A_518 = arith.index_cast %scan3A_20 : i32 to index
      %swap3A_519 = arith.constant 480 : index
      %swap3A_520 = tpu.vector_load %arg11[%swap3A_518, %swap3A_519] {strides = array<i32>} : memref<64x768xf32, #tpu.memory_space<vmem>>, vector<1x16xf32>,
      %swap3A_521 = vector.shape_cast %swap3A_520 : vector<1x16xf32> to vector<16xf32>
      %swap3A_522 = vector.shape_cast %add3A_517 : vector<16xf32> to vector<1x16xf32>
      tpu.vector_store %arg11[%swap3A_518, %swap3A_519], %swap3A_522 {strides = array<i32>} : memref<64x768xf32, #tpu.memory_space<vmem>>, vector<1x16xf32>,
      %get3A_523 = arith.index_cast %scan3A_20 : i32 to index
      %get3A_524 = arith.constant 496 : index
      %get3A_525 = tpu.vector_load %arg11[%get3A_523, %get3A_524] {strides = array<i32>} : memref<64x768xf32, #tpu.memory_space<vmem>>, vector<1x16xf32>,
      %get3A_526 = vector.shape_cast %get3A_525 : vector<1x16xf32> to vector<16xf32>
      %mul3A_527 = arith.mulf %get3A_526, %get3A_23 : vector<16xf32>
      %get3A_528 = arith.index_cast %scan3A_20 : i32 to index
      %get3A_529 = arith.constant 496 : index
      %get3A_530 = tpu.vector_load %arg12[%get3A_528, %get3A_529] {strides = array<i32>} : memref<64x768xf32, #tpu.memory_space<vmem>>, vector<1x16xf32>,
      %get3A_531 = vector.shape_cast %get3A_530 : vector<1x16xf32> to vector<16xf32>
      %mul3A_532 = arith.mulf %get3A_531, %get3A_27 : vector<16xf32>
      %add3A_533 = arith.addf %mul3A_527, %mul3A_532 : vector<16xf32>
      %swap3A_534 = arith.index_cast %scan3A_20 : i32 to index
      %swap3A_535 = arith.constant 496 : index
      %swap3A_536 = tpu.vector_load %arg11[%swap3A_534, %swap3A_535] {strides = array<i32>} : memref<64x768xf32, #tpu.memory_space<vmem>>, vector<1x16xf32>,
      %swap3A_537 = vector.shape_cast %swap3A_536 : vector<1x16xf32> to vector<16xf32>
      %swap3A_538 = vector.shape_cast %add3A_533 : vector<16xf32> to vector<1x16xf32>
      tpu.vector_store %arg11[%swap3A_534, %swap3A_535], %swap3A_538 {strides = array<i32>} : memref<64x768xf32, #tpu.memory_space<vmem>>, vector<1x16xf32>,
      %get3A_539 = arith.index_cast %scan3A_20 : i32 to index
      %get3A_540 = arith.constant 512 : index
      %get3A_541 = tpu.vector_load %arg11[%get3A_539, %get3A_540] {strides = array<i32>} : memref<64x768xf32, #tpu.memory_space<vmem>>, vector<1x16xf32>,
      %get3A_542 = vector.shape_cast %get3A_541 : vector<1x16xf32> to vector<16xf32>
      %mul3A_543 = arith.mulf %get3A_542, %get3A_23 : vector<16xf32>
      %get3A_544 = arith.index_cast %scan3A_20 : i32 to index
      %get3A_545 = arith.constant 512 : index
      %get3A_546 = tpu.vector_load %arg12[%get3A_544, %get3A_545] {strides = array<i32>} : memref<64x768xf32, #tpu.memory_space<vmem>>, vector<1x16xf32>,
      %get3A_547 = vector.shape_cast %get3A_546 : vector<1x16xf32> to vector<16xf32>
      %mul3A_548 = arith.mulf %get3A_547, %get3A_27 : vector<16xf32>
      %add3A_549 = arith.addf %mul3A_543, %mul3A_548 : vector<16xf32>
      %swap3A_550 = arith.index_cast %scan3A_20 : i32 to index
      %swap3A_551 = arith.constant 512 : index
      %swap3A_552 = tpu.vector_load %arg11[%swap3A_550, %swap3A_551] {strides = array<i32>} : memref<64x768xf32, #tpu.memory_space<vmem>>, vector<1x16xf32>,
      %swap3A_553 = vector.shape_cast %swap3A_552 : vector<1x16xf32> to vector<16xf32>
      %swap3A_554 = vector.shape_cast %add3A_549 : vector<16xf32> to vector<1x16xf32>
      tpu.vector_store %arg11[%swap3A_550, %swap3A_551], %swap3A_554 {strides = array<i32>} : memref<64x768xf32, #tpu.memory_space<vmem>>, vector<1x16xf32>,
      %get3A_555 = arith.index_cast %scan3A_20 : i32 to index
      %get3A_556 = arith.constant 528 : index
      %get3A_557 = tpu.vector_load %arg11[%get3A_555, %get3A_556] {strides = array<i32>} : memref<64x768xf32, #tpu.memory_space<vmem>>, vector<1x16xf32>,
      %get3A_558 = vector.shape_cast %get3A_557 : vector<1x16xf32> to vector<16xf32>
      %mul3A_559 = arith.mulf %get3A_558, %get3A_23 : vector<16xf32>
      %get3A_560 = arith.index_cast %scan3A_20 : i32 to index
      %get3A_561 = arith.constant 528 : index
      %get3A_562 = tpu.vector_load %arg12[%get3A_560, %get3A_561] {strides = array<i32>} : memref<64x768xf32, #tpu.memory_space<vmem>>, vector<1x16xf32>,
      %get3A_563 = vector.shape_cast %get3A_562 : vector<1x16xf32> to vector<16xf32>
      %mul3A_564 = arith.mulf %get3A_563, %get3A_27 : vector<16xf32>
      %add3A_565 = arith.addf %mul3A_559, %mul3A_564 : vector<16xf32>
      %swap3A_566 = arith.index_cast %scan3A_20 : i32 to index
      %swap3A_567 = arith.constant 528 : index
      %swap3A_568 = tpu.vector_load %arg11[%swap3A_566, %swap3A_567] {strides = array<i32>} : memref<64x768xf32, #tpu.memory_space<vmem>>, vector<1x16xf32>,
      %swap3A_569 = vector.shape_cast %swap3A_568 : vector<1x16xf32> to vector<16xf32>
      %swap3A_570 = vector.shape_cast %add3A_565 : vector<16xf32> to vector<1x16xf32>
      tpu.vector_store %arg11[%swap3A_566, %swap3A_567], %swap3A_570 {strides = array<i32>} : memref<64x768xf32, #tpu.memory_space<vmem>>, vector<1x16xf32>,
      %get3A_571 = arith.index_cast %scan3A_20 : i32 to index
      %get3A_572 = arith.constant 544 : index
      %get3A_573 = tpu.vector_load %arg11[%get3A_571, %get3A_572] {strides = array<i32>} : memref<64x768xf32, #tpu.memory_space<vmem>>, vector<1x16xf32>,
      %get3A_574 = vector.shape_cast %get3A_573 : vector<1x16xf32> to vector<16xf32>
      %mul3A_575 = arith.mulf %get3A_574, %get3A_23 : vector<16xf32>
      %get3A_576 = arith.index_cast %scan3A_20 : i32 to index
      %get3A_577 = arith.constant 544 : index
      %get3A_578 = tpu.vector_load %arg12[%get3A_576, %get3A_577] {strides = array<i32>} : memref<64x768xf32, #tpu.memory_space<vmem>>, vector<1x16xf32>,
      %get3A_579 = vector.shape_cast %get3A_578 : vector<1x16xf32> to vector<16xf32>
      %mul3A_580 = arith.mulf %get3A_579, %get3A_27 : vector<16xf32>
      %add3A_581 = arith.addf %mul3A_575, %mul3A_580 : vector<16xf32>
      %swap3A_582 = arith.index_cast %scan3A_20 : i32 to index
      %swap3A_583 = arith.constant 544 : index
      %swap3A_584 = tpu.vector_load %arg11[%swap3A_582, %swap3A_583] {strides = array<i32>} : memref<64x768xf32, #tpu.memory_space<vmem>>, vector<1x16xf32>,
      %swap3A_585 = vector.shape_cast %swap3A_584 : vector<1x16xf32> to vector<16xf32>
      %swap3A_586 = vector.shape_cast %add3A_581 : vector<16xf32> to vector<1x16xf32>
      tpu.vector_store %arg11[%swap3A_582, %swap3A_583], %swap3A_586 {strides = array<i32>} : memref<64x768xf32, #tpu.memory_space<vmem>>, vector<1x16xf32>,
      %get3A_587 = arith.index_cast %scan3A_20 : i32 to index
      %get3A_588 = arith.constant 560 : index
      %get3A_589 = tpu.vector_load %arg11[%get3A_587, %get3A_588] {strides = array<i32>} : memref<64x768xf32, #tpu.memory_space<vmem>>, vector<1x16xf32>,
      %get3A_590 = vector.shape_cast %get3A_589 : vector<1x16xf32> to vector<16xf32>
      %mul3A_591 = arith.mulf %get3A_590, %get3A_23 : vector<16xf32>
      %get3A_592 = arith.index_cast %scan3A_20 : i32 to index
      %get3A_593 = arith.constant 560 : index
      %get3A_594 = tpu.vector_load %arg12[%get3A_592, %get3A_593] {strides = array<i32>} : memref<64x768xf32, #tpu.memory_space<vmem>>, vector<1x16xf32>,
      %get3A_595 = vector.shape_cast %get3A_594 : vector<1x16xf32> to vector<16xf32>
      %mul3A_596 = arith.mulf %get3A_595, %get3A_27 : vector<16xf32>
      %add3A_597 = arith.addf %mul3A_591, %mul3A_596 : vector<16xf32>
      %swap3A_598 = arith.index_cast %scan3A_20 : i32 to index
      %swap3A_599 = arith.constant 560 : index
      %swap3A_600 = tpu.vector_load %arg11[%swap3A_598, %swap3A_599] {strides = array<i32>} : memref<64x768xf32, #tpu.memory_space<vmem>>, vector<1x16xf32>,
      %swap3A_601 = vector.shape_cast %swap3A_600 : vector<1x16xf32> to vector<16xf32>
      %swap3A_602 = vector.shape_cast %add3A_597 : vector<16xf32> to vector<1x16xf32>
      tpu.vector_store %arg11[%swap3A_598, %swap3A_599], %swap3A_602 {strides = array<i32>} : memref<64x768xf32, #tpu.memory_space<vmem>>, vector<1x16xf32>,
      %get3A_603 = arith.index_cast %scan3A_20 : i32 to index
      %get3A_604 = arith.constant 576 : index
      %get3A_605 = tpu.vector_load %arg11[%get3A_603, %get3A_604] {strides = array<i32>} : memref<64x768xf32, #tpu.memory_space<vmem>>, vector<1x16xf32>,
      %get3A_606 = vector.shape_cast %get3A_605 : vector<1x16xf32> to vector<16xf32>
      %mul3A_607 = arith.mulf %get3A_606, %get3A_23 : vector<16xf32>
      %get3A_608 = arith.index_cast %scan3A_20 : i32 to index
      %get3A_609 = arith.constant 576 : index
      %get3A_610 = tpu.vector_load %arg12[%get3A_608, %get3A_609] {strides = array<i32>} : memref<64x768xf32, #tpu.memory_space<vmem>>, vector<1x16xf32>,
      %get3A_611 = vector.shape_cast %get3A_610 : vector<1x16xf32> to vector<16xf32>
      %mul3A_612 = arith.mulf %get3A_611, %get3A_27 : vector<16xf32>
      %add3A_613 = arith.addf %mul3A_607, %mul3A_612 : vector<16xf32>
      %swap3A_614 = arith.index_cast %scan3A_20 : i32 to index
      %swap3A_615 = arith.constant 576 : index
      %swap3A_616 = tpu.vector_load %arg11[%swap3A_614, %swap3A_615] {strides = array<i32>} : memref<64x768xf32, #tpu.memory_space<vmem>>, vector<1x16xf32>,
      %swap3A_617 = vector.shape_cast %swap3A_616 : vector<1x16xf32> to vector<16xf32>
      %swap3A_618 = vector.shape_cast %add3A_613 : vector<16xf32> to vector<1x16xf32>
      tpu.vector_store %arg11[%swap3A_614, %swap3A_615], %swap3A_618 {strides = array<i32>} : memref<64x768xf32, #tpu.memory_space<vmem>>, vector<1x16xf32>,
      %get3A_619 = arith.index_cast %scan3A_20 : i32 to index
      %get3A_620 = arith.constant 592 : index
      %get3A_621 = tpu.vector_load %arg11[%get3A_619, %get3A_620] {strides = array<i32>} : memref<64x768xf32, #tpu.memory_space<vmem>>, vector<1x16xf32>,
      %get3A_622 = vector.shape_cast %get3A_621 : vector<1x16xf32> to vector<16xf32>
      %mul3A_623 = arith.mulf %get3A_622, %get3A_23 : vector<16xf32>
      %get3A_624 = arith.index_cast %scan3A_20 : i32 to index
      %get3A_625 = arith.constant 592 : index
      %get3A_626 = tpu.vector_load %arg12[%get3A_624, %get3A_625] {strides = array<i32>} : memref<64x768xf32, #tpu.memory_space<vmem>>, vector<1x16xf32>,
      %get3A_627 = vector.shape_cast %get3A_626 : vector<1x16xf32> to vector<16xf32>
      %mul3A_628 = arith.mulf %get3A_627, %get3A_27 : vector<16xf32>
      %add3A_629 = arith.addf %mul3A_623, %mul3A_628 : vector<16xf32>
      %swap3A_630 = arith.index_cast %scan3A_20 : i32 to index
      %swap3A_631 = arith.constant 592 : index
      %swap3A_632 = tpu.vector_load %arg11[%swap3A_630, %swap3A_631] {strides = array<i32>} : memref<64x768xf32, #tpu.memory_space<vmem>>, vector<1x16xf32>,
      %swap3A_633 = vector.shape_cast %swap3A_632 : vector<1x16xf32> to vector<16xf32>
      %swap3A_634 = vector.shape_cast %add3A_629 : vector<16xf32> to vector<1x16xf32>
      tpu.vector_store %arg11[%swap3A_630, %swap3A_631], %swap3A_634 {strides = array<i32>} : memref<64x768xf32, #tpu.memory_space<vmem>>, vector<1x16xf32>,
      %get3A_635 = arith.index_cast %scan3A_20 : i32 to index
      %get3A_636 = arith.constant 608 : index
      %get3A_637 = tpu.vector_load %arg11[%get3A_635, %get3A_636] {strides = array<i32>} : memref<64x768xf32, #tpu.memory_space<vmem>>, vector<1x16xf32>,
      %get3A_638 = vector.shape_cast %get3A_637 : vector<1x16xf32> to vector<16xf32>
      %mul3A_639 = arith.mulf %get3A_638, %get3A_23 : vector<16xf32>
      %get3A_640 = arith.index_cast %scan3A_20 : i32 to index
      %get3A_641 = arith.constant 608 : index
      %get3A_642 = tpu.vector_load %arg12[%get3A_640, %get3A_641] {strides = array<i32>} : memref<64x768xf32, #tpu.memory_space<vmem>>, vector<1x16xf32>,
      %get3A_643 = vector.shape_cast %get3A_642 : vector<1x16xf32> to vector<16xf32>
      %mul3A_644 = arith.mulf %get3A_643, %get3A_27 : vector<16xf32>
      %add3A_645 = arith.addf %mul3A_639, %mul3A_644 : vector<16xf32>
      %swap3A_646 = arith.index_cast %scan3A_20 : i32 to index
      %swap3A_647 = arith.constant 608 : index
      %swap3A_648 = tpu.vector_load %arg11[%swap3A_646, %swap3A_647] {strides = array<i32>} : memref<64x768xf32, #tpu.memory_space<vmem>>, vector<1x16xf32>,
      %swap3A_649 = vector.shape_cast %swap3A_648 : vector<1x16xf32> to vector<16xf32>
      %swap3A_650 = vector.shape_cast %add3A_645 : vector<16xf32> to vector<1x16xf32>
      tpu.vector_store %arg11[%swap3A_646, %swap3A_647], %swap3A_650 {strides = array<i32>} : memref<64x768xf32, #tpu.memory_space<vmem>>, vector<1x16xf32>,
      %get3A_651 = arith.index_cast %scan3A_20 : i32 to index
      %get3A_652 = arith.constant 624 : index
      %get3A_653 = tpu.vector_load %arg11[%get3A_651, %get3A_652] {strides = array<i32>} : memref<64x768xf32, #tpu.memory_space<vmem>>, vector<1x16xf32>,
      %get3A_654 = vector.shape_cast %get3A_653 : vector<1x16xf32> to vector<16xf32>
      %mul3A_655 = arith.mulf %get3A_654, %get3A_23 : vector<16xf32>
      %get3A_656 = arith.index_cast %scan3A_20 : i32 to index
      %get3A_657 = arith.constant 624 : index
      %get3A_658 = tpu.vector_load %arg12[%get3A_656, %get3A_657] {strides = array<i32>} : memref<64x768xf32, #tpu.memory_space<vmem>>, vector<1x16xf32>,
      %get3A_659 = vector.shape_cast %get3A_658 : vector<1x16xf32> to vector<16xf32>
      %mul3A_660 = arith.mulf %get3A_659, %get3A_27 : vector<16xf32>
      %add3A_661 = arith.addf %mul3A_655, %mul3A_660 : vector<16xf32>
      %swap3A_662 = arith.index_cast %scan3A_20 : i32 to index
      %swap3A_663 = arith.constant 624 : index
      %swap3A_664 = tpu.vector_load %arg11[%swap3A_662, %swap3A_663] {strides = array<i32>} : memref<64x768xf32, #tpu.memory_space<vmem>>, vector<1x16xf32>,
      %swap3A_665 = vector.shape_cast %swap3A_664 : vector<1x16xf32> to vector<16xf32>
      %swap3A_666 = vector.shape_cast %add3A_661 : vector<16xf32> to vector<1x16xf32>
      tpu.vector_store %arg11[%swap3A_662, %swap3A_663], %swap3A_666 {strides = array<i32>} : memref<64x768xf32, #tpu.memory_space<vmem>>, vector<1x16xf32>,
      %get3A_667 = arith.index_cast %scan3A_20 : i32 to index
      %get3A_668 = arith.constant 640 : index
      %get3A_669 = tpu.vector_load %arg11[%get3A_667, %get3A_668] {strides = array<i32>} : memref<64x768xf32, #tpu.memory_space<vmem>>, vector<1x16xf32>,
      %get3A_670 = vector.shape_cast %get3A_669 : vector<1x16xf32> to vector<16xf32>
      %mul3A_671 = arith.mulf %get3A_670, %get3A_23 : vector<16xf32>
      %get3A_672 = arith.index_cast %scan3A_20 : i32 to index
      %get3A_673 = arith.constant 640 : index
      %get3A_674 = tpu.vector_load %arg12[%get3A_672, %get3A_673] {strides = array<i32>} : memref<64x768xf32, #tpu.memory_space<vmem>>, vector<1x16xf32>,
      %get3A_675 = vector.shape_cast %get3A_674 : vector<1x16xf32> to vector<16xf32>
      %mul3A_676 = arith.mulf %get3A_675, %get3A_27 : vector<16xf32>
      %add3A_677 = arith.addf %mul3A_671, %mul3A_676 : vector<16xf32>
      %swap3A_678 = arith.index_cast %scan3A_20 : i32 to index
      %swap3A_679 = arith.constant 640 : index
      %swap3A_680 = tpu.vector_load %arg11[%swap3A_678, %swap3A_679] {strides = array<i32>} : memref<64x768xf32, #tpu.memory_space<vmem>>, vector<1x16xf32>,
      %swap3A_681 = vector.shape_cast %swap3A_680 : vector<1x16xf32> to vector<16xf32>
      %swap3A_682 = vector.shape_cast %add3A_677 : vector<16xf32> to vector<1x16xf32>
      tpu.vector_store %arg11[%swap3A_678, %swap3A_679], %swap3A_682 {strides = array<i32>} : memref<64x768xf32, #tpu.memory_space<vmem>>, vector<1x16xf32>,
      %get3A_683 = arith.index_cast %scan3A_20 : i32 to index
      %get3A_684 = arith.constant 656 : index
      %get3A_685 = tpu.vector_load %arg11[%get3A_683, %get3A_684] {strides = array<i32>} : memref<64x768xf32, #tpu.memory_space<vmem>>, vector<1x16xf32>,
      %get3A_686 = vector.shape_cast %get3A_685 : vector<1x16xf32> to vector<16xf32>
      %mul3A_687 = arith.mulf %get3A_686, %get3A_23 : vector<16xf32>
      %get3A_688 = arith.index_cast %scan3A_20 : i32 to index
      %get3A_689 = arith.constant 656 : index
      %get3A_690 = tpu.vector_load %arg12[%get3A_688, %get3A_689] {strides = array<i32>} : memref<64x768xf32, #tpu.memory_space<vmem>>, vector<1x16xf32>,
      %get3A_691 = vector.shape_cast %get3A_690 : vector<1x16xf32> to vector<16xf32>
      %mul3A_692 = arith.mulf %get3A_691, %get3A_27 : vector<16xf32>
      %add3A_693 = arith.addf %mul3A_687, %mul3A_692 : vector<16xf32>
      %swap3A_694 = arith.index_cast %scan3A_20 : i32 to index
      %swap3A_695 = arith.constant 656 : index
      %swap3A_696 = tpu.vector_load %arg11[%swap3A_694, %swap3A_695] {strides = array<i32>} : memref<64x768xf32, #tpu.memory_space<vmem>>, vector<1x16xf32>,
      %swap3A_697 = vector.shape_cast %swap3A_696 : vector<1x16xf32> to vector<16xf32>
      %swap3A_698 = vector.shape_cast %add3A_693 : vector<16xf32> to vector<1x16xf32>
      tpu.vector_store %arg11[%swap3A_694, %swap3A_695], %swap3A_698 {strides = array<i32>} : memref<64x768xf32, #tpu.memory_space<vmem>>, vector<1x16xf32>,
      %get3A_699 = arith.index_cast %scan3A_20 : i32 to index
      %get3A_700 = arith.constant 672 : index
      %get3A_701 = tpu.vector_load %arg11[%get3A_699, %get3A_700] {strides = array<i32>} : memref<64x768xf32, #tpu.memory_space<vmem>>, vector<1x16xf32>,
      %get3A_702 = vector.shape_cast %get3A_701 : vector<1x16xf32> to vector<16xf32>
      %mul3A_703 = arith.mulf %get3A_702, %get3A_23 : vector<16xf32>
      %get3A_704 = arith.index_cast %scan3A_20 : i32 to index
      %get3A_705 = arith.constant 672 : index
      %get3A_706 = tpu.vector_load %arg12[%get3A_704, %get3A_705] {strides = array<i32>} : memref<64x768xf32, #tpu.memory_space<vmem>>, vector<1x16xf32>,
      %get3A_707 = vector.shape_cast %get3A_706 : vector<1x16xf32> to vector<16xf32>
      %mul3A_708 = arith.mulf %get3A_707, %get3A_27 : vector<16xf32>
      %add3A_709 = arith.addf %mul3A_703, %mul3A_708 : vector<16xf32>
      %swap3A_710 = arith.index_cast %scan3A_20 : i32 to index
      %swap3A_711 = arith.constant 672 : index
      %swap3A_712 = tpu.vector_load %arg11[%swap3A_710, %swap3A_711] {strides = array<i32>} : memref<64x768xf32, #tpu.memory_space<vmem>>, vector<1x16xf32>,
      %swap3A_713 = vector.shape_cast %swap3A_712 : vector<1x16xf32> to vector<16xf32>
      %swap3A_714 = vector.shape_cast %add3A_709 : vector<16xf32> to vector<1x16xf32>
      tpu.vector_store %arg11[%swap3A_710, %swap3A_711], %swap3A_714 {strides = array<i32>} : memref<64x768xf32, #tpu.memory_space<vmem>>, vector<1x16xf32>,
      %get3A_715 = arith.index_cast %scan3A_20 : i32 to index
      %get3A_716 = arith.constant 688 : index
      %get3A_717 = tpu.vector_load %arg11[%get3A_715, %get3A_716] {strides = array<i32>} : memref<64x768xf32, #tpu.memory_space<vmem>>, vector<1x16xf32>,
      %get3A_718 = vector.shape_cast %get3A_717 : vector<1x16xf32> to vector<16xf32>
      %mul3A_719 = arith.mulf %get3A_718, %get3A_23 : vector<16xf32>
      %get3A_720 = arith.index_cast %scan3A_20 : i32 to index
      %get3A_721 = arith.constant 688 : index
      %get3A_722 = tpu.vector_load %arg12[%get3A_720, %get3A_721] {strides = array<i32>} : memref<64x768xf32, #tpu.memory_space<vmem>>, vector<1x16xf32>,
      %get3A_723 = vector.shape_cast %get3A_722 : vector<1x16xf32> to vector<16xf32>
      %mul3A_724 = arith.mulf %get3A_723, %get3A_27 : vector<16xf32>
      %add3A_725 = arith.addf %mul3A_719, %mul3A_724 : vector<16xf32>
      %swap3A_726 = arith.index_cast %scan3A_20 : i32 to index
      %swap3A_727 = arith.constant 688 : index
      %swap3A_728 = tpu.vector_load %arg11[%swap3A_726, %swap3A_727] {strides = array<i32>} : memref<64x768xf32, #tpu.memory_space<vmem>>, vector<1x16xf32>,
      %swap3A_729 = vector.shape_cast %swap3A_728 : vector<1x16xf32> to vector<16xf32>
      %swap3A_730 = vector.shape_cast %add3A_725 : vector<16xf32> to vector<1x16xf32>
      tpu.vector_store %arg11[%swap3A_726, %swap3A_727], %swap3A_730 {strides = array<i32>} : memref<64x768xf32, #tpu.memory_space<vmem>>, vector<1x16xf32>,
      %get3A_731 = arith.index_cast %scan3A_20 : i32 to index
      %get3A_732 = arith.constant 704 : index
      %get3A_733 = tpu.vector_load %arg11[%get3A_731, %get3A_732] {strides = array<i32>} : memref<64x768xf32, #tpu.memory_space<vmem>>, vector<1x16xf32>,
      %get3A_734 = vector.shape_cast %get3A_733 : vector<1x16xf32> to vector<16xf32>
      %mul3A_735 = arith.mulf %get3A_734, %get3A_23 : vector<16xf32>
      %get3A_736 = arith.index_cast %scan3A_20 : i32 to index
      %get3A_737 = arith.constant 704 : index
      %get3A_738 = tpu.vector_load %arg12[%get3A_736, %get3A_737] {strides = array<i32>} : memref<64x768xf32, #tpu.memory_space<vmem>>, vector<1x16xf32>,
      %get3A_739 = vector.shape_cast %get3A_738 : vector<1x16xf32> to vector<16xf32>
      %mul3A_740 = arith.mulf %get3A_739, %get3A_27 : vector<16xf32>
      %add3A_741 = arith.addf %mul3A_735, %mul3A_740 : vector<16xf32>
      %swap3A_742 = arith.index_cast %scan3A_20 : i32 to index
      %swap3A_743 = arith.constant 704 : index
      %swap3A_744 = tpu.vector_load %arg11[%swap3A_742, %swap3A_743] {strides = array<i32>} : memref<64x768xf32, #tpu.memory_space<vmem>>, vector<1x16xf32>,
      %swap3A_745 = vector.shape_cast %swap3A_744 : vector<1x16xf32> to vector<16xf32>
      %swap3A_746 = vector.shape_cast %add3A_741 : vector<16xf32> to vector<1x16xf32>
      tpu.vector_store %arg11[%swap3A_742, %swap3A_743], %swap3A_746 {strides = array<i32>} : memref<64x768xf32, #tpu.memory_space<vmem>>, vector<1x16xf32>,
      %get3A_747 = arith.index_cast %scan3A_20 : i32 to index
      %get3A_748 = arith.constant 720 : index
      %get3A_749 = tpu.vector_load %arg11[%get3A_747, %get3A_748] {strides = array<i32>} : memref<64x768xf32, #tpu.memory_space<vmem>>, vector<1x16xf32>,
      %get3A_750 = vector.shape_cast %get3A_749 : vector<1x16xf32> to vector<16xf32>
      %mul3A_751 = arith.mulf %get3A_750, %get3A_23 : vector<16xf32>
      %get3A_752 = arith.index_cast %scan3A_20 : i32 to index
      %get3A_753 = arith.constant 720 : index
      %get3A_754 = tpu.vector_load %arg12[%get3A_752, %get3A_753] {strides = array<i32>} : memref<64x768xf32, #tpu.memory_space<vmem>>, vector<1x16xf32>,
      %get3A_755 = vector.shape_cast %get3A_754 : vector<1x16xf32> to vector<16xf32>
      %mul3A_756 = arith.mulf %get3A_755, %get3A_27 : vector<16xf32>
      %add3A_757 = arith.addf %mul3A_751, %mul3A_756 : vector<16xf32>
      %swap3A_758 = arith.index_cast %scan3A_20 : i32 to index
      %swap3A_759 = arith.constant 720 : index
      %swap3A_760 = tpu.vector_load %arg11[%swap3A_758, %swap3A_759] {strides = array<i32>} : memref<64x768xf32, #tpu.memory_space<vmem>>, vector<1x16xf32>,
      %swap3A_761 = vector.shape_cast %swap3A_760 : vector<1x16xf32> to vector<16xf32>
      %swap3A_762 = vector.shape_cast %add3A_757 : vector<16xf32> to vector<1x16xf32>
      tpu.vector_store %arg11[%swap3A_758, %swap3A_759], %swap3A_762 {strides = array<i32>} : memref<64x768xf32, #tpu.memory_space<vmem>>, vector<1x16xf32>,
      %get3A_763 = arith.index_cast %scan3A_20 : i32 to index
      %get3A_764 = arith.constant 736 : index
      %get3A_765 = tpu.vector_load %arg11[%get3A_763, %get3A_764] {strides = array<i32>} : memref<64x768xf32, #tpu.memory_space<vmem>>, vector<1x16xf32>,
      %get3A_766 = vector.shape_cast %get3A_765 : vector<1x16xf32> to vector<16xf32>
      %mul3A_767 = arith.mulf %get3A_766, %get3A_23 : vector<16xf32>
      %get3A_768 = arith.index_cast %scan3A_20 : i32 to index
      %get3A_769 = arith.constant 736 : index
      %get3A_770 = tpu.vector_load %arg12[%get3A_768, %get3A_769] {strides = array<i32>} : memref<64x768xf32, #tpu.memory_space<vmem>>, vector<1x16xf32>,
      %get3A_771 = vector.shape_cast %get3A_770 : vector<1x16xf32> to vector<16xf32>
      %mul3A_772 = arith.mulf %get3A_771, %get3A_27 : vector<16xf32>
      %add3A_773 = arith.addf %mul3A_767, %mul3A_772 : vector<16xf32>
      %swap3A_774 = arith.index_cast %scan3A_20 : i32 to index
      %swap3A_775 = arith.constant 736 : index
      %swap3A_776 = tpu.vector_load %arg11[%swap3A_774, %swap3A_775] {strides = array<i32>} : memref<64x768xf32, #tpu.memory_space<vmem>>, vector<1x16xf32>,
      %swap3A_777 = vector.shape_cast %swap3A_776 : vector<1x16xf32> to vector<16xf32>
      %swap3A_778 = vector.shape_cast %add3A_773 : vector<16xf32> to vector<1x16xf32>
      tpu.vector_store %arg11[%swap3A_774, %swap3A_775], %swap3A_778 {strides = array<i32>} : memref<64x768xf32, #tpu.memory_space<vmem>>, vector<1x16xf32>,
      %get3A_779 = arith.index_cast %scan3A_20 : i32 to index
      %get3A_780 = arith.constant 752 : index
      %get3A_781 = tpu.vector_load %arg11[%get3A_779, %get3A_780] {strides = array<i32>} : memref<64x768xf32, #tpu.memory_space<vmem>>, vector<1x16xf32>,
      %get3A_782 = vector.shape_cast %get3A_781 : vector<1x16xf32> to vector<16xf32>
      %mul3A_783 = arith.mulf %get3A_782, %get3A_23 : vector<16xf32>
      %get3A_784 = arith.index_cast %scan3A_20 : i32 to index
      %get3A_785 = arith.constant 752 : index
      %get3A_786 = tpu.vector_load %arg12[%get3A_784, %get3A_785] {strides = array<i32>} : memref<64x768xf32, #tpu.memory_space<vmem>>, vector<1x16xf32>,
      %get3A_787 = vector.shape_cast %get3A_786 : vector<1x16xf32> to vector<16xf32>
      %mul3A_788 = arith.mulf %get3A_787, %get3A_27 : vector<16xf32>
      %add3A_789 = arith.addf %mul3A_783, %mul3A_788 : vector<16xf32>
      %swap3A_790 = arith.index_cast %scan3A_20 : i32 to index
      %swap3A_791 = arith.constant 752 : index
      %swap3A_792 = tpu.vector_load %arg11[%swap3A_790, %swap3A_791] {strides = array<i32>} : memref<64x768xf32, #tpu.memory_space<vmem>>, vector<1x16xf32>,
      %swap3A_793 = vector.shape_cast %swap3A_792 : vector<1x16xf32> to vector<16xf32>
      %swap3A_794 = vector.shape_cast %add3A_789 : vector<16xf32> to vector<1x16xf32>
      tpu.vector_store %arg11[%swap3A_790, %swap3A_791], %swap3A_794 {strides = array<i32>} : memref<64x768xf32, #tpu.memory_space<vmem>>, vector<1x16xf32>,
    }
    %scan3A_19 = arith.constant 64 : i32
    "tpu.region"() ({
      %run_scoped3A = tpu.sem_alloc : memref<!tpu.dma_semaphore, #tpu.memory_space<semaphore_mem>>
      %dma_start3A_20 = arith.constant 0 : i32
      %dma_start3A_21 = tpu.memref_slice %arg6[%mul3A_2, %dma_start3A_20] : memref<2048x768xf32, #tpu.memory_space<hbm>> -> memref<64x768xf32, #tpu.memory_space<hbm>>
      %dma_start3A_22 = arith.constant 0 : i32
      %dma_start3A_23 = tpu.memref_slice %arg6[%mul3A_2, %dma_start3A_22] : memref<2048x768xf32, #tpu.memory_space<hbm>> -> memref<64x768xf32, #tpu.memory_space<hbm>>
      tpu.enqueue_dma source(%arg11 : memref<64x768xf32, #tpu.memory_space<vmem>>) target(%dma_start3A_23 : memref<64x768xf32, #tpu.memory_space<hbm>>) target_semaphore(%run_scoped3A : memref<!tpu.dma_semaphore, #tpu.memory_space<semaphore_mem>>)
      %dma_wait3A_24 = arith.constant 0 : i32
      %dma_wait3A_25 = tpu.memref_slice %arg6[%mul3A_2, %dma_wait3A_24] : memref<2048x768xf32, #tpu.memory_space<hbm>> -> memref<64x768xf32, #tpu.memory_space<hbm>>
      %dma_wait3A_26 = arith.constant 0 : i32
      %dma_wait3A_27 = tpu.memref_slice %arg6[%mul3A_2, %dma_wait3A_26] : memref<2048x768xf32, #tpu.memory_space<hbm>> -> memref<64x768xf32, #tpu.memory_space<hbm>>
      tpu.wait_dma2 semaphore(%run_scoped3A : memref<!tpu.dma_semaphore, #tpu.memory_space<semaphore_mem>>) src(%arg11 : memref<64x768xf32, #tpu.memory_space<vmem>>) dst(%dma_wait3A_27 : memref<64x768xf32, #tpu.memory_space<hbm>>)
      tpu.yield
    }) : () -> ()
    return
  }
}

#map = affine_map<(d0, d1) -> (0, 0)>
#map1 = affine_map<(d0, d1) -> (0)>
module attributes {stable_mosaic.version = 14 : i64} {
  func.func @dispatch(%arg0: i32, %arg1: i32, %arg2: memref<2048x768xf32, #tpu.memory_space<hbm>>, %arg3: memref<4096xi32, #tpu.memory_space<hbm>>, %arg4: memref<8192x768xf32, #tpu.memory_space<hbm>>, %arg5: memref<64xi32, #tpu.memory_space<vmem>>, %arg6: memref<64xi32, #tpu.memory_space<vmem>>, %arg7: memref<64xi32, #tpu.memory_space<vmem>>, %arg8: memref<64xi32, #tpu.memory_space<vmem>>, %arg9: memref<64x768xf32, #tpu.memory_space<vmem>>, %arg10: memref<64x768xf32, #tpu.memory_space<vmem>>, %arg11: memref<!tpu.dma_semaphore, #tpu.memory_space<semaphore_mem>>, %arg12: memref<!tpu.dma_semaphore, #tpu.memory_space<semaphore_mem>>) attributes {dimension_semantics = [#tpu.dimension_semantics<core_parallel>, #tpu.dimension_semantics<subcore_parallel>], iteration_bounds = array<i64: 2, 16>, scalar_prefetch = 0 : i64, scratch_operands = 8 : i64, tpu.core_type = #tpu.core_type<sc_vector_subcore>, window_params = [{transform_indices = #map}, {transform_indices = #map1}, {transform_indices = #map}]} {
    %mul3A = arith.constant 2 : i32
    %mul3A_0 = arith.muli %arg1, %mul3A : i32
    %add3A = arith.addi %mul3A_0, %arg0 : i32
    %mul3A_1 = arith.constant 128 : i32
    %mul3A_2 = arith.muli %add3A, %mul3A_1 : i32
    %rem3A = arith.constant 2048 : i32
    %rem3A_3 = arith.remsi %mul3A_2, %rem3A : i32
    "tpu.region"() ({
      %run_scoped3A = tpu.sem_alloc : memref<!tpu.dma_semaphore, #tpu.memory_space<semaphore_mem>>
      %dma_start3A_106 = tpu.memref_slice %arg3[%mul3A_2] : memref<4096xi32, #tpu.memory_space<hbm>> -> memref<64xi32, #tpu.memory_space<hbm>>
      %dma_start3A_107 = tpu.memref_slice %arg3[%mul3A_2] : memref<4096xi32, #tpu.memory_space<hbm>> -> memref<64xi32, #tpu.memory_space<hbm>>
      tpu.enqueue_dma source(%dma_start3A_107 : memref<64xi32, #tpu.memory_space<hbm>>) target(%arg5 : memref<64xi32, #tpu.memory_space<vmem>>) target_semaphore(%run_scoped3A : memref<!tpu.dma_semaphore, #tpu.memory_space<semaphore_mem>>)
      %dma_wait3A_108 = tpu.memref_slice %arg3[%mul3A_2] : memref<4096xi32, #tpu.memory_space<hbm>> -> memref<64xi32, #tpu.memory_space<hbm>>
      %dma_wait3A_109 = tpu.memref_slice %arg3[%mul3A_2] : memref<4096xi32, #tpu.memory_space<hbm>> -> memref<64xi32, #tpu.memory_space<hbm>>
      tpu.wait_dma2 semaphore(%run_scoped3A : memref<!tpu.dma_semaphore, #tpu.memory_space<semaphore_mem>>) src(%dma_wait3A_109 : memref<64xi32, #tpu.memory_space<hbm>>) dst(%arg5 : memref<64xi32, #tpu.memory_space<vmem>>)
      tpu.yield
    }) : () -> ()
    %add3A_4 = arith.constant 64 : i32
    %add3A_5 = arith.addi %mul3A_2, %add3A_4 : i32
    "tpu.region"() ({
      %run_scoped3A = tpu.sem_alloc : memref<!tpu.dma_semaphore, #tpu.memory_space<semaphore_mem>>
      %dma_start3A_106 = tpu.memref_slice %arg3[%add3A_5] : memref<4096xi32, #tpu.memory_space<hbm>> -> memref<64xi32, #tpu.memory_space<hbm>>
      %dma_start3A_107 = tpu.memref_slice %arg3[%add3A_5] : memref<4096xi32, #tpu.memory_space<hbm>> -> memref<64xi32, #tpu.memory_space<hbm>>
      tpu.enqueue_dma source(%dma_start3A_107 : memref<64xi32, #tpu.memory_space<hbm>>) target(%arg6 : memref<64xi32, #tpu.memory_space<vmem>>) target_semaphore(%run_scoped3A : memref<!tpu.dma_semaphore, #tpu.memory_space<semaphore_mem>>)
      %dma_wait3A_108 = tpu.memref_slice %arg3[%add3A_5] : memref<4096xi32, #tpu.memory_space<hbm>> -> memref<64xi32, #tpu.memory_space<hbm>>
      %dma_wait3A_109 = tpu.memref_slice %arg3[%add3A_5] : memref<4096xi32, #tpu.memory_space<hbm>> -> memref<64xi32, #tpu.memory_space<hbm>>
      tpu.wait_dma2 semaphore(%run_scoped3A : memref<!tpu.dma_semaphore, #tpu.memory_space<semaphore_mem>>) src(%dma_wait3A_109 : memref<64xi32, #tpu.memory_space<hbm>>) dst(%arg6 : memref<64xi32, #tpu.memory_space<vmem>>)
      tpu.yield
    }) : () -> ()
    %iota3A = tpu.iota {dimensions = array<i32: 0>} : vector<16xi32>
    %add3A_6 = arith.constant 0 : i32
    %add3A_7 = arith.addi %rem3A_3, %add3A_6 : i32
    %add3A_8 = vector.broadcast %add3A_7 : i32 to vector<16xi32>
    %add3A_9 = arith.addi %iota3A, %add3A_8 : vector<16xi32>
    %swap3A = arith.constant 0 : index
    %swap3A_10 = tpu.vector_load %arg7[%swap3A] {strides = array<i32>} : memref<64xi32, #tpu.memory_space<vmem>>, vector<16xi32>,
    %swap3A_11 = vector.shape_cast %swap3A_10 : vector<16xi32> to vector<16xi32>
    %swap3A_12 = vector.shape_cast %add3A_9 : vector<16xi32> to vector<16xi32>
    tpu.vector_store %arg7[%swap3A], %swap3A_12 {strides = array<i32>} : memref<64xi32, #tpu.memory_space<vmem>>, vector<16xi32>,
    %iota3A_13 = tpu.iota {dimensions = array<i32: 0>} : vector<16xi32>
    %add3A_14 = arith.constant 64 : i32
    %add3A_15 = arith.addi %rem3A_3, %add3A_14 : i32
    %add3A_16 = arith.constant 0 : i32
    %add3A_17 = arith.addi %add3A_15, %add3A_16 : i32
    %add3A_18 = vector.broadcast %add3A_17 : i32 to vector<16xi32>
    %add3A_19 = arith.addi %iota3A_13, %add3A_18 : vector<16xi32>
    %swap3A_20 = arith.constant 0 : index
    %swap3A_21 = tpu.vector_load %arg8[%swap3A_20] {strides = array<i32>} : memref<64xi32, #tpu.memory_space<vmem>>, vector<16xi32>,
    %swap3A_22 = vector.shape_cast %swap3A_21 : vector<16xi32> to vector<16xi32>
    %swap3A_23 = vector.shape_cast %add3A_19 : vector<16xi32> to vector<16xi32>
    tpu.vector_store %arg8[%swap3A_20], %swap3A_23 {strides = array<i32>} : memref<64xi32, #tpu.memory_space<vmem>>, vector<16xi32>,
    %iota3A_24 = tpu.iota {dimensions = array<i32: 0>} : vector<16xi32>
    %add3A_25 = arith.constant 16 : i32
    %add3A_26 = arith.addi %rem3A_3, %add3A_25 : i32
    %add3A_27 = vector.broadcast %add3A_26 : i32 to vector<16xi32>
    %add3A_28 = arith.addi %iota3A_24, %add3A_27 : vector<16xi32>
    %swap3A_29 = arith.constant 16 : index
    %swap3A_30 = tpu.vector_load %arg7[%swap3A_29] {strides = array<i32>} : memref<64xi32, #tpu.memory_space<vmem>>, vector<16xi32>,
    %swap3A_31 = vector.shape_cast %swap3A_30 : vector<16xi32> to vector<16xi32>
    %swap3A_32 = vector.shape_cast %add3A_28 : vector<16xi32> to vector<16xi32>
    tpu.vector_store %arg7[%swap3A_29], %swap3A_32 {strides = array<i32>} : memref<64xi32, #tpu.memory_space<vmem>>, vector<16xi32>,
    %iota3A_33 = tpu.iota {dimensions = array<i32: 0>} : vector<16xi32>
    %add3A_34 = arith.constant 64 : i32
    %add3A_35 = arith.addi %rem3A_3, %add3A_34 : i32
    %add3A_36 = arith.constant 16 : i32
    %add3A_37 = arith.addi %add3A_35, %add3A_36 : i32
    %add3A_38 = vector.broadcast %add3A_37 : i32 to vector<16xi32>
    %add3A_39 = arith.addi %iota3A_33, %add3A_38 : vector<16xi32>
    %swap3A_40 = arith.constant 16 : index
    %swap3A_41 = tpu.vector_load %arg8[%swap3A_40] {strides = array<i32>} : memref<64xi32, #tpu.memory_space<vmem>>, vector<16xi32>,
    %swap3A_42 = vector.shape_cast %swap3A_41 : vector<16xi32> to vector<16xi32>
    %swap3A_43 = vector.shape_cast %add3A_39 : vector<16xi32> to vector<16xi32>
    tpu.vector_store %arg8[%swap3A_40], %swap3A_43 {strides = array<i32>} : memref<64xi32, #tpu.memory_space<vmem>>, vector<16xi32>,
    %iota3A_44 = tpu.iota {dimensions = array<i32: 0>} : vector<16xi32>
    %add3A_45 = arith.constant 32 : i32
    %add3A_46 = arith.addi %rem3A_3, %add3A_45 : i32
    %add3A_47 = vector.broadcast %add3A_46 : i32 to vector<16xi32>
    %add3A_48 = arith.addi %iota3A_44, %add3A_47 : vector<16xi32>
    %swap3A_49 = arith.constant 32 : index
    %swap3A_50 = tpu.vector_load %arg7[%swap3A_49] {strides = array<i32>} : memref<64xi32, #tpu.memory_space<vmem>>, vector<16xi32>,
    %swap3A_51 = vector.shape_cast %swap3A_50 : vector<16xi32> to vector<16xi32>
    %swap3A_52 = vector.shape_cast %add3A_48 : vector<16xi32> to vector<16xi32>
    tpu.vector_store %arg7[%swap3A_49], %swap3A_52 {strides = array<i32>} : memref<64xi32, #tpu.memory_space<vmem>>, vector<16xi32>,
    %iota3A_53 = tpu.iota {dimensions = array<i32: 0>} : vector<16xi32>
    %add3A_54 = arith.constant 64 : i32
    %add3A_55 = arith.addi %rem3A_3, %add3A_54 : i32
    %add3A_56 = arith.constant 32 : i32
    %add3A_57 = arith.addi %add3A_55, %add3A_56 : i32
    %add3A_58 = vector.broadcast %add3A_57 : i32 to vector<16xi32>
    %add3A_59 = arith.addi %iota3A_53, %add3A_58 : vector<16xi32>
    %swap3A_60 = arith.constant 32 : index
    %swap3A_61 = tpu.vector_load %arg8[%swap3A_60] {strides = array<i32>} : memref<64xi32, #tpu.memory_space<vmem>>, vector<16xi32>,
    %swap3A_62 = vector.shape_cast %swap3A_61 : vector<16xi32> to vector<16xi32>
    %swap3A_63 = vector.shape_cast %add3A_59 : vector<16xi32> to vector<16xi32>
    tpu.vector_store %arg8[%swap3A_60], %swap3A_63 {strides = array<i32>} : memref<64xi32, #tpu.memory_space<vmem>>, vector<16xi32>,
    %iota3A_64 = tpu.iota {dimensions = array<i32: 0>} : vector<16xi32>
    %add3A_65 = arith.constant 48 : i32
    %add3A_66 = arith.addi %rem3A_3, %add3A_65 : i32
    %add3A_67 = vector.broadcast %add3A_66 : i32 to vector<16xi32>
    %add3A_68 = arith.addi %iota3A_64, %add3A_67 : vector<16xi32>
    %swap3A_69 = arith.constant 48 : index
    %swap3A_70 = tpu.vector_load %arg7[%swap3A_69] {strides = array<i32>} : memref<64xi32, #tpu.memory_space<vmem>>, vector<16xi32>,
    %swap3A_71 = vector.shape_cast %swap3A_70 : vector<16xi32> to vector<16xi32>
    %swap3A_72 = vector.shape_cast %add3A_68 : vector<16xi32> to vector<16xi32>
    tpu.vector_store %arg7[%swap3A_69], %swap3A_72 {strides = array<i32>} : memref<64xi32, #tpu.memory_space<vmem>>, vector<16xi32>,
    %iota3A_73 = tpu.iota {dimensions = array<i32: 0>} : vector<16xi32>
    %add3A_74 = arith.constant 64 : i32
    %add3A_75 = arith.addi %rem3A_3, %add3A_74 : i32
    %add3A_76 = arith.constant 48 : i32
    %add3A_77 = arith.addi %add3A_75, %add3A_76 : i32
    %add3A_78 = vector.broadcast %add3A_77 : i32 to vector<16xi32>
    %add3A_79 = arith.addi %iota3A_73, %add3A_78 : vector<16xi32>
    %swap3A_80 = arith.constant 48 : index
    %swap3A_81 = tpu.vector_load %arg8[%swap3A_80] {strides = array<i32>} : memref<64xi32, #tpu.memory_space<vmem>>, vector<16xi32>,
    %swap3A_82 = vector.shape_cast %swap3A_81 : vector<16xi32> to vector<16xi32>
    %swap3A_83 = vector.shape_cast %add3A_79 : vector<16xi32> to vector<16xi32>
    tpu.vector_store %arg8[%swap3A_80], %swap3A_83 {strides = array<i32>} : memref<64xi32, #tpu.memory_space<vmem>>, vector<16xi32>,
    %dma_start3A = arith.constant 0 : i32
    %dma_start3A_84 = arith.constant 0 : i32
    %dma_start3A_85 = tpu.memref_slice %arg2[%dma_start3A, %dma_start3A_84] : memref<2048x768xf32, #tpu.memory_space<hbm>> -> memref<2048x768xf32, #tpu.memory_space<hbm>>
    tpu.enqueue_indirect_dma source(%dma_start3A_85 : memref<2048x768xf32, #tpu.memory_space<hbm>>) target(%arg9 : memref<64x768xf32, #tpu.memory_space<vmem>>) offsets(%arg7 : memref<64xi32, #tpu.memory_space<vmem>>) semaphore(%arg11 : memref<!tpu.dma_semaphore, #tpu.memory_space<semaphore_mem>>)
    %dma_start3A_86 = arith.constant 0 : i32
    %dma_start3A_87 = arith.constant 0 : i32
    %dma_start3A_88 = tpu.memref_slice %arg2[%dma_start3A_86, %dma_start3A_87] : memref<2048x768xf32, #tpu.memory_space<hbm>> -> memref<2048x768xf32, #tpu.memory_space<hbm>>
    tpu.enqueue_indirect_dma source(%dma_start3A_88 : memref<2048x768xf32, #tpu.memory_space<hbm>>) target(%arg10 : memref<64x768xf32, #tpu.memory_space<vmem>>) offsets(%arg8 : memref<64xi32, #tpu.memory_space<vmem>>) semaphore(%arg12 : memref<!tpu.dma_semaphore, #tpu.memory_space<semaphore_mem>>)
    %dma_wait3A = arith.constant 0 : i32
    %dma_wait3A_89 = arith.constant 0 : i32
    %dma_wait3A_90 = tpu.memref_slice %arg2[%dma_wait3A, %dma_wait3A_89] : memref<2048x768xf32, #tpu.memory_space<hbm>> -> memref<2048x768xf32, #tpu.memory_space<hbm>>
    tpu.wait_indirect_dma semaphore(%arg11 : memref<!tpu.dma_semaphore, #tpu.memory_space<semaphore_mem>>) src(%dma_wait3A_90 : memref<2048x768xf32, #tpu.memory_space<hbm>>) dst(%arg9 : memref<64x768xf32, #tpu.memory_space<vmem>>)
    %dma_start3A_91 = arith.constant 0 : i32
    %dma_start3A_92 = arith.constant 0 : i32
    %dma_start3A_93 = tpu.memref_slice %arg4[%dma_start3A_91, %dma_start3A_92] : memref<8192x768xf32, #tpu.memory_space<hbm>> -> memref<8192x768xf32, #tpu.memory_space<hbm>>
    tpu.enqueue_indirect_dma source(%arg9 : memref<64x768xf32, #tpu.memory_space<vmem>>) target(%dma_start3A_93 : memref<8192x768xf32, #tpu.memory_space<hbm>>) offsets(%arg5 : memref<64xi32, #tpu.memory_space<vmem>>) semaphore(%arg11 : memref<!tpu.dma_semaphore, #tpu.memory_space<semaphore_mem>>)
    %dma_wait3A_94 = arith.constant 0 : i32
    %dma_wait3A_95 = arith.constant 0 : i32
    %dma_wait3A_96 = tpu.memref_slice %arg2[%dma_wait3A_94, %dma_wait3A_95] : memref<2048x768xf32, #tpu.memory_space<hbm>> -> memref<2048x768xf32, #tpu.memory_space<hbm>>
    tpu.wait_indirect_dma semaphore(%arg12 : memref<!tpu.dma_semaphore, #tpu.memory_space<semaphore_mem>>) src(%dma_wait3A_96 : memref<2048x768xf32, #tpu.memory_space<hbm>>) dst(%arg10 : memref<64x768xf32, #tpu.memory_space<vmem>>)
    %dma_start3A_97 = arith.constant 0 : i32
    %dma_start3A_98 = arith.constant 0 : i32
    %dma_start3A_99 = tpu.memref_slice %arg4[%dma_start3A_97, %dma_start3A_98] : memref<8192x768xf32, #tpu.memory_space<hbm>> -> memref<8192x768xf32, #tpu.memory_space<hbm>>
    tpu.enqueue_indirect_dma source(%arg10 : memref<64x768xf32, #tpu.memory_space<vmem>>) target(%dma_start3A_99 : memref<8192x768xf32, #tpu.memory_space<hbm>>) offsets(%arg6 : memref<64xi32, #tpu.memory_space<vmem>>) semaphore(%arg12 : memref<!tpu.dma_semaphore, #tpu.memory_space<semaphore_mem>>)
    %dma_wait3A_100 = arith.constant 0 : i32
    %dma_wait3A_101 = arith.constant 0 : i32
    %dma_wait3A_102 = tpu.memref_slice %arg4[%dma_wait3A_100, %dma_wait3A_101] : memref<8192x768xf32, #tpu.memory_space<hbm>> -> memref<8192x768xf32, #tpu.memory_space<hbm>>
    tpu.wait_indirect_dma semaphore(%arg11 : memref<!tpu.dma_semaphore, #tpu.memory_space<semaphore_mem>>) src(%arg9 : memref<64x768xf32, #tpu.memory_space<vmem>>) dst(%dma_wait3A_102 : memref<8192x768xf32, #tpu.memory_space<hbm>>)
    %dma_wait3A_103 = arith.constant 0 : i32
    %dma_wait3A_104 = arith.constant 0 : i32
    %dma_wait3A_105 = tpu.memref_slice %arg4[%dma_wait3A_103, %dma_wait3A_104] : memref<8192x768xf32, #tpu.memory_space<hbm>> -> memref<8192x768xf32, #tpu.memory_space<hbm>>
    tpu.wait_indirect_dma semaphore(%arg12 : memref<!tpu.dma_semaphore, #tpu.memory_space<semaphore_mem>>) src(%arg10 : memref<64x768xf32, #tpu.memory_space<vmem>>) dst(%dma_wait3A_105 : memref<8192x768xf32, #tpu.memory_space<hbm>>)
    return
  }
}

module attributes {stable_mosaic.version = 14 : i64} {
  func.func @_router_body(%arg0: memref<2048x768xf32, #tpu.memory_space<vmem>>, %arg1: memref<768x8xf32, #tpu.memory_space<vmem>>, %arg2: memref<8xf32, #tpu.memory_space<vmem>>, %arg3: memref<2048x2xf32, #tpu.memory_space<vmem>>, %arg4: memref<2048x2xi32, #tpu.memory_space<vmem>>, %arg5: memref<1x1xf32, #tpu.memory_space<vmem>>, %arg6: memref<4096x1xi32, #tpu.memory_space<vmem>>, %arg7: memref<17x1xi32, #tpu.memory_space<vmem>>, %arg8: memref<2048x128xf32, #tpu.memory_space<vmem>>, %arg9: memref<2048x128xf32, #tpu.memory_space<vmem>>) attributes {dimension_semantics = [], scalar_prefetch = 0 : i64, scratch_operands = 0 : i64, tpu.core_type = #tpu.core_type<tc>} {
    %get3A = arith.constant 0 : index
    %get3A_0 = arith.constant 0 : index
    %get3A_1 = vector.load %arg0[%get3A, %get3A_0] : memref<2048x768xf32, #tpu.memory_space<vmem>>, vector<2048x768xf32>
    %convert_element_type3A = arith.truncf %get3A_1 : vector<2048x768xf32> to vector<2048x768xbf16>
    %get3A_2 = arith.constant 0 : index
    %get3A_3 = arith.constant 0 : index
    %get3A_4 = vector.load %arg1[%get3A_2, %get3A_3] : memref<768x8xf32, #tpu.memory_space<vmem>>, vector<768x8xf32>
    %convert_element_type3A_5 = arith.truncf %get3A_4 : vector<768x8xf32> to vector<768x8xbf16>
    %dot_general3A = arith.constant dense<0.000000e+00> : vector<2048x8xf32>
    %dot_general3A_6 = tpu.matmul %convert_element_type3A, %convert_element_type3A_5, %dot_general3A {dimension_numbers = #tpu.dot_dimension_numbers<[1], [0], [0], [1], [0, 0, 1, 1], [], []>, transpose_lhs_hint = false} : vector<2048x768xbf16>, vector<768x8xbf16>, vector<2048x8xf32> -> vector<2048x8xf32>
    %get3A_7 = arith.constant 0 : index
    %get3A_8 = vector.load %arg2[%get3A_7] : memref<8xf32, #tpu.memory_space<vmem>>, vector<8xf32>
    %broadcast_in_dim3A = vector.shape_cast %get3A_8 : vector<8xf32> to vector<1x8xf32>
    %add3A = vector.broadcast %broadcast_in_dim3A : vector<1x8xf32> to vector<2048x8xf32>
    %add3A_9 = arith.addf %dot_general3A_6, %add3A : vector<2048x8xf32>
    %reduce_max3A = arith.constant dense<0xFF800000> : vector<2048xf32>
    %reduce_max3A_10 = vector.multi_reduction <maximumf>, %add3A_9, %reduce_max3A [1] : vector<2048x8xf32> to vector<2048xf32>
    %broadcast_in_dim3A_11 = vector.shape_cast %reduce_max3A_10 : vector<2048xf32> to vector<2048x1xf32>
    %sub3A = vector.broadcast %broadcast_in_dim3A_11 : vector<2048x1xf32> to vector<2048x8xf32>
    %sub3A_12 = arith.subf %add3A_9, %sub3A : vector<2048x8xf32>
    %exp3A = math.exp %sub3A_12 : vector<2048x8xf32>
    %reduce_sum3A = arith.constant dense<0.000000e+00> : vector<2048xf32>
    %reduce_sum3A_13 = vector.multi_reduction <add>, %exp3A, %reduce_sum3A [1] : vector<2048x8xf32> to vector<2048xf32>
    %broadcast_in_dim3A_14 = vector.shape_cast %reduce_sum3A_13 : vector<2048xf32> to vector<2048x1xf32>
    %div3A = vector.broadcast %broadcast_in_dim3A_14 : vector<2048x1xf32> to vector<2048x8xf32>
    %div3A_15 = arith.divf %exp3A, %div3A : vector<2048x8xf32>
    %iota3A = tpu.iota {dimensions = array<i32: 1>} : vector<2048x8xi32>
    %reduce_max3A_16 = arith.constant dense<0xFF800000> : vector<2048xf32>
    %reduce_max3A_17 = vector.multi_reduction <maximumf>, %div3A_15, %reduce_max3A_16 [1] : vector<2048x8xf32> to vector<2048xf32>
    %broadcast_in_dim3A_18 = vector.shape_cast %reduce_max3A_17 : vector<2048xf32> to vector<2048x1xf32>
    %eq3A = vector.broadcast %broadcast_in_dim3A_18 : vector<2048x1xf32> to vector<2048x8xf32>
    %eq3A_19 = arith.cmpf oeq, %div3A_15, %eq3A : vector<2048x8xf32>
    %jit3A = arith.constant 8 : i32
    %broadcast_in_dim3A_20 = vector.broadcast %jit3A : i32 to vector<2048x8xi32>
    %select_n3A = arith.select %eq3A_19, %iota3A, %broadcast_in_dim3A_20 : vector<2048x8xi1>, vector<2048x8xi32>
    %reduce_min3A = arith.constant dense<2147483647> : vector<2048xi32>
    %reduce_min3A_21 = vector.multi_reduction <minsi>, %select_n3A, %reduce_min3A [1] : vector<2048x8xi32> to vector<2048xi32>
    %broadcast_in_dim3A_22 = vector.shape_cast %reduce_min3A_21 : vector<2048xi32> to vector<2048x1xi32>
    %eq3A_23 = vector.broadcast %broadcast_in_dim3A_22 : vector<2048x1xi32> to vector<2048x8xi32>
    %eq3A_24 = arith.cmpi eq, %iota3A, %eq3A_23 : vector<2048x8xi32>
    %jit3A_25 = arith.constant 0xFF800000 : f32
    %broadcast_in_dim3A_26 = vector.broadcast %jit3A_25 : f32 to vector<2048x8xf32>
    %select_n3A_27 = arith.select %eq3A_24, %broadcast_in_dim3A_26, %div3A_15 : vector<2048x8xi1>, vector<2048x8xf32>
    %reduce_max3A_28 = arith.constant dense<0xFF800000> : vector<2048xf32>
    %reduce_max3A_29 = vector.multi_reduction <maximumf>, %select_n3A_27, %reduce_max3A_28 [1] : vector<2048x8xf32> to vector<2048xf32>
    %broadcast_in_dim3A_30 = vector.shape_cast %reduce_max3A_29 : vector<2048xf32> to vector<2048x1xf32>
    %eq3A_31 = vector.broadcast %broadcast_in_dim3A_30 : vector<2048x1xf32> to vector<2048x8xf32>
    %eq3A_32 = arith.cmpf oeq, %select_n3A_27, %eq3A_31 : vector<2048x8xf32>
    %jit3A_33 = arith.constant 8 : i32
    %broadcast_in_dim3A_34 = vector.broadcast %jit3A_33 : i32 to vector<2048x8xi32>
    %select_n3A_35 = arith.select %eq3A_32, %iota3A, %broadcast_in_dim3A_34 : vector<2048x8xi1>, vector<2048x8xi32>
    %reduce_min3A_36 = arith.constant dense<2147483647> : vector<2048xi32>
    %reduce_min3A_37 = vector.multi_reduction <minsi>, %select_n3A_35, %reduce_min3A_36 [1] : vector<2048x8xi32> to vector<2048xi32>
    %broadcast_in_dim3A_38 = vector.shape_cast %reduce_min3A_37 : vector<2048xi32> to vector<2048x1xi32>
    %concatenate3A = tpu.concatenate %broadcast_in_dim3A_18, %broadcast_in_dim3A_30 in 1 : vector<2048x1xf32>, vector<2048x1xf32> -> vector<2048x2xf32>
    %swap3A = arith.constant 0 : index
    %swap3A_39 = arith.constant 0 : index
    %swap3A_40 = vector.load %arg3[%swap3A, %swap3A_39] : memref<2048x2xf32, #tpu.memory_space<vmem>>, vector<2048x2xf32>
    tpu.vector_store %arg3[%swap3A, %swap3A_39], %concatenate3A {strides = array<i32>} : memref<2048x2xf32, #tpu.memory_space<vmem>>, vector<2048x2xf32>,
    %concatenate3A_41 = tpu.concatenate %broadcast_in_dim3A_22, %broadcast_in_dim3A_38 in 1 : vector<2048x1xi32>, vector<2048x1xi32> -> vector<2048x2xi32>
    %swap3A_42 = arith.constant 0 : index
    %swap3A_43 = arith.constant 0 : index
    %swap3A_44 = vector.load %arg4[%swap3A_42, %swap3A_43] : memref<2048x2xi32, #tpu.memory_space<vmem>>, vector<2048x2xi32>
    tpu.vector_store %arg4[%swap3A_42, %swap3A_43], %concatenate3A_41 {strides = array<i32>} : memref<2048x2xi32, #tpu.memory_space<vmem>>, vector<2048x2xi32>,
    %eq3A_45 = vector.broadcast %broadcast_in_dim3A_22 : vector<2048x1xi32> to vector<2048x8xi32>
    %eq3A_46 = arith.cmpi eq, %iota3A, %eq3A_45 : vector<2048x8xi32>
    %convert_element_type3A_47 = arith.extui %eq3A_46 : vector<2048x8xi1> to vector<2048x8xi32>
    %eq3A_48 = vector.broadcast %broadcast_in_dim3A_38 : vector<2048x1xi32> to vector<2048x8xi32>
    %eq3A_49 = arith.cmpi eq, %iota3A, %eq3A_48 : vector<2048x8xi32>
    %convert_element_type3A_50 = arith.extui %eq3A_49 : vector<2048x8xi1> to vector<2048x8xi32>
    %add3A_51 = arith.addi %convert_element_type3A_47, %convert_element_type3A_50 : vector<2048x8xi32>
    %convert_element_type3A_52 = arith.sitofp %add3A_51 : vector<2048x8xi32> to vector<2048x8xf32>
    %reduce_sum3A_53 = arith.constant dense<0.000000e+00> : vector<8xf32>
    %reduce_sum3A_54 = vector.multi_reduction <add>, %convert_element_type3A_52, %reduce_sum3A_53 [0] : vector<2048x8xf32> to vector<8xf32>
    %broadcast_in_dim3A_55 = vector.shape_cast %reduce_sum3A_54 : vector<8xf32> to vector<1x8xf32>
    %div3A_56 = arith.constant 2.048000e+03 : f32
    %div3A_57 = vector.broadcast %div3A_56 : f32 to vector<1x8xf32>
    %div3A_58 = arith.divf %broadcast_in_dim3A_55, %div3A_57 : vector<1x8xf32>
    %reduce_sum3A_59 = arith.constant dense<0.000000e+00> : vector<8xf32>
    %reduce_sum3A_60 = vector.multi_reduction <add>, %div3A_15, %reduce_sum3A_59 [0] : vector<2048x8xf32> to vector<8xf32>
    %broadcast_in_dim3A_61 = vector.shape_cast %reduce_sum3A_60 : vector<8xf32> to vector<1x8xf32>
    %div3A_62 = arith.constant 2.048000e+03 : f32
    %div3A_63 = vector.broadcast %div3A_62 : f32 to vector<1x8xf32>
    %div3A_64 = arith.divf %broadcast_in_dim3A_61, %div3A_63 : vector<1x8xf32>
    %mul3A = arith.mulf %div3A_58, %div3A_64 : vector<1x8xf32>
    %reduce_sum3A_65 = arith.constant dense<0.000000e+00> : vector<1xf32>
    %reduce_sum3A_66 = vector.multi_reduction <add>, %mul3A, %reduce_sum3A_65 [1] : vector<1x8xf32> to vector<1xf32>
    %broadcast_in_dim3A_67 = vector.shape_cast %reduce_sum3A_66 : vector<1xf32> to vector<1x1xf32>
    %mul3A_68 = arith.constant 8.000000e+00 : f32
    %mul3A_69 = vector.broadcast %mul3A_68 : f32 to vector<1x1xf32>
    %mul3A_70 = arith.mulf %mul3A_69, %broadcast_in_dim3A_67 : vector<1x1xf32>
    %max3A = arith.maximumf %broadcast_in_dim3A_18, %broadcast_in_dim3A_30 : vector<2048x1xf32>
    %sub3A_71 = arith.subf %broadcast_in_dim3A_18, %max3A : vector<2048x1xf32>
    %exp3A_72 = math.exp %sub3A_71 : vector<2048x1xf32>
    %sub3A_73 = arith.subf %broadcast_in_dim3A_30, %max3A : vector<2048x1xf32>
    %exp3A_74 = math.exp %sub3A_73 : vector<2048x1xf32>
    %add3A_75 = arith.addf %exp3A_72, %exp3A_74 : vector<2048x1xf32>
    %log3A = math.log %add3A_75 : vector<2048x1xf32>
    %add3A_76 = arith.addf %max3A, %log3A : vector<2048x1xf32>
    %mul3A_77 = arith.mulf %add3A_76, %add3A_76 : vector<2048x1xf32>
    %reduce_sum3A_78 = arith.constant dense<0.000000e+00> : vector<1xf32>
    %reduce_sum3A_79 = vector.multi_reduction <add>, %mul3A_77, %reduce_sum3A_78 [0] : vector<2048x1xf32> to vector<1xf32>
    %broadcast_in_dim3A_80 = vector.shape_cast %reduce_sum3A_79 : vector<1xf32> to vector<1x1xf32>
    %div3A_81 = arith.constant 2.048000e+03 : f32
    %div3A_82 = vector.broadcast %div3A_81 : f32 to vector<1x1xf32>
    %div3A_83 = arith.divf %broadcast_in_dim3A_80, %div3A_82 : vector<1x1xf32>
    %mul3A_84 = arith.constant 1.000000e-03 : f32
    %mul3A_85 = vector.broadcast %mul3A_84 : f32 to vector<1x1xf32>
    %mul3A_86 = arith.mulf %mul3A_70, %mul3A_85 : vector<1x1xf32>
    %mul3A_87 = arith.constant 1.000000e-03 : f32
    %mul3A_88 = vector.broadcast %mul3A_87 : f32 to vector<1x1xf32>
    %mul3A_89 = arith.mulf %div3A_83, %mul3A_88 : vector<1x1xf32>
    %add3A_90 = arith.addf %mul3A_86, %mul3A_89 : vector<1x1xf32>
    %swap3A_91 = arith.constant 0 : index
    %swap3A_92 = arith.constant 0 : index
    %swap3A_93 = vector.load %arg5[%swap3A_91, %swap3A_92] : memref<1x1xf32, #tpu.memory_space<vmem>>, vector<1x1xf32>
    tpu.vector_store %arg5[%swap3A_91, %swap3A_92], %add3A_90 {strides = array<i32>} : memref<1x1xf32, #tpu.memory_space<vmem>>, vector<1x1xf32>,
    %concatenate3A_94 = tpu.concatenate %convert_element_type3A_47, %convert_element_type3A_50 in 1 : vector<2048x8xi32>, vector<2048x8xi32> -> vector<2048x16xi32>
    %broadcast_in_dim3A_95 = arith.constant 0 : i32
    %broadcast_in_dim3A_96 = vector.broadcast %broadcast_in_dim3A_95 : i32 to vector<1x16xi32>
    %slice3A = vector.extract_strided_slice %concatenate3A_94 {offsets = [0, 0], sizes = [2047, 16], strides = [1, 1]} : vector<2048x16xi32> to vector<2047x16xi32>
    %concatenate3A_97 = tpu.concatenate %broadcast_in_dim3A_96, %slice3A in 0 : vector<1x16xi32>, vector<2047x16xi32> -> vector<2048x16xi32>
    %add3A_98 = arith.addi %concatenate3A_94, %concatenate3A_97 : vector<2048x16xi32>
    %broadcast_in_dim3A_99 = arith.constant 0 : i32
    %broadcast_in_dim3A_100 = vector.broadcast %broadcast_in_dim3A_99 : i32 to vector<2x16xi32>
    %slice3A_101 = vector.extract_strided_slice %add3A_98 {offsets = [0, 0], sizes = [2046, 16], strides = [1, 1]} : vector<2048x16xi32> to vector<2046x16xi32>
    %concatenate3A_102 = tpu.concatenate %broadcast_in_dim3A_100, %slice3A_101 in 0 : vector<2x16xi32>, vector<2046x16xi32> -> vector<2048x16xi32>
    %add3A_103 = arith.addi %add3A_98, %concatenate3A_102 : vector<2048x16xi32>
    %broadcast_in_dim3A_104 = arith.constant 0 : i32
    %broadcast_in_dim3A_105 = vector.broadcast %broadcast_in_dim3A_104 : i32 to vector<4x16xi32>
    %slice3A_106 = vector.extract_strided_slice %add3A_103 {offsets = [0, 0], sizes = [2044, 16], strides = [1, 1]} : vector<2048x16xi32> to vector<2044x16xi32>
    %concatenate3A_107 = tpu.concatenate %broadcast_in_dim3A_105, %slice3A_106 in 0 : vector<4x16xi32>, vector<2044x16xi32> -> vector<2048x16xi32>
    %add3A_108 = arith.addi %add3A_103, %concatenate3A_107 : vector<2048x16xi32>
    %broadcast_in_dim3A_109 = arith.constant 0 : i32
    %broadcast_in_dim3A_110 = vector.broadcast %broadcast_in_dim3A_109 : i32 to vector<8x16xi32>
    %slice3A_111 = vector.extract_strided_slice %add3A_108 {offsets = [0, 0], sizes = [2040, 16], strides = [1, 1]} : vector<2048x16xi32> to vector<2040x16xi32>
    %concatenate3A_112 = tpu.concatenate %broadcast_in_dim3A_110, %slice3A_111 in 0 : vector<8x16xi32>, vector<2040x16xi32> -> vector<2048x16xi32>
    %add3A_113 = arith.addi %add3A_108, %concatenate3A_112 : vector<2048x16xi32>
    %broadcast_in_dim3A_114 = arith.constant 0 : i32
    %broadcast_in_dim3A_115 = vector.broadcast %broadcast_in_dim3A_114 : i32 to vector<16x16xi32>
    %slice3A_116 = vector.extract_strided_slice %add3A_113 {offsets = [0, 0], sizes = [2032, 16], strides = [1, 1]} : vector<2048x16xi32> to vector<2032x16xi32>
    %concatenate3A_117 = tpu.concatenate %broadcast_in_dim3A_115, %slice3A_116 in 0 : vector<16x16xi32>, vector<2032x16xi32> -> vector<2048x16xi32>
    %add3A_118 = arith.addi %add3A_113, %concatenate3A_117 : vector<2048x16xi32>
    %broadcast_in_dim3A_119 = arith.constant 0 : i32
    %broadcast_in_dim3A_120 = vector.broadcast %broadcast_in_dim3A_119 : i32 to vector<32x16xi32>
    %slice3A_121 = vector.extract_strided_slice %add3A_118 {offsets = [0, 0], sizes = [2016, 16], strides = [1, 1]} : vector<2048x16xi32> to vector<2016x16xi32>
    %concatenate3A_122 = tpu.concatenate %broadcast_in_dim3A_120, %slice3A_121 in 0 : vector<32x16xi32>, vector<2016x16xi32> -> vector<2048x16xi32>
    %add3A_123 = arith.addi %add3A_118, %concatenate3A_122 : vector<2048x16xi32>
    %broadcast_in_dim3A_124 = arith.constant 0 : i32
    %broadcast_in_dim3A_125 = vector.broadcast %broadcast_in_dim3A_124 : i32 to vector<64x16xi32>
    %slice3A_126 = vector.extract_strided_slice %add3A_123 {offsets = [0, 0], sizes = [1984, 16], strides = [1, 1]} : vector<2048x16xi32> to vector<1984x16xi32>
    %concatenate3A_127 = tpu.concatenate %broadcast_in_dim3A_125, %slice3A_126 in 0 : vector<64x16xi32>, vector<1984x16xi32> -> vector<2048x16xi32>
    %add3A_128 = arith.addi %add3A_123, %concatenate3A_127 : vector<2048x16xi32>
    %broadcast_in_dim3A_129 = arith.constant 0 : i32
    %broadcast_in_dim3A_130 = vector.broadcast %broadcast_in_dim3A_129 : i32 to vector<128x16xi32>
    %slice3A_131 = vector.extract_strided_slice %add3A_128 {offsets = [0, 0], sizes = [1920, 16], strides = [1, 1]} : vector<2048x16xi32> to vector<1920x16xi32>
    %concatenate3A_132 = tpu.concatenate %broadcast_in_dim3A_130, %slice3A_131 in 0 : vector<128x16xi32>, vector<1920x16xi32> -> vector<2048x16xi32>
    %add3A_133 = arith.addi %add3A_128, %concatenate3A_132 : vector<2048x16xi32>
    %broadcast_in_dim3A_134 = arith.constant 0 : i32
    %broadcast_in_dim3A_135 = vector.broadcast %broadcast_in_dim3A_134 : i32 to vector<256x16xi32>
    %slice3A_136 = vector.extract_strided_slice %add3A_133 {offsets = [0, 0], sizes = [1792, 16], strides = [1, 1]} : vector<2048x16xi32> to vector<1792x16xi32>
    %concatenate3A_137 = tpu.concatenate %broadcast_in_dim3A_135, %slice3A_136 in 0 : vector<256x16xi32>, vector<1792x16xi32> -> vector<2048x16xi32>
    %add3A_138 = arith.addi %add3A_133, %concatenate3A_137 : vector<2048x16xi32>
    %broadcast_in_dim3A_139 = arith.constant 0 : i32
    %broadcast_in_dim3A_140 = vector.broadcast %broadcast_in_dim3A_139 : i32 to vector<512x16xi32>
    %slice3A_141 = vector.extract_strided_slice %add3A_138 {offsets = [0, 0], sizes = [1536, 16], strides = [1, 1]} : vector<2048x16xi32> to vector<1536x16xi32>
    %concatenate3A_142 = tpu.concatenate %broadcast_in_dim3A_140, %slice3A_141 in 0 : vector<512x16xi32>, vector<1536x16xi32> -> vector<2048x16xi32>
    %add3A_143 = arith.addi %add3A_138, %concatenate3A_142 : vector<2048x16xi32>
    %broadcast_in_dim3A_144 = arith.constant 0 : i32
    %broadcast_in_dim3A_145 = vector.broadcast %broadcast_in_dim3A_144 : i32 to vector<1024x16xi32>
    %slice3A_146 = vector.extract_strided_slice %add3A_143 {offsets = [0, 0], sizes = [1024, 16], strides = [1, 1]} : vector<2048x16xi32> to vector<1024x16xi32>
    %concatenate3A_147 = tpu.concatenate %broadcast_in_dim3A_145, %slice3A_146 in 0 : vector<1024x16xi32>, vector<1024x16xi32> -> vector<2048x16xi32>
    %add3A_148 = arith.addi %add3A_143, %concatenate3A_147 : vector<2048x16xi32>
    %sub3A_149 = arith.subi %add3A_148, %concatenate3A_94 : vector<2048x16xi32>
    %slice3A_150 = vector.extract_strided_slice %sub3A_149 {offsets = [0, 0], sizes = [2048, 8], strides = [1, 1]} : vector<2048x16xi32> to vector<2048x8xi32>
    %slice3A_151 = vector.extract_strided_slice %sub3A_149 {offsets = [0, 8], sizes = [2048, 8], strides = [1, 1]} : vector<2048x16xi32> to vector<2048x8xi32>
    %reduce_sum3A_152 = arith.constant dense<0> : vector<8xi32>
    %reduce_sum3A_153 = vector.multi_reduction <add>, %convert_element_type3A_47, %reduce_sum3A_152 [0] : vector<2048x8xi32> to vector<8xi32>
    %broadcast_in_dim3A_154 = vector.shape_cast %reduce_sum3A_153 : vector<8xi32> to vector<1x8xi32>
    %reduce_sum3A_155 = arith.constant dense<0> : vector<8xi32>
    %reduce_sum3A_156 = vector.multi_reduction <add>, %convert_element_type3A_50, %reduce_sum3A_155 [0] : vector<2048x8xi32> to vector<8xi32>
    %broadcast_in_dim3A_157 = vector.shape_cast %reduce_sum3A_156 : vector<8xi32> to vector<1x8xi32>
    %add3A_158 = arith.addi %broadcast_in_dim3A_154, %broadcast_in_dim3A_157 : vector<1x8xi32>
    %add3A_159 = arith.constant 511 : i32
    %add3A_160 = vector.broadcast %add3A_159 : i32 to vector<1x8xi32>
    %add3A_161 = arith.addi %add3A_158, %add3A_160 : vector<1x8xi32>
    %jit3A_162 = arith.constant 512 : i32
    %div3A_163 = vector.broadcast %jit3A_162 : i32 to vector<1x8xi32>
    %div3A_164 = arith.divsi %add3A_161, %div3A_163 : vector<1x8xi32>
    %sign3A = arith.constant 0 : i32
    %sign3A_165 = vector.broadcast %sign3A : i32 to vector<1x8xi32>
    %sign3A_166 = arith.cmpi sgt, %add3A_161, %sign3A_165 : vector<1x8xi32>
    %sign3A_167 = arith.extui %sign3A_166 : vector<1x8xi1> to vector<1x8xi32>
    %sign3A_168 = arith.constant 0 : i32
    %sign3A_169 = vector.broadcast %sign3A_168 : i32 to vector<1x8xi32>
    %sign3A_170 = arith.cmpi slt, %add3A_161, %sign3A_169 : vector<1x8xi32>
    %sign3A_171 = arith.extui %sign3A_170 : vector<1x8xi1> to vector<1x8xi32>
    %sign3A_172 = arith.subi %sign3A_167, %sign3A_171 : vector<1x8xi32>
    %sign3A_173 = arith.constant 0 : i32
    %sign3A_174 = arith.cmpi sgt, %jit3A_162, %sign3A_173 : i32
    %sign3A_175 = arith.extui %sign3A_174 : i1 to i32
    %sign3A_176 = arith.constant 0 : i32
    %sign3A_177 = arith.cmpi slt, %jit3A_162, %sign3A_176 : i32
    %sign3A_178 = arith.extui %sign3A_177 : i1 to i32
    %sign3A_179 = arith.subi %sign3A_175, %sign3A_178 : i32
    %ne3A = vector.broadcast %sign3A_179 : i32 to vector<1x8xi32>
    %ne3A_180 = arith.cmpi ne, %sign3A_172, %ne3A : vector<1x8xi32>
    %rem3A = vector.broadcast %jit3A_162 : i32 to vector<1x8xi32>
    %rem3A_181 = arith.remsi %add3A_161, %rem3A : vector<1x8xi32>
    %ne3A_182 = arith.constant 0 : i32
    %ne3A_183 = vector.broadcast %ne3A_182 : i32 to vector<1x8xi32>
    %ne3A_184 = arith.cmpi ne, %rem3A_181, %ne3A_183 : vector<1x8xi32>
    %and3A = arith.andi %ne3A_180, %ne3A_184 : vector<1x8xi1>
    %sub3A_185 = arith.constant 1 : i32
    %sub3A_186 = vector.broadcast %sub3A_185 : i32 to vector<1x8xi32>
    %sub3A_187 = arith.subi %div3A_164, %sub3A_186 : vector<1x8xi32>
    %select_n3A_188 = arith.select %and3A, %sub3A_187, %div3A_164 : vector<1x8xi1>, vector<1x8xi32>
    %broadcast_in_dim3A_189 = arith.constant 0 : i32
    %broadcast_in_dim3A_190 = vector.broadcast %broadcast_in_dim3A_189 : i32 to vector<1x1xi32>
    %slice3A_191 = vector.extract_strided_slice %select_n3A_188 {offsets = [0, 0], sizes = [1, 7], strides = [1, 1]} : vector<1x8xi32> to vector<1x7xi32>
    %concatenate3A_192 = tpu.concatenate %broadcast_in_dim3A_190, %slice3A_191 in 1 : vector<1x1xi32>, vector<1x7xi32> -> vector<1x8xi32>
    %add3A_193 = arith.addi %select_n3A_188, %concatenate3A_192 : vector<1x8xi32>
    %broadcast_in_dim3A_194 = arith.constant 0 : i32
    %broadcast_in_dim3A_195 = vector.broadcast %broadcast_in_dim3A_194 : i32 to vector<1x2xi32>
    %slice3A_196 = vector.extract_strided_slice %add3A_193 {offsets = [0, 0], sizes = [1, 6], strides = [1, 1]} : vector<1x8xi32> to vector<1x6xi32>
    %concatenate3A_197 = tpu.concatenate %broadcast_in_dim3A_195, %slice3A_196 in 1 : vector<1x2xi32>, vector<1x6xi32> -> vector<1x8xi32>
    %add3A_198 = arith.addi %add3A_193, %concatenate3A_197 : vector<1x8xi32>
    %broadcast_in_dim3A_199 = arith.constant 0 : i32
    %broadcast_in_dim3A_200 = vector.broadcast %broadcast_in_dim3A_199 : i32 to vector<1x4xi32>
    %slice3A_201 = vector.extract_strided_slice %add3A_198 {offsets = [0, 0], sizes = [1, 4], strides = [1, 1]} : vector<1x8xi32> to vector<1x4xi32>
    %concatenate3A_202 = tpu.concatenate %broadcast_in_dim3A_200, %slice3A_201 in 1 : vector<1x4xi32>, vector<1x4xi32> -> vector<1x8xi32>
    %add3A_203 = arith.addi %add3A_198, %concatenate3A_202 : vector<1x8xi32>
    %sub3A_204 = arith.subi %add3A_203, %select_n3A_188 : vector<1x8xi32>
    %mul3A_205 = arith.constant 512 : i32
    %mul3A_206 = vector.broadcast %mul3A_205 : i32 to vector<1x8xi32>
    %mul3A_207 = arith.muli %sub3A_204, %mul3A_206 : vector<1x8xi32>
    %eq3A_208 = vector.broadcast %broadcast_in_dim3A_22 : vector<2048x1xi32> to vector<2048x8xi32>
    %eq3A_209 = arith.cmpi eq, %iota3A, %eq3A_208 : vector<2048x8xi32>
    %add3A_210 = vector.broadcast %mul3A_207 : vector<1x8xi32> to vector<2048x8xi32>
    %add3A_211 = arith.addi %add3A_210, %slice3A_150 : vector<2048x8xi32>
    %jit3A_212 = arith.constant 0 : i32
    %broadcast_in_dim3A_213 = vector.broadcast %jit3A_212 : i32 to vector<2048x8xi32>
    %select_n3A_214 = arith.select %eq3A_209, %add3A_211, %broadcast_in_dim3A_213 : vector<2048x8xi1>, vector<2048x8xi32>
    %reduce_sum3A_215 = arith.constant dense<0> : vector<2048xi32>
    %reduce_sum3A_216 = vector.multi_reduction <add>, %select_n3A_214, %reduce_sum3A_215 [1] : vector<2048x8xi32> to vector<2048xi32>
    %broadcast_in_dim3A_217 = vector.shape_cast %reduce_sum3A_216 : vector<2048xi32> to vector<2048x1xi32>
    %swap3A_218 = arith.constant 0 : index
    %swap3A_219 = arith.constant 0 : index
    %swap3A_220 = vector.load %arg6[%swap3A_218, %swap3A_219] : memref<4096x1xi32, #tpu.memory_space<vmem>>, vector<2048x1xi32>
    tpu.vector_store %arg6[%swap3A_218, %swap3A_219], %broadcast_in_dim3A_217 {strides = array<i32>} : memref<4096x1xi32, #tpu.memory_space<vmem>>, vector<2048x1xi32>,
    %eq3A_221 = vector.broadcast %broadcast_in_dim3A_38 : vector<2048x1xi32> to vector<2048x8xi32>
    %eq3A_222 = arith.cmpi eq, %iota3A, %eq3A_221 : vector<2048x8xi32>
    %add3A_223 = arith.addi %mul3A_207, %broadcast_in_dim3A_154 : vector<1x8xi32>
    %add3A_224 = vector.broadcast %add3A_223 : vector<1x8xi32> to vector<2048x8xi32>
    %add3A_225 = arith.addi %add3A_224, %slice3A_151 : vector<2048x8xi32>
    %jit3A_226 = arith.constant 0 : i32
    %broadcast_in_dim3A_227 = vector.broadcast %jit3A_226 : i32 to vector<2048x8xi32>
    %select_n3A_228 = arith.select %eq3A_222, %add3A_225, %broadcast_in_dim3A_227 : vector<2048x8xi1>, vector<2048x8xi32>
    %reduce_sum3A_229 = arith.constant dense<0> : vector<2048xi32>
    %reduce_sum3A_230 = vector.multi_reduction <add>, %select_n3A_228, %reduce_sum3A_229 [1] : vector<2048x8xi32> to vector<2048xi32>
    %broadcast_in_dim3A_231 = vector.shape_cast %reduce_sum3A_230 : vector<2048xi32> to vector<2048x1xi32>
    %swap3A_232 = arith.constant 2048 : index
    %swap3A_233 = arith.constant 0 : index
    %swap3A_234 = vector.load %arg6[%swap3A_232, %swap3A_233] : memref<4096x1xi32, #tpu.memory_space<vmem>>, vector<2048x1xi32>
    tpu.vector_store %arg6[%swap3A_232, %swap3A_233], %broadcast_in_dim3A_231 {strides = array<i32>} : memref<4096x1xi32, #tpu.memory_space<vmem>>, vector<2048x1xi32>,
    %iota3A_235 = tpu.iota {dimensions = array<i32: 0>} : vector<16x8xi32>
    %le3A = vector.broadcast %add3A_203 : vector<1x8xi32> to vector<16x8xi32>
    %le3A_236 = arith.cmpi sle, %le3A, %iota3A_235 : vector<16x8xi32>
    %convert_element_type3A_237 = arith.extui %le3A_236 : vector<16x8xi1> to vector<16x8xi32>
    %reduce_sum3A_238 = arith.constant dense<0> : vector<16xi32>
    %reduce_sum3A_239 = vector.multi_reduction <add>, %convert_element_type3A_237, %reduce_sum3A_238 [1] : vector<16x8xi32> to vector<16xi32>
    %broadcast_in_dim3A_240 = vector.shape_cast %reduce_sum3A_239 : vector<16xi32> to vector<16x1xi32>
    %min3A = arith.constant 7 : i32
    %min3A_241 = vector.broadcast %min3A : i32 to vector<16x1xi32>
    %min3A_242 = arith.minsi %broadcast_in_dim3A_240, %min3A_241 : vector<16x1xi32>
    %swap3A_243 = arith.constant 0 : index
    %swap3A_244 = arith.constant 0 : index
    %swap3A_245 = vector.load %arg7[%swap3A_243, %swap3A_244] : memref<17x1xi32, #tpu.memory_space<vmem>>, vector<16x1xi32>
    tpu.vector_store %arg7[%swap3A_243, %swap3A_244], %min3A_242 {strides = array<i32>} : memref<17x1xi32, #tpu.memory_space<vmem>>, vector<16x1xi32>,
    %slice3A_246 = vector.extract_strided_slice %add3A_203 {offsets = [0, 7], sizes = [1, 1], strides = [1, 1]} : vector<1x8xi32> to vector<1x1xi32>
    %swap3A_247 = arith.constant 16 : index
    %swap3A_248 = arith.constant 0 : index
    %swap3A_249 = vector.load %arg7[%swap3A_247, %swap3A_248] : memref<17x1xi32, #tpu.memory_space<vmem>>, vector<1x1xi32>
    tpu.vector_store %arg7[%swap3A_247, %swap3A_248], %slice3A_246 {strides = array<i32>} : memref<17x1xi32, #tpu.memory_space<vmem>>, vector<1x1xi32>,
    %broadcast_in_dim3A_250 = arith.constant 1.000000e+00 : f32
    %broadcast_in_dim3A_251 = vector.broadcast %broadcast_in_dim3A_250 : f32 to vector<1x128xf32>
    %mul3A_252 = vector.broadcast %broadcast_in_dim3A_18 : vector<2048x1xf32> to vector<2048x128xf32>
    %mul3A_253 = vector.broadcast %broadcast_in_dim3A_251 : vector<1x128xf32> to vector<2048x128xf32>
    %mul3A_254 = arith.mulf %mul3A_252, %mul3A_253 : vector<2048x128xf32>
    %swap3A_255 = arith.constant 0 : index
    %swap3A_256 = arith.constant 0 : index
    %swap3A_257 = vector.load %arg8[%swap3A_255, %swap3A_256] : memref<2048x128xf32, #tpu.memory_space<vmem>>, vector<2048x128xf32>
    tpu.vector_store %arg8[%swap3A_255, %swap3A_256], %mul3A_254 {strides = array<i32>} : memref<2048x128xf32, #tpu.memory_space<vmem>>, vector<2048x128xf32>,
    %mul3A_258 = vector.broadcast %broadcast_in_dim3A_30 : vector<2048x1xf32> to vector<2048x128xf32>
    %mul3A_259 = vector.broadcast %broadcast_in_dim3A_251 : vector<1x128xf32> to vector<2048x128xf32>
    %mul3A_260 = arith.mulf %mul3A_258, %mul3A_259 : vector<2048x128xf32>
    %swap3A_261 = arith.constant 0 : index
    %swap3A_262 = arith.constant 0 : index
    %swap3A_263 = vector.load %arg9[%swap3A_261, %swap3A_262] : memref<2048x128xf32, #tpu.memory_space<vmem>>, vector<2048x128xf32>
    tpu.vector_store %arg9[%swap3A_261, %swap3A_262], %mul3A_260 {strides = array<i32>} : memref<2048x128xf32, #tpu.memory_space<vmem>>, vector<2048x128xf32>,
    return
  }
}

module attributes {stable_mosaic.version = 14 : i64} {
  func.func @_grouped_ffn_body(%arg0: i32, %arg1: memref<16xi32, #tpu.memory_space<smem>>, %arg2: memref<1xi32, #tpu.memory_space<smem>>, %arg3: memref<512x768xf32, #tpu.memory_space<vmem>>, %arg4: memref<1x768x1024xf32, #tpu.memory_space<vmem>>, %arg5: memref<1x1x1024xf32, #tpu.memory_space<vmem>>, %arg6: memref<1x1024x768xf32, #tpu.memory_space<vmem>>, %arg7: memref<1x1x768xf32, #tpu.memory_space<vmem>>, %arg8: memref<512x768xf32, #tpu.memory_space<vmem>>) attributes {dimension_semantics = [#tpu.dimension_semantics<arbitrary>], iteration_bounds = array<i64: 16>, scalar_prefetch = 2 : i64, scratch_operands = 0 : i64, tpu.core_type = #tpu.core_type<tc>, window_params = [{transform_indices = @transform_0, window_bounds = array<i64: 512, 768>}, {transform_indices = @transform_1, window_bounds = array<i64: 1, 768, 1024>}, {transform_indices = @transform_2, window_bounds = array<i64: 1, 1, 1024>}, {transform_indices = @transform_3, window_bounds = array<i64: 1, 1024, 768>}, {transform_indices = @transform_4, window_bounds = array<i64: 1, 1, 768>}, {transform_indices = @transform_5, window_bounds = array<i64: 512, 768>}]} {
    %get3A = arith.constant 0 : index
    %get3A_0 = memref.load %arg2[%get3A] : memref<1xi32, #tpu.memory_space<smem>>
    %lt3A = arith.cmpi slt, %arg0, %get3A_0 : i32
    %convert_element_type3A = arith.extui %lt3A : i1 to i32
    %cond3A = arith.constant 0 : i32
    %cond3A_1 = arith.cmpi ne, %convert_element_type3A, %cond3A : i32
    scf.if %cond3A_1 {
      %get3A_2 = arith.constant 0 : index
      %get3A_3 = arith.constant 0 : index
      %get3A_4 = vector.load %arg3[%get3A_2, %get3A_3] : memref<512x768xf32, #tpu.memory_space<vmem>>, vector<512x768xf32>
      %convert_element_type3A_5 = arith.truncf %get3A_4 : vector<512x768xf32> to vector<512x768xbf16>
      %get3A_6 = arith.constant 0 : index
      %get3A_7 = arith.constant 0 : index
      %get3A_8 = arith.constant 0 : index
      %get3A_9 = vector.load %arg4[%get3A_6, %get3A_7, %get3A_8] : memref<1x768x1024xf32, #tpu.memory_space<vmem>>, vector<1x768x1024xf32>
      %get3A_10 = vector.shape_cast %get3A_9 : vector<1x768x1024xf32> to vector<768x1024xf32>
      %convert_element_type3A_11 = arith.truncf %get3A_10 : vector<768x1024xf32> to vector<768x1024xbf16>
      %dot_general3A = arith.constant dense<0.000000e+00> : vector<512x1024xf32>
      %dot_general3A_12 = tpu.matmul %convert_element_type3A_5, %convert_element_type3A_11, %dot_general3A {dimension_numbers = #tpu.dot_dimension_numbers<[1], [0], [0], [1], [0, 0, 1, 1], [], []>, transpose_lhs_hint = false} : vector<512x768xbf16>, vector<768x1024xbf16>, vector<512x1024xf32> -> vector<512x1024xf32>
      %get3A_13 = arith.constant 0 : index
      %get3A_14 = arith.constant 0 : index
      %get3A_15 = arith.constant 0 : index
      %get3A_16 = vector.load %arg5[%get3A_13, %get3A_14, %get3A_15] : memref<1x1x1024xf32, #tpu.memory_space<vmem>>, vector<1x1x1024xf32>
      %get3A_17 = vector.shape_cast %get3A_16 : vector<1x1x1024xf32> to vector<1x1024xf32>
      %add3A = vector.broadcast %get3A_17 : vector<1x1024xf32> to vector<512x1024xf32>
      %add3A_18 = arith.addf %dot_general3A_12, %add3A : vector<512x1024xf32>
      %integer_pow3A = arith.mulf %add3A_18, %add3A_18 : vector<512x1024xf32>
      %integer_pow3A_19 = arith.mulf %add3A_18, %integer_pow3A : vector<512x1024xf32>
      %mul3A = arith.constant 4.471500e-02 : f32
      %mul3A_20 = vector.broadcast %mul3A : f32 to vector<512x1024xf32>
      %mul3A_21 = arith.mulf %mul3A_20, %integer_pow3A_19 : vector<512x1024xf32>
      %add3A_22 = arith.addf %add3A_18, %mul3A_21 : vector<512x1024xf32>
      %mul3A_23 = arith.constant 0.797884583 : f32
      %mul3A_24 = vector.broadcast %mul3A_23 : f32 to vector<512x1024xf32>
      %mul3A_25 = arith.mulf %mul3A_24, %add3A_22 : vector<512x1024xf32>
      %tanh3A = math.tanh %mul3A_25 : vector<512x1024xf32>
      %add3A_26 = arith.constant 1.000000e+00 : f32
      %add3A_27 = vector.broadcast %add3A_26 : f32 to vector<512x1024xf32>
      %add3A_28 = arith.addf %add3A_27, %tanh3A : vector<512x1024xf32>
      %mul3A_29 = arith.constant 5.000000e-01 : f32
      %mul3A_30 = vector.broadcast %mul3A_29 : f32 to vector<512x1024xf32>
      %mul3A_31 = arith.mulf %mul3A_30, %add3A_28 : vector<512x1024xf32>
      %mul3A_32 = arith.mulf %add3A_18, %mul3A_31 : vector<512x1024xf32>
      %convert_element_type3A_33 = arith.truncf %mul3A_32 : vector<512x1024xf32> to vector<512x1024xbf16>
      %get3A_34 = arith.constant 0 : index
      %get3A_35 = arith.constant 0 : index
      %get3A_36 = arith.constant 0 : index
      %get3A_37 = vector.load %arg6[%get3A_34, %get3A_35, %get3A_36] : memref<1x1024x768xf32, #tpu.memory_space<vmem>>, vector<1x1024x768xf32>
      %get3A_38 = vector.shape_cast %get3A_37 : vector<1x1024x768xf32> to vector<1024x768xf32>
      %convert_element_type3A_39 = arith.truncf %get3A_38 : vector<1024x768xf32> to vector<1024x768xbf16>
      %dot_general3A_40 = arith.constant dense<0.000000e+00> : vector<512x768xf32>
      %dot_general3A_41 = tpu.matmul %convert_element_type3A_33, %convert_element_type3A_39, %dot_general3A_40 {dimension_numbers = #tpu.dot_dimension_numbers<[1], [0], [0], [1], [0, 0, 1, 1], [], []>, transpose_lhs_hint = false} : vector<512x1024xbf16>, vector<1024x768xbf16>, vector<512x768xf32> -> vector<512x768xf32>
      %get3A_42 = arith.constant 0 : index
      %get3A_43 = arith.constant 0 : index
      %get3A_44 = arith.constant 0 : index
      %get3A_45 = vector.load %arg7[%get3A_42, %get3A_43, %get3A_44] : memref<1x1x768xf32, #tpu.memory_space<vmem>>, vector<1x1x768xf32>
      %get3A_46 = vector.shape_cast %get3A_45 : vector<1x1x768xf32> to vector<1x768xf32>
      %add3A_47 = vector.broadcast %get3A_46 : vector<1x768xf32> to vector<512x768xf32>
      %add3A_48 = arith.addf %dot_general3A_41, %add3A_47 : vector<512x768xf32>
      %swap3A = arith.constant 0 : index
      %swap3A_49 = arith.constant 0 : index
      %swap3A_50 = vector.load %arg8[%swap3A, %swap3A_49] : memref<512x768xf32, #tpu.memory_space<vmem>>, vector<512x768xf32>
      tpu.vector_store %arg8[%swap3A, %swap3A_49], %add3A_48 {strides = array<i32>} : memref<512x768xf32, #tpu.memory_space<vmem>>, vector<512x768xf32>,
    } else {
    }
    return
  }
  func.func @transform_0(%arg0: i32, %arg1: memref<16xi32, #tpu.memory_space<smem>>, %arg2: memref<1xi32, #tpu.memory_space<smem>>) -> (i32, i32) {
    %c0_i32 = arith.constant 0 : i32
    %c0_i32_0 = arith.constant 0 : i32
    return %arg0, %c0_i32 : i32, i32
  }
  func.func @transform_1(%arg0: i32, %arg1: memref<16xi32, #tpu.memory_space<smem>>, %arg2: memref<1xi32, #tpu.memory_space<smem>>) -> (i32, i32, i32) {
    %get3A = arith.index_cast %arg0 : i32 to index
    %get3A_0 = memref.load %arg1[%get3A] : memref<16xi32, #tpu.memory_space<smem>>
    %c0_i32 = arith.constant 0 : i32
    %c0_i32_1 = arith.constant 0 : i32
    %c0_i32_2 = arith.constant 0 : i32
    return %get3A_0, %c0_i32, %c0_i32_1 : i32, i32, i32
  }
  func.func @transform_2(%arg0: i32, %arg1: memref<16xi32, #tpu.memory_space<smem>>, %arg2: memref<1xi32, #tpu.memory_space<smem>>) -> (i32, i32, i32) {
    %get3A = arith.index_cast %arg0 : i32 to index
    %get3A_0 = memref.load %arg1[%get3A] : memref<16xi32, #tpu.memory_space<smem>>
    %c0_i32 = arith.constant 0 : i32
    %c0_i32_1 = arith.constant 0 : i32
    %c0_i32_2 = arith.constant 0 : i32
    return %get3A_0, %c0_i32, %c0_i32_1 : i32, i32, i32
  }
  func.func @transform_3(%arg0: i32, %arg1: memref<16xi32, #tpu.memory_space<smem>>, %arg2: memref<1xi32, #tpu.memory_space<smem>>) -> (i32, i32, i32) {
    %get3A = arith.index_cast %arg0 : i32 to index
    %get3A_0 = memref.load %arg1[%get3A] : memref<16xi32, #tpu.memory_space<smem>>
    %c0_i32 = arith.constant 0 : i32
    %c0_i32_1 = arith.constant 0 : i32
    %c0_i32_2 = arith.constant 0 : i32
    return %get3A_0, %c0_i32, %c0_i32_1 : i32, i32, i32
  }
  func.func @transform_4(%arg0: i32, %arg1: memref<16xi32, #tpu.memory_space<smem>>, %arg2: memref<1xi32, #tpu.memory_space<smem>>) -> (i32, i32, i32) {
    %get3A = arith.index_cast %arg0 : i32 to index
    %get3A_0 = memref.load %arg1[%get3A] : memref<16xi32, #tpu.memory_space<smem>>
    %c0_i32 = arith.constant 0 : i32
    %c0_i32_1 = arith.constant 0 : i32
    %c0_i32_2 = arith.constant 0 : i32
    return %get3A_0, %c0_i32, %c0_i32_1 : i32, i32, i32
  }
  func.func @transform_5(%arg0: i32, %arg1: memref<16xi32, #tpu.memory_space<smem>>, %arg2: memref<1xi32, #tpu.memory_space<smem>>) -> (i32, i32) {
    %c0_i32 = arith.constant 0 : i32
    %c0_i32_0 = arith.constant 0 : i32
    return %arg0, %c0_i32 : i32, i32
  }
}

</mosaic_0001>

<sc_bundles>
// kernel: kernel.6.cloned.1.call-start
scs
__scs_entry_jumppad:
0x0: {  	(pc) =	sbr.rel $0x88, $3  }
0x1: {  	(tag) =	ssettag $0x0;
	lr =	simm.s32 $0x1  }
0x2: {  	[smem:$0x3F9A] =	sst lr;
	_ =	strace $0xD0000000  }
0x3: {  	_ = 	snop  }
0x4: {  	_ = 	snop  }
0x5: {  	_ = 	snop  }
0x6: {  	_ = 	snop  }
0x7: {  	_ = 	snop  }
__scs_overlays_trampoline_lowered:
0x8: {  	[smem:$0x3FA9] =	sst s0  }
0x9: {  	[smem:$0x3FAA] =	sst s1  }
0xa: {  	[smem:$0x3FAB] =	sst s2  }
0xb: {  	[smem:$0x3FAC] =	sst s3  }
0xc: {  	[smem:$0x3FAD] =	sst s4  }
0xd: {  	[smem:$0x3FAE] =	sst s5  }
0xe: {  	[smem:$0x3FAF] =	sst s6  }
0xf: {  	[smem:$0x3FB0] =	sst s7  }
0x10: {  	[smem:$0x3FB1] =	sst s8  }
0x11: {  	[smem:$0x3FB2] =	sst s9;
	s0 =	simm.s32 @!p0 $0x0  }
0x12: {  	s1 =	sld [smem:$0x3F98];
	s0 =	simm.s32 @p0 $0x1  }
0x13: {  	[smem:$0x3FB3] =	sst s0;
	s0 =	simm.s32 @!p1 $0x0  }
0x14: {  	s2 =	sld [smem:$0x3F97];
	s0 =	simm.s32 @p1 $0x1  }
0x15: {  	[smem:$0x3FB4] =	sst s0;
	s0 =	simm.s32 @!p2 $0x0  }
0x16: {  	s3 =	sld [smem:$0x3FDB];
	s0 =	simm.s32 @p2 $0x1  }
0x17: {  	s4 =	simm.s32 $0x1BF5;
	[smem:$0x3FB6] =	sst s0  }
0x18: {  	s0 =	sld [smem:$0x3F99];
	_ =	swait.ge [sflag:s4], $0x0  }
0x19: {  	s7 =	sld [smem:$0x3F9A]  }
0x1a: {  	s8 =	sadd.s32 $0xFFFFE003, lr  }
0x1b: {  	s9 =	sadd.s32 $0xFFFFFEF7, lr;
	s5 =	simm.s32 $0xFFFFFFFF;
	p2 =	slt.u32 s8, $0xFFFFF086  }
0x1c: {  	p1 =	slt.u32 s9, $0xF7A;
	s5 =	simm.s32 @!p2 $0x0  }
0x1d: {  	s5 =	simm.s32 @p1 $0x1;
	p0 =	seq.s32 s7, s2  }
0x1e: {  	s7 =	smul.u32 @!p0 $0xF7A, s2;
	p2 =	seq.s32 @!p0 s5, $0x0  }
0x1f: {  	s9 =	smul.u32 $0xF7A, s1;
	s8 =	simm.s32 @!p0 $0x1BF5;
	p2 =	por !p2, p0  }
0x20: {  	[sflag:s8] =	ssyncset.s32 @!p0 $0xFFFFF086;
	s6 =	sadd.s32 @!p0 s3, s7;
	s7 =	simm.s32 @!p0 $0x108  }
0x21: {  	s3 =	sadd.s32 s3, s9;
	s6 =	sadd.s32 @!p0 $0x88, s6;
	s7 =	simm.s32 @p2 $0x1082  }
0x22: {  	[simem:s7], [sflag:s8] =	dma.local @!p0 [hbm:s6], $0xF7A  }
0x23: {  	s9 =	sor.u32 $0xD0000000, s2;
	s6 =	simm.s32 $0x108;
	_ =	swait.ge @!p0 [sflag:s8], $0x0  }
0x24: {  	s3 =	sadd.s32 $0x88, s3;
	s6 =	simm.s32 @!p1 $0x1082;
	[sflag:s4] =	ssyncset.s32 $0xFFFFF086  }
0x25: {  	[simem:s6], [sflag:s4] =	dma.local [hbm:s3], $0xF7A  }
0x26: {  	[smem:$0x3F9A] =	sst s1;
	(tag) =	ssettag s2;
	_ =	strace s9  }
0x27: {  	s1 =	sld [smem:$0x3FAA]  }
0x28: {  	s2 =	sld [smem:$0x3FAB]  }
0x29: {  	s4 =	sld [smem:$0x3FAD]  }
0x2a: {  	p0 =	seq.s32 s5, $0x0;
	s5 =	sld [smem:$0x3FAE]  }
0x2b: {  	s6 =	sld [smem:$0x3FAF]  }
0x2c: {  	s7 =	sld [smem:$0x3FB0]  }
0x2d: {  	s3 =	simm.s32 $0x108;
	s8 =	sld [smem:$0x3FB1]  }
0x2e: {  	s3 =	simm.s32 @!p0 $0x1082;
	s9 =	sld [smem:$0x3FB2]  }
0x2f: {  	lr =	sadd.s32 s0, s3;
	s0 =	sld [smem:$0x3FA9]  }
0x30: {  	s3 =	sld [smem:$0x3FAC]  }
0x31: {  	[smem:$0x3FB5] =	sst s10  }
0x32: {  	s10 =	sld [smem:$0x3FB3];
	_ =	sdelay $0x3  }
0x33: {  	p0 =	seq.s32 s10, $0x1;
	s10 =	sld [smem:$0x3FB5];
	_ =	sdelay $0x3  }
0x34: {  	[smem:$0x3FB5] =	sst s10  }
0x35: {  	s10 =	sld [smem:$0x3FB4];
	_ =	sdelay $0x3  }
0x36: {  	p1 =	seq.s32 s10, $0x1;
	s10 =	sld [smem:$0x3FB5];
	_ =	sdelay $0x3  }
0x37: {  	[smem:$0x3FB5] =	sst s10  }
0x38: {  	s10 =	sld [smem:$0x3FB6]  }
0x39: {  	_ = 	snop;
	(pc) =	sbr.ind lr, $3  }
0x3a: {  	_ = 	snop  }
0x3b: {  	_ = 	snop  }
0x3c: {  	p2 =	seq.s32 s10, $0x1;
	s10 =	sld [smem:$0x3FB5]  }
0x3d: {  	_ =	shalt  }
0x3e: {  	_ =	shalt  }
0x3f: {  	_ =	shalt  }
0x40: {  	_ =	shalt  }
0x41: {  	_ =	shalt  }
0x42: {  	_ =	shalt  }
0x43: {  	_ =	shalt  }
0x44: {  	_ =	shalt  }
0x45: {  	_ =	shalt  }
0x46: {  	_ =	shalt  }
0x47: {  	_ =	shalt  }
0x48: {  	_ =	shalt  }
0x49: {  	_ =	shalt  }
0x4a: {  	_ =	shalt  }
0x4b: {  	_ =	shalt  }
0x4c: {  	_ =	shalt  }
0x4d: {  	_ =	shalt  }
0x4e: {  	_ =	shalt  }
0x4f: {  	_ =	shalt  }
0x50: {  	_ =	shalt  }
0x51: {  	_ =	shalt  }
0x52: {  	_ =	shalt  }
0x53: {  	_ =	shalt  }
0x54: {  	_ =	shalt  }
0x55: {  	_ =	shalt  }
0x56: {  	_ =	shalt  }
0x57: {  	_ =	shalt  }
0x58: {  	_ =	shalt  }
0x59: {  	_ =	shalt  }
0x5a: {  	_ =	shalt  }
0x5b: {  	_ =	shalt  }
0x5c: {  	_ =	shalt  }
0x5d: {  	_ =	shalt  }
0x5e: {  	_ =	shalt  }
0x5f: {  	_ =	shalt  }
0x60: {  	_ =	shalt  }
0x61: {  	_ =	shalt  }
0x62: {  	_ =	shalt  }
0x63: {  	_ =	shalt  }
0x64: {  	_ =	shalt  }
0x65: {  	_ =	shalt  }
0x66: {  	_ =	shalt  }
0x67: {  	_ =	shalt  }
0x68: {  	_ =	shalt  }
0x69: {  	_ =	shalt  }
0x6a: {  	_ =	shalt  }
0x6b: {  	_ =	shalt  }
0x6c: {  	_ =	shalt  }
0x6d: {  	_ =	shalt  }
0x6e: {  	_ =	shalt  }
0x6f: {  	_ =	shalt  }
0x70: {  	_ =	shalt  }
0x71: {  	_ =	shalt  }
0x72: {  	_ =	shalt  }
0x73: {  	_ =	shalt  }
0x74: {  	_ =	shalt  }
0x75: {  	_ =	shalt  }
0x76: {  	_ =	shalt  }
0x77: {  	_ =	shalt  }
0x78: {  	_ =	shalt  }
0x79: {  	_ =	shalt  }
0x7a: {  	_ =	shalt  }
0x7b: {  	_ =	shalt  }
0x7c: {  	_ =	shalt  }
0x7d: {  	_ =	shalt  }
0x7e: {  	_ =	shalt  }
0x7f: {  	_ =	shalt  }
0x80: {  	_ =	shalt  }
0x81: {  	_ =	shalt  }
0x82: {  	_ =	shalt  }
0x83: {  	_ =	shalt  }
0x84: {  	_ =	shalt  }
0x85: {  	_ =	shalt  }
0x86: {  	_ =	shalt  }
0x87: {  	_ =	shalt  }
.Lfunc_end0:
.L_simem_size_0:
called_computation_lowered:
.L_overlay_start_0:
0x88: {  	s2 =	sld [smem:$0x3FD9]  }
0x89: {  	s3 =	sld [smem:$0x3FFE];
	_ =	sdelay $0x1  }
0x8a: {  	s1 =	srdreg.scid  }
0x8b: {  	s0 =	sand.u32 $0x1, s1  }
0x8c: {  	s17 =	sshll.u32 s0, $0xA;
	s2 =	sadd.s32 s3, s2  }
0x8d: {  	s2 =	sadd.s32 s2, s17  }
0x8e: {  	[smem:$0x3FC1] =	sst s2  }
0x8f: {  	_ = 	snop  }
0x90: {  	s2 =	sld [smem:$0x3FC9];
	(tm) =	ssettm $0x1  }
0x91: {  	s18 =	sld [smem:$0x3FFB];
	_ =	sdelay $0x3  }
0x92: {  	_ =	strace s18  }
0x93: {  	s3 =	sld [smem:$0x3FFC];
	_ =	sdelay $0x3  }
0x94: {  	_ =	strace s3  }
0x95: {  	s3 =	sld [smem:$0x3FFD];
	_ =	sdelay $0x3  }
0x96: {  	_ =	strace s3  }
0x97: {  	_ =	strace $0x8FFFFFFF  }
0x98: {  	s19 =	sld [smem:$0x3FDB];
	_ =	sdelay $0x1  }
0x99: {  	s4 =	simm.s32 $_scs_section_size  }
0x9a: {  	s5 =	simm.s32 $_size__tile_overlayer_lowered;
	s6 =	simm.s32 $_tile_overlayer_lowered  }
0x9b: {  	s22 =	simm.s32 $0x1BFF;
	s21 =	sshll.u32 s6, $0x1;
	s3 =	sadd.s32 s4, s19  }
0x9c: {  	s7 =	simm.s32 $0x0;
	s20 =	sshll.u32 s5, $0x1;
	s5 =	sadd.s32 s21, s3  }
0x9d: {  	[timem:s7], [sflag:s22] =	dma.local [hbm:s5], s20  }
0x9e: {  	_ =	swait.ge [sflag:s22], s20  }
0x9f: {  	s4 =	ssub.s32 $0x0, s20;
	[sflag:s22] =	ssyncset.done $0x0  }
0xa0: {  	[sflag:s22] =	ssyncadd.s32 s4;
	_ =	sdelay $0x1  }
0xa1: {  	s23 =	simm.s32 $0x1B8B  }
0xa2: {  	_ =	swait.ge [sflag:s23], $0x1  }
0xa3: {  	[sflag:s23] =	ssyncset.done $0x0  }
0xa4: {  	s25 =	simm.s32 $0x1B8E;
	s24 =	sld [smem:$0x3FFE];
	[sflag:s23] =	ssyncadd.s32 $0xFFFFFFFF  }
0xa5: {  	s26 =	simm.s32 $execute0_lowered;
	[smem:$0x3FD2] =	sst s25  }
0xa6: {  	s5 =	sshll.u32 s26, $0x1;
	_ =	strace $0x80000046;
	[dreg:$0x1] =	wrdreg $0xFFFFFFFF  }
0xa7: {  	s28 =	simm.s32 $_size_execute0_lowered;
	s3 =	sadd.s32 s3, s5;
	[dreg:$0x0] =	wrdreg $0x0  }
0xa8: {  	s5 =	sshll.u32 s28, $0x1;
	[dreg:$0x2] =	wrdreg s3  }
0xa9: {  	[dreg:$0x3] =	wrdreg s5  }
0xaa: {  	[dreg:$0x4] =	wrdreg $0xC0  }
0xab: {  	_ =	task [dreg:s7], $0x5FFFF  }
0xac: {  	[dreg:$0x1] =	wrdreg $0xFFFFFFFF  }
0xad: {  	[dreg:$0x0] =	wrdreg $0x60  }
0xae: {  	[dreg:$0x2] =	wrdreg s2  }
0xaf: {  	[dreg:$0x3] =	wrdreg s24  }
0xb0: {  	[dreg:$0x4] =	wrdreg $0x9  }
0xb1: {  	_ =	task.clear_ibuf [dreg:s7], $0x5FFFF;
	_ =	strace $0x90000046  }
0xb2: {  	s29 =	simm.s32 $0x9;
	_ =	strace $0x80000048  }
0xb3: {  	_ =	swait.ge [sflag:s29], $0x1  }
0xb4: {  	[sflag:s29] =	ssyncadd.s32 $0xFFFFFFFF  }
0xb5: {  	_ =	strace $0x90000048  }
0xb6: {  	_ =	sfence  }
0xb7: {  	s30 =	sld [smem:$0x0];
	_ =	sdelay $0x2  }
0xb8: {  	s31 =	sshll.u32 s1, $0xD;
	s1 =	sshrl.u32 s1, $0x2  }
0xb9: {  	s3 =	sand.u32 $0x4000, s31;
	s1 =	sadd.s32 s1, s30  }
0xba: {  	s0 =	sor.u32 s3, s0;
	s1 =	sshll.u32 s1, $0x11  }
0xbb: {  	s0 =	sor.u32 s1, s0  }
0xbc: {  	s0 =	sadd.s32 $0x8F2B, s0  }
0xbd: {  	[sflag:s0] =	ssyncadd.remote.s32 $0x1  }
0xbe: {  	_ =	sfence.sel $0xFFFF  }
0xbf: {  	[dreg:$0x0] =	wrdreg $0xFFFFFFFF;
	(pc) =	sbr.abs _section_cstart, $3  }
0xc0: {  	[dreg:$0x1] =	wrdreg $0xFFFFFFFF  }
0xc1: {  	_ =	task.clear_ibuf [dreg:s7], $0x2FFFF;
	_ =	strace $0x9FFFFFFF  }
0xc2: {  	(tm) =	ssettm $0x7FFFFFFF  }
0xc3: {  	_ =	shalt  }
tec
execute0_lowered:
.L_overlay_start_1:
0x0: {  	(tag) =	ssettag $0x1  }
0x1: {  	s0 =	srdreg.scid  }
0x2: {  	s2 =	rddreg [dreg:$0x0];
	s3 =	stileid.u32  }
0x3: {  	s1 =	rddreg [dreg:$0x1];
	s26 =	simm.s32 $0x80;
	s19 =	simm.s32 $0x1200  }
0x4: {  	s20 =	simm.s32 $0x1A00;
	s21 =	simm.s32 $0x2200;
	s22 =	simm.s32 $0x2A00  }
0x5: {  	s23 =	simm.s32 $0x3200;
	s28 =	simm.s32 $0x5200;
	s29 =	simm.s32 $0x5A00  }
0x6: {  	s30 =	simm.s32 $0x6200;
	s0 =	sand.u32 $0x1, s0;
	s4 =	sshll.u32 s3, $0x8  }
0x7: {  	s3 =	simm.s32 $0x0;
	s8 =	sadd.s32 $0x11000, s1;
	s5 =	sshll.u32 s0, $0x7  }
0x8: {  	[smem:$0x7FF] =	sst s3;
	s0 =	ssub.s32 $0x2, s0;
	s5 =	sor.u32 s5, s4  }
0x9: {  	_ =	strace $0x80000047;
	s7 =	sshrl.u32 s0, $0x1;
	[dreg:$0x5] =	wrdreg s26  }
0xa: {  	s26 =	simm.s32 $0x4A00;
	s4 =	sshrl.u32 s5, $0x3;
	s0 =	ssub.s32 s0, s7  }
0xb: {  	s11 =	sand.u32 $0x780, s5;
	s5 =	sadd.s32 $0x100, s2;
	s7 =	sadd.s32 $0x10F00, s1  }
0xc: {  	s6 =	sadd.s32 s4, s1;
	s4 =	sadd.s32 $0x10E00, s1;
	s12 =	sor.u32 $0x40, s11  }
0xd: {  	s13 =	sor.u32 $0x10, s11;
	s14 =	sor.u32 $0x50, s11;
	s15 =	sor.u32 $0x20, s11  }
0xe: {  	v10 =	vlaneseq.u32;
	s16 =	sor.u32 $0x60, s11;
	s31 =	sor.u32 $0x30, s11;
	s10 =	sor.u32 $0x70, s11  }
0xf: {  	s9 =	smax.u32 s0, $0x1;
	v0 =	vor.u32 s11, v10;
	s11 =	simm.s32 $0x8200;
	s24 =	sadd.s32 $0x10C00, s6  }
0x10: {  	vm0 =	vmmov $0xffff;
	v8 =	vand.u32 $0x7, v10;
	s25 =	sadd.s32 $0x10C08, s6;
	s6 =	sadd.s32 $0x200, s2;
	v6 =	vor.u32 s31, v10;
	s31 =	simm.s32 $0x6A00  }
0x11: {  	v1 =	vor.u32 s12, v10;
	v2 =	vor.u32 s13, v10;
	v3 =	vor.u32 s14, v10;
	s12 =	simm.s32 $0x8A00;
	s13 =	simm.s32 $0x9200;
	s14 =	simm.s32 $0x9A00  }
0x12: {  	v9 =	vshrl.u32 v10, $0x3;
	v4 =	vor.u32 s15, v10;
	v5 =	vor.u32 s16, v10;
	s15 =	simm.s32 $0xAA00;
	s16 =	simm.s32 $0xB200;
	[dreg:$0x3] =	wrdreg s24  }
0x13: {  	v9 =	vmul.u32 $0x8, v9;
	v7 =	vor.u32 s10, v10;
	v10 =	vor.u32 $0x8, v10;
	[dreg:$0x4] =	wrdreg s25;
	s24 =	simm.s32 $0x3A00;
	s25 =	simm.s32 $0x4200  }
.LBB2_1:
0x14: {  	s17 =	rddreg [dreg:$0x3];
	s0 =	simm.s32 $0x3  }
0x15: {  	[tilespmem:s3], [sflag:$0x3] =	stream.linear.gather [hbm4b:s17+s3], $0x40, $0x38;
	[tilespmem:$0x18200] =	vst v63  }
0x16: {  	_ =	swait.ge [sflag:s0], $0x40  }
0x17: {  	s1 =	rddreg [dreg:$0x4];
	[sflag:s0] =	ssyncset.done $0x0  }
0x18: {  	s18 =	rddreg [dreg:$0x5];
	[sflag:s0] =	ssyncadd.s32 $0xFFFFFFC0  }
0x19: {  	[tilespmem:s18], [sflag:$0x3] =	stream.linear.gather [hbm4b:s1+s3], $0x40, $0x38;
	[tilespmem:$0x18200] =	vst v63  }
0x1a: {  	_ =	swait.ge [sflag:s0], $0x40  }
0x1b: {  	[sflag:s0] =	ssyncset.done $0x0  }
0x1c: {  	[sflag:s0] =	ssyncadd.s32 $0xFFFFFFC0  }
0x1d: {  	[tilespmem:$0x100] =	vst v0  }
0x1e: {  	v11 =	vld [tilespmem:$0x100];
	_ =	sdelay $0x4  }
0x1f: {  	v12 =	vshrl.u32 v11, $0x3  }
0x20: {  	v12 =	vmul.u32 $0x30, v12  }
0x21: {  	v11 =	vand.u32 $0x7, v11  }
0x22: {  	v11 =	vor.u32 v11, v12  }
0x23: {  	[tilespmem:$0x180] =	vst v1;
	v12 =	vperm.xlane v11, v8  }
0x24: {  	[tilespmem:$0x110] =	vst v2  }
0x25: {  	[tilespmem:$0x190] =	vst v3;
	v12 =	vadd.s32 v9, v12  }
0x26: {  	[tilespmem:$0x120] =	vst v4  }
0x27: {  	[tilespmem:$0x1A0] =	vst v5  }
0x28: {  	[tilespmem:$0x130] =	vst v6  }
0x29: {  	s17 =	simm.s32 $0x200;
	[tilespmem:$0x1B0] =	vst v7;
	v11 =	vperm.xlane v11, v10  }
0x2a: {  	[tilespmem:s17], [sflag:$0x1] =	stream.indirect_vreg.gather [hbm4b:s2+s3], $0x80, v12, vm0, $0xb8;
	[tilespmem:$0x18200] =	vst v63  }
0x2b: {  	s18 =	simm.s32 $0xA00;
	v11 =	vadd.s32 v9, v11  }
0x2c: {  	[tilespmem:s18], [sflag:$0x1] =	stream.indirect_vreg.gather [hbm4b:s5+s3], $0x80, v12, vm0, $0xb8;
	[tilespmem:$0x18200] =	vst v63  }
0x2d: {  	_ = 	snop  }
0x2e: {  	[tilespmem:s19], [sflag:$0x1] =	stream.indirect_vreg.gather [hbm4b:s6+s3], $0x80, v12, vm0, $0xb8;
	[tilespmem:$0x18200] =	vst v63  }
0x2f: {  	_ = 	snop  }
0x30: {  	[tilespmem:s20], [sflag:$0x1] =	stream.indirect_vreg.gather [hbm4b:s2+s3], $0x80, v11, vm0, $0xb8;
	[tilespmem:$0x18200] =	vst v63  }
0x31: {  	_ = 	snop  }
0x32: {  	[tilespmem:s21], [sflag:$0x1] =	stream.indirect_vreg.gather [hbm4b:s5+s3], $0x80, v11, vm0, $0xb8;
	[tilespmem:$0x18200] =	vst v63  }
0x33: {  	_ = 	snop  }
0x34: {  	[tilespmem:s22], [sflag:$0x1] =	stream.indirect_vreg.gather [hbm4b:s6+s3], $0x80, v11, vm0, $0xb8;
	[tilespmem:$0x18200] =	vst v63  }
0x35: {  	v11 =	vld [tilespmem:$0x110];
	_ =	sdelay $0x4  }
0x36: {  	v49 =	vshrl.u32 v11, $0x3  }
0x37: {  	v12 =	vmul.u32 $0x30, v49  }
0x38: {  	v11 =	vand.u32 $0x7, v11  }
0x39: {  	v11 =	vor.u32 v11, v12  }
0x3a: {  	v12 =	vperm.xlane v11, v8;
	_ =	sdelay $0x1  }
0x3b: {  	v12 =	vadd.s32 v9, v12;
	_ =	sdelay $0x3  }
0x3c: {  	v11 =	vperm.xlane v11, v10  }
0x3d: {  	[tilespmem:s23], [sflag:$0x1] =	stream.indirect_vreg.gather [hbm4b:s2+s3], $0x80, v12, vm0, $0xb8;
	[tilespmem:$0x18200] =	vst v63  }
0x3e: {  	v11 =	vadd.s32 v9, v11  }
0x3f: {  	[tilespmem:s24], [sflag:$0x1] =	stream.indirect_vreg.gather [hbm4b:s5+s3], $0x80, v12, vm0, $0xb8;
	[tilespmem:$0x18200] =	vst v63  }
0x40: {  	_ = 	snop  }
0x41: {  	[tilespmem:s25], [sflag:$0x1] =	stream.indirect_vreg.gather [hbm4b:s6+s3], $0x80, v12, vm0, $0xb8;
	[tilespmem:$0x18200] =	vst v63  }
0x42: {  	_ = 	snop  }
0x43: {  	[tilespmem:s26], [sflag:$0x1] =	stream.indirect_vreg.gather [hbm4b:s2+s3], $0x80, v11, vm0, $0xb8;
	[tilespmem:$0x18200] =	vst v63  }
0x44: {  	_ = 	snop  }
0x45: {  	[tilespmem:s28], [sflag:$0x1] =	stream.indirect_vreg.gather [hbm4b:s5+s3], $0x80, v11, vm0, $0xb8;
	[tilespmem:$0x18200] =	vst v63  }
0x46: {  	_ = 	snop  }
0x47: {  	[tilespmem:s29], [sflag:$0x1] =	stream.indirect_vreg.gather [hbm4b:s6+s3], $0x80, v11, vm0, $0xb8;
	[tilespmem:$0x18200] =	vst v63  }
0x48: {  	v11 =	vld [tilespmem:$0x120];
	_ =	sdelay $0x4  }
0x49: {  	v50 =	vshrl.u32 v11, $0x3  }
0x4a: {  	v12 =	vmul.u32 $0x30, v50  }
0x4b: {  	v11 =	vand.u32 $0x7, v11  }
0x4c: {  	v11 =	vor.u32 v11, v12  }
0x4d: {  	v12 =	vperm.xlane v11, v8;
	_ =	sdelay $0x1  }
0x4e: {  	v12 =	vadd.s32 v9, v12;
	_ =	sdelay $0x3  }
0x4f: {  	v11 =	vperm.xlane v11, v10  }
0x50: {  	[tilespmem:s30], [sflag:$0x1] =	stream.indirect_vreg.gather [hbm4b:s2+s3], $0x80, v12, vm0, $0xb8;
	[tilespmem:$0x18200] =	vst v63  }
0x51: {  	v11 =	vadd.s32 v9, v11  }
0x52: {  	[tilespmem:s31], [sflag:$0x1] =	stream.indirect_vreg.gather [hbm4b:s5+s3], $0x80, v12, vm0, $0xb8;
	[tilespmem:$0x18200] =	vst v63  }
0x53: {  	s1 =	simm.s32 $0x7200  }
0x54: {  	[tilespmem:s1], [sflag:$0x1] =	stream.indirect_vreg.gather [hbm4b:s6+s3], $0x80, v12, vm0, $0xb8;
	[tilespmem:$0x18200] =	vst v63  }
0x55: {  	s10 =	simm.s32 $0x7A00  }
0x56: {  	[tilespmem:s10], [sflag:$0x1] =	stream.indirect_vreg.gather [hbm4b:s2+s3], $0x80, v11, vm0, $0xb8;
	[tilespmem:$0x18200] =	vst v63  }
0x57: {  	_ = 	snop  }
0x58: {  	[tilespmem:s11], [sflag:$0x1] =	stream.indirect_vreg.gather [hbm4b:s5+s3], $0x80, v11, vm0, $0xb8;
	[tilespmem:$0x18200] =	vst v63  }
0x59: {  	_ = 	snop  }
0x5a: {  	[tilespmem:s12], [sflag:$0x1] =	stream.indirect_vreg.gather [hbm4b:s6+s3], $0x80, v11, vm0, $0xb8;
	[tilespmem:$0x18200] =	vst v63  }
0x5b: {  	v11 =	vld [tilespmem:$0x130];
	_ =	sdelay $0x4  }
0x5c: {  	v51 =	vshrl.u32 v11, $0x3  }
0x5d: {  	v12 =	vmul.u32 $0x30, v51  }
0x5e: {  	v11 =	vand.u32 $0x7, v11  }
0x5f: {  	v11 =	vor.u32 v11, v12  }
0x60: {  	v12 =	vperm.xlane v11, v8;
	_ =	sdelay $0x1  }
0x61: {  	v12 =	vadd.s32 v9, v12;
	_ =	sdelay $0x3  }
0x62: {  	v11 =	vperm.xlane v11, v10  }
0x63: {  	[tilespmem:s13], [sflag:$0x1] =	stream.indirect_vreg.gather [hbm4b:s2+s3], $0x80, v12, vm0, $0xb8;
	[tilespmem:$0x18200] =	vst v63  }
0x64: {  	v11 =	vadd.s32 v9, v11  }
0x65: {  	[tilespmem:s14], [sflag:$0x1] =	stream.indirect_vreg.gather [hbm4b:s5+s3], $0x80, v12, vm0, $0xb8;
	[tilespmem:$0x18200] =	vst v63  }
0x66: {  	s10 =	simm.s32 $0xA200  }
0x67: {  	[tilespmem:s10], [sflag:$0x1] =	stream.indirect_vreg.gather [hbm4b:s6+s3], $0x80, v12, vm0, $0xb8;
	[tilespmem:$0x18200] =	vst v63  }
0x68: {  	_ = 	snop  }
0x69: {  	[tilespmem:s15], [sflag:$0x1] =	stream.indirect_vreg.gather [hbm4b:s2+s3], $0x80, v11, vm0, $0xb8;
	[tilespmem:$0x18200] =	vst v63  }
0x6a: {  	_ = 	snop  }
0x6b: {  	[tilespmem:s16], [sflag:$0x1] =	stream.indirect_vreg.gather [hbm4b:s5+s3], $0x80, v11, vm0, $0xb8;
	[tilespmem:$0x18200] =	vst v63  }
0x6c: {  	s0 =	simm.s32 $0xBA00  }
0x6d: {  	[tilespmem:s0], [sflag:$0x1] =	stream.indirect_vreg.gather [hbm4b:s6+s3], $0x80, v11, vm0, $0xb8;
	[tilespmem:$0x18200] =	vst v63  }
0x6e: {  	v11 =	vld [tilespmem:$0x180];
	_ =	sdelay $0x4  }
0x6f: {  	v52 =	vshrl.u32 v11, $0x3  }
0x70: {  	v12 =	vmul.u32 $0x30, v52  }
0x71: {  	v11 =	vand.u32 $0x7, v11  }
0x72: {  	v11 =	vor.u32 v11, v12  }
0x73: {  	v12 =	vperm.xlane v11, v8;
	_ =	sdelay $0x1  }
0x74: {  	v12 =	vadd.s32 v9, v12;
	_ =	sdelay $0x3  }
0x75: {  	s0 =	simm.s32 $0xC200;
	v11 =	vperm.xlane v11, v10  }
0x76: {  	[tilespmem:s0], [sflag:$0x2] =	stream.indirect_vreg.gather [hbm4b:s2+s3], $0x80, v12, vm0, $0xb8;
	[tilespmem:$0x18200] =	vst v63  }
0x77: {  	v11 =	vadd.s32 v9, v11;
	s0 =	simm.s32 $0xCA00  }
0x78: {  	[tilespmem:s0], [sflag:$0x2] =	stream.indirect_vreg.gather [hbm4b:s5+s3], $0x80, v12, vm0, $0xb8;
	[tilespmem:$0x18200] =	vst v63  }
0x79: {  	s0 =	simm.s32 $0xD200  }
0x7a: {  	[tilespmem:s0], [sflag:$0x2] =	stream.indirect_vreg.gather [hbm4b:s6+s3], $0x80, v12, vm0, $0xb8;
	[tilespmem:$0x18200] =	vst v63  }
0x7b: {  	s0 =	simm.s32 $0xDA00  }
0x7c: {  	[tilespmem:s0], [sflag:$0x2] =	stream.indirect_vreg.gather [hbm4b:s2+s3], $0x80, v11, vm0, $0xb8;
	[tilespmem:$0x18200] =	vst v63  }
0x7d: {  	s0 =	simm.s32 $0xE200  }
0x7e: {  	[tilespmem:s0], [sflag:$0x2] =	stream.indirect_vreg.gather [hbm4b:s5+s3], $0x80, v11, vm0, $0xb8;
	[tilespmem:$0x18200] =	vst v63  }
0x7f: {  	s0 =	simm.s32 $0xEA00  }
0x80: {  	[tilespmem:s0], [sflag:$0x2] =	stream.indirect_vreg.gather [hbm4b:s6+s3], $0x80, v11, vm0, $0xb8;
	[tilespmem:$0x18200] =	vst v63  }
0x81: {  	v11 =	vld [tilespmem:$0x190];
	_ =	sdelay $0x4  }
0x82: {  	v53 =	vshrl.u32 v11, $0x3  }
0x83: {  	v12 =	vmul.u32 $0x30, v53  }
0x84: {  	v11 =	vand.u32 $0x7, v11  }
0x85: {  	v11 =	vor.u32 v11, v12  }
0x86: {  	v12 =	vperm.xlane v11, v8;
	_ =	sdelay $0x1  }
0x87: {  	v12 =	vadd.s32 v9, v12;
	_ =	sdelay $0x3  }
0x88: {  	s0 =	simm.s32 $0xF200;
	v11 =	vperm.xlane v11, v10  }
0x89: {  	[tilespmem:s0], [sflag:$0x2] =	stream.indirect_vreg.gather [hbm4b:s2+s3], $0x80, v12, vm0, $0xb8;
	[tilespmem:$0x18200] =	vst v63  }
0x8a: {  	v11 =	vadd.s32 v9, v11;
	s0 =	simm.s32 $0xFA00  }
0x8b: {  	[tilespmem:s0], [sflag:$0x2] =	stream.indirect_vreg.gather [hbm4b:s5+s3], $0x80, v12, vm0, $0xb8;
	[tilespmem:$0x18200] =	vst v63  }
0x8c: {  	s0 =	simm.s32 $0x10200  }
0x8d: {  	[tilespmem:s0], [sflag:$0x2] =	stream.indirect_vreg.gather [hbm4b:s6+s3], $0x80, v12, vm0, $0xb8;
	[tilespmem:$0x18200] =	vst v63  }
0x8e: {  	s0 =	simm.s32 $0x10A00  }
0x8f: {  	[tilespmem:s0], [sflag:$0x2] =	stream.indirect_vreg.gather [hbm4b:s2+s3], $0x80, v11, vm0, $0xb8;
	[tilespmem:$0x18200] =	vst v63  }
0x90: {  	s0 =	simm.s32 $0x11200  }
0x91: {  	[tilespmem:s0], [sflag:$0x2] =	stream.indirect_vreg.gather [hbm4b:s5+s3], $0x80, v11, vm0, $0xb8;
	[tilespmem:$0x18200] =	vst v63  }
0x92: {  	s0 =	simm.s32 $0x11A00  }
0x93: {  	[tilespmem:s0], [sflag:$0x2] =	stream.indirect_vreg.gather [hbm4b:s6+s3], $0x80, v11, vm0, $0xb8;
	[tilespmem:$0x18200] =	vst v63  }
0x94: {  	v11 =	vld [tilespmem:$0x1A0];
	_ =	sdelay $0x4  }
0x95: {  	v54 =	vshrl.u32 v11, $0x3  }
0x96: {  	v12 =	vmul.u32 $0x30, v54  }
0x97: {  	v11 =	vand.u32 $0x7, v11  }
0x98: {  	v11 =	vor.u32 v11, v12  }
0x99: {  	v12 =	vperm.xlane v11, v8;
	_ =	sdelay $0x1  }
0x9a: {  	v12 =	vadd.s32 v9, v12;
	_ =	sdelay $0x3  }
0x9b: {  	s0 =	simm.s32 $0x12200;
	v11 =	vperm.xlane v11, v10  }
0x9c: {  	[tilespmem:s0], [sflag:$0x2] =	stream.indirect_vreg.gather [hbm4b:s2+s3], $0x80, v12, vm0, $0xb8;
	[tilespmem:$0x18200] =	vst v63  }
0x9d: {  	v11 =	vadd.s32 v9, v11;
	s0 =	simm.s32 $0x12A00  }
0x9e: {  	[tilespmem:s0], [sflag:$0x2] =	stream.indirect_vreg.gather [hbm4b:s5+s3], $0x80, v12, vm0, $0xb8;
	[tilespmem:$0x18200] =	vst v63  }
0x9f: {  	s0 =	simm.s32 $0x13200  }
0xa0: {  	[tilespmem:s0], [sflag:$0x2] =	stream.indirect_vreg.gather [hbm4b:s6+s3], $0x80, v12, vm0, $0xb8;
	[tilespmem:$0x18200] =	vst v63  }
0xa1: {  	s0 =	simm.s32 $0x13A00  }
0xa2: {  	[tilespmem:s0], [sflag:$0x2] =	stream.indirect_vreg.gather [hbm4b:s2+s3], $0x80, v11, vm0, $0xb8;
	[tilespmem:$0x18200] =	vst v63  }
0xa3: {  	s0 =	simm.s32 $0x14200  }
0xa4: {  	[tilespmem:s0], [sflag:$0x2] =	stream.indirect_vreg.gather [hbm4b:s5+s3], $0x80, v11, vm0, $0xb8;
	[tilespmem:$0x18200] =	vst v63  }
0xa5: {  	s0 =	simm.s32 $0x14A00  }
0xa6: {  	[tilespmem:s0], [sflag:$0x2] =	stream.indirect_vreg.gather [hbm4b:s6+s3], $0x80, v11, vm0, $0xb8;
	[tilespmem:$0x18200] =	vst v63  }
0xa7: {  	v11 =	vld [tilespmem:$0x1B0];
	_ =	sdelay $0x4  }
0xa8: {  	v55 =	vshrl.u32 v11, $0x3  }
0xa9: {  	v12 =	vmul.u32 $0x30, v55  }
0xaa: {  	v11 =	vand.u32 $0x7, v11  }
0xab: {  	v11 =	vor.u32 v11, v12  }
0xac: {  	v12 =	vperm.xlane v11, v8;
	_ =	sdelay $0x1  }
0xad: {  	v12 =	vadd.s32 v9, v12;
	_ =	sdelay $0x3  }
0xae: {  	s0 =	simm.s32 $0x15200;
	v11 =	vperm.xlane v11, v10  }
0xaf: {  	[tilespmem:s0], [sflag:$0x2] =	stream.indirect_vreg.gather [hbm4b:s2+s3], $0x80, v12, vm0, $0xb8;
	[tilespmem:$0x18200] =	vst v63  }
0xb0: {  	v11 =	vadd.s32 v9, v11;
	s0 =	simm.s32 $0x15A00  }
0xb1: {  	[tilespmem:s0], [sflag:$0x2] =	stream.indirect_vreg.gather [hbm4b:s5+s3], $0x80, v12, vm0, $0xb8;
	[tilespmem:$0x18200] =	vst v63  }
0xb2: {  	s0 =	simm.s32 $0x16200  }
0xb3: {  	[tilespmem:s0], [sflag:$0x2] =	stream.indirect_vreg.gather [hbm4b:s6+s3], $0x80, v12, vm0, $0xb8;
	[tilespmem:$0x18200] =	vst v63  }
0xb4: {  	s0 =	simm.s32 $0x16A00  }
0xb5: {  	[tilespmem:s0], [sflag:$0x2] =	stream.indirect_vreg.gather [hbm4b:s2+s3], $0x80, v11, vm0, $0xb8;
	[tilespmem:$0x18200] =	vst v63  }
0xb6: {  	s0 =	simm.s32 $0x17200  }
0xb7: {  	[tilespmem:s0], [sflag:$0x2] =	stream.indirect_vreg.gather [hbm4b:s5+s3], $0x80, v11, vm0, $0xb8;
	[tilespmem:$0x18200] =	vst v63  }
0xb8: {  	s0 =	simm.s32 $0x17A00  }
0xb9: {  	[tilespmem:s0], [sflag:$0x2] =	stream.indirect_vreg.gather [hbm4b:s6+s3], $0x80, v11, vm0, $0xb8;
	[tilespmem:$0x18200] =	vst v63  }
0xba: {  	s0 =	simm.s32 $0x1  }
0xbb: {  	_ =	swait.ge [sflag:s0], $0xC000  }
0xbc: {  	[sflag:s0] =	ssyncset.done $0x0  }
0xbd: {  	[sflag:s0] =	ssyncadd.s32 $0xFFFF4000  }
0xbe: {  	v11 =	vld [tilespmem:$0x0];
	_ =	sdelay $0x4  }
0xbf: {  	v56 =	vshrl.u32 v11, $0x3  }
0xc0: {  	v12 =	vmul.u32 $0x30, v56  }
0xc1: {  	v11 =	vand.u32 $0x7, v11  }
0xc2: {  	v11 =	vor.u32 v11, v12  }
0xc3: {  	v12 =	vperm.xlane v11, v8;
	_ =	sdelay $0x1  }
0xc4: {  	v12 =	vadd.s32 v9, v12;
	_ =	sdelay $0x3  }
0xc5: {  	v11 =	vperm.xlane v11, v10  }
0xc6: {  	[hbm4b:s4+s3] =	stream.indirect_vreg.scatter [tilespmem:s17], [sflag:$0x1], $0x80, v12, vm0, $0xb8;
	[tilespmem:$0x18200] =	vst v63  }
0xc7: {  	v11 =	vadd.s32 v9, v11  }
0xc8: {  	[hbm4b:s7+s3] =	stream.indirect_vreg.scatter [tilespmem:s18], [sflag:$0x1], $0x80, v12, vm0, $0xb8;
	[tilespmem:$0x18200] =	vst v63  }
0xc9: {  	_ = 	snop  }
0xca: {  	[hbm4b:s8+s3] =	stream.indirect_vreg.scatter [tilespmem:s19], [sflag:$0x1], $0x80, v12, vm0, $0xb8;
	[tilespmem:$0x18200] =	vst v63  }
0xcb: {  	_ = 	snop  }
0xcc: {  	[hbm4b:s4+s3] =	stream.indirect_vreg.scatter [tilespmem:s20], [sflag:$0x1], $0x80, v11, vm0, $0xb8;
	[tilespmem:$0x18200] =	vst v63  }
0xcd: {  	_ = 	snop  }
0xce: {  	[hbm4b:s7+s3] =	stream.indirect_vreg.scatter [tilespmem:s21], [sflag:$0x1], $0x80, v11, vm0, $0xb8;
	[tilespmem:$0x18200] =	vst v63  }
0xcf: {  	_ = 	snop  }
0xd0: {  	[hbm4b:s8+s3] =	stream.indirect_vreg.scatter [tilespmem:s22], [sflag:$0x1], $0x80, v11, vm0, $0xb8;
	[tilespmem:$0x18200] =	vst v63  }
0xd1: {  	v11 =	vld [tilespmem:$0x10];
	_ =	sdelay $0x4  }
0xd2: {  	v57 =	vshrl.u32 v11, $0x3  }
0xd3: {  	v12 =	vmul.u32 $0x30, v57  }
0xd4: {  	v11 =	vand.u32 $0x7, v11  }
0xd5: {  	v11 =	vor.u32 v11, v12  }
0xd6: {  	v12 =	vperm.xlane v11, v8;
	_ =	sdelay $0x1  }
0xd7: {  	v12 =	vadd.s32 v9, v12;
	_ =	sdelay $0x3  }
0xd8: {  	v11 =	vperm.xlane v11, v10  }
0xd9: {  	[hbm4b:s4+s3] =	stream.indirect_vreg.scatter [tilespmem:s23], [sflag:$0x1], $0x80, v12, vm0, $0xb8;
	[tilespmem:$0x18200] =	vst v63  }
0xda: {  	v11 =	vadd.s32 v9, v11  }
0xdb: {  	[hbm4b:s7+s3] =	stream.indirect_vreg.scatter [tilespmem:s24], [sflag:$0x1], $0x80, v12, vm0, $0xb8;
	[tilespmem:$0x18200] =	vst v63  }
0xdc: {  	_ = 	snop  }
0xdd: {  	[hbm4b:s8+s3] =	stream.indirect_vreg.scatter [tilespmem:s25], [sflag:$0x1], $0x80, v12, vm0, $0xb8;
	[tilespmem:$0x18200] =	vst v63  }
0xde: {  	_ = 	snop  }
0xdf: {  	[hbm4b:s4+s3] =	stream.indirect_vreg.scatter [tilespmem:s26], [sflag:$0x1], $0x80, v11, vm0, $0xb8;
	[tilespmem:$0x18200] =	vst v63  }
0xe0: {  	_ = 	snop  }
0xe1: {  	[hbm4b:s7+s3] =	stream.indirect_vreg.scatter [tilespmem:s28], [sflag:$0x1], $0x80, v11, vm0, $0xb8;
	[tilespmem:$0x18200] =	vst v63  }
0xe2: {  	_ = 	snop  }
0xe3: {  	[hbm4b:s8+s3] =	stream.indirect_vreg.scatter [tilespmem:s29], [sflag:$0x1], $0x80, v11, vm0, $0xb8;
	[tilespmem:$0x18200] =	vst v63  }
0xe4: {  	v11 =	vld [tilespmem:$0x20];
	_ =	sdelay $0x4  }
0xe5: {  	v58 =	vshrl.u32 v11, $0x3  }
0xe6: {  	v12 =	vmul.u32 $0x30, v58  }
0xe7: {  	v11 =	vand.u32 $0x7, v11  }
0xe8: {  	v11 =	vor.u32 v11, v12  }
0xe9: {  	v12 =	vperm.xlane v11, v8;
	_ =	sdelay $0x1  }
0xea: {  	v12 =	vadd.s32 v9, v12;
	_ =	sdelay $0x3  }
0xeb: {  	v11 =	vperm.xlane v11, v10  }
0xec: {  	[hbm4b:s4+s3] =	stream.indirect_vreg.scatter [tilespmem:s30], [sflag:$0x1], $0x80, v12, vm0, $0xb8;
	[tilespmem:$0x18200] =	vst v63  }
0xed: {  	v11 =	vadd.s32 v9, v11  }
0xee: {  	[hbm4b:s7+s3] =	stream.indirect_vreg.scatter [tilespmem:s31], [sflag:$0x1], $0x80, v12, vm0, $0xb8;
	[tilespmem:$0x18200] =	vst v63  }
0xef: {  	_ = 	snop  }
0xf0: {  	[hbm4b:s8+s3] =	stream.indirect_vreg.scatter [tilespmem:s1], [sflag:$0x1], $0x80, v12, vm0, $0xb8;
	[tilespmem:$0x18200] =	vst v63  }
0xf1: {  	s18 =	simm.s32 $0x7A00  }
0xf2: {  	[hbm4b:s4+s3] =	stream.indirect_vreg.scatter [tilespmem:s18], [sflag:$0x1], $0x80, v11, vm0, $0xb8;
	[tilespmem:$0x18200] =	vst v63  }
0xf3: {  	_ = 	snop  }
0xf4: {  	[hbm4b:s7+s3] =	stream.indirect_vreg.scatter [tilespmem:s11], [sflag:$0x1], $0x80, v11, vm0, $0xb8;
	[tilespmem:$0x18200] =	vst v63  }
0xf5: {  	_ = 	snop  }
0xf6: {  	[hbm4b:s8+s3] =	stream.indirect_vreg.scatter [tilespmem:s12], [sflag:$0x1], $0x80, v11, vm0, $0xb8;
	[tilespmem:$0x18200] =	vst v63  }
0xf7: {  	v11 =	vld [tilespmem:$0x30];
	_ =	sdelay $0x4  }
0xf8: {  	v59 =	vshrl.u32 v11, $0x3  }
0xf9: {  	v12 =	vmul.u32 $0x30, v59  }
0xfa: {  	v11 =	vand.u32 $0x7, v11  }
0xfb: {  	v11 =	vor.u32 v11, v12  }
0xfc: {  	v12 =	vperm.xlane v11, v8;
	_ =	sdelay $0x1  }
0xfd: {  	v12 =	vadd.s32 v9, v12;
	_ =	sdelay $0x3  }
0xfe: {  	v11 =	vperm.xlane v11, v10  }
0xff: {  	[hbm4b:s4+s3] =	stream.indirect_vreg.scatter [tilespmem:s13], [sflag:$0x1], $0x80, v12, vm0, $0xb8;
	[tilespmem:$0x18200] =	vst v63  }
0x100: {  	v11 =	vadd.s32 v9, v11  }
0x101: {  	[hbm4b:s7+s3] =	stream.indirect_vreg.scatter [tilespmem:s14], [sflag:$0x1], $0x80, v12, vm0, $0xb8;
	[tilespmem:$0x18200] =	vst v63  }
0x102: {  	_ = 	snop  }
0x103: {  	[hbm4b:s8+s3] =	stream.indirect_vreg.scatter [tilespmem:s10], [sflag:$0x1], $0x80, v12, vm0, $0xb8;
	[tilespmem:$0x18200] =	vst v63  }
0x104: {  	_ = 	snop  }
0x105: {  	[hbm4b:s4+s3] =	stream.indirect_vreg.scatter [tilespmem:s15], [sflag:$0x1], $0x80, v11, vm0, $0xb8;
	[tilespmem:$0x18200] =	vst v63  }
0x106: {  	_ = 	snop  }
0x107: {  	[hbm4b:s7+s3] =	stream.indirect_vreg.scatter [tilespmem:s16], [sflag:$0x1], $0x80, v11, vm0, $0xb8;
	[tilespmem:$0x18200] =	vst v63  }
0x108: {  	s1 =	simm.s32 $0x2;
	s10 =	simm.s32 $0xBA00  }
0x109: {  	[hbm4b:s8+s3] =	stream.indirect_vreg.scatter [tilespmem:s10], [sflag:$0x1], $0x80, v11, vm0, $0xb8;
	[tilespmem:$0x18200] =	vst v63  }
0x10a: {  	_ =	swait.ge [sflag:s1], $0xC000  }
0x10b: {  	[sflag:s1] =	ssyncset.done $0x0  }
0x10c: {  	[sflag:s1] =	ssyncadd.s32 $0xFFFF4000  }
0x10d: {  	v11 =	vld [tilespmem:$0x80];
	_ =	sdelay $0x4  }
0x10e: {  	v60 =	vshrl.u32 v11, $0x3  }
0x10f: {  	v12 =	vmul.u32 $0x30, v60  }
0x110: {  	v11 =	vand.u32 $0x7, v11  }
0x111: {  	v11 =	vor.u32 v11, v12  }
0x112: {  	v12 =	vperm.xlane v11, v8;
	_ =	sdelay $0x1  }
0x113: {  	v12 =	vadd.s32 v9, v12;
	_ =	sdelay $0x3  }
0x114: {  	s17 =	simm.s32 $0xC200;
	v11 =	vperm.xlane v11, v10  }
0x115: {  	[hbm4b:s4+s3] =	stream.indirect_vreg.scatter [tilespmem:s17], [sflag:$0x2], $0x80, v12, vm0, $0xb8;
	[tilespmem:$0x18200] =	vst v63  }
0x116: {  	s18 =	simm.s32 $0xCA00;
	v11 =	vadd.s32 v9, v11  }
0x117: {  	[hbm4b:s7+s3] =	stream.indirect_vreg.scatter [tilespmem:s18], [sflag:$0x2], $0x80, v12, vm0, $0xb8;
	[tilespmem:$0x18200] =	vst v63  }
0x118: {  	s17 =	simm.s32 $0xD200  }
0x119: {  	[hbm4b:s8+s3] =	stream.indirect_vreg.scatter [tilespmem:s17], [sflag:$0x2], $0x80, v12, vm0, $0xb8;
	[tilespmem:$0x18200] =	vst v63  }
0x11a: {  	s18 =	simm.s32 $0xDA00  }
0x11b: {  	[hbm4b:s4+s3] =	stream.indirect_vreg.scatter [tilespmem:s18], [sflag:$0x2], $0x80, v11, vm0, $0xb8;
	[tilespmem:$0x18200] =	vst v63  }
0x11c: {  	s17 =	simm.s32 $0xE200  }
0x11d: {  	[hbm4b:s7+s3] =	stream.indirect_vreg.scatter [tilespmem:s17], [sflag:$0x2], $0x80, v11, vm0, $0xb8;
	[tilespmem:$0x18200] =	vst v63  }
0x11e: {  	s18 =	simm.s32 $0xEA00  }
0x11f: {  	[hbm4b:s8+s3] =	stream.indirect_vreg.scatter [tilespmem:s18], [sflag:$0x2], $0x80, v11, vm0, $0xb8;
	[tilespmem:$0x18200] =	vst v63  }
0x120: {  	v11 =	vld [tilespmem:$0x90];
	_ =	sdelay $0x4  }
0x121: {  	v61 =	vshrl.u32 v11, $0x3  }
0x122: {  	v12 =	vmul.u32 $0x30, v61  }
0x123: {  	v11 =	vand.u32 $0x7, v11  }
0x124: {  	v11 =	vor.u32 v11, v12  }
0x125: {  	v12 =	vperm.xlane v11, v8;
	_ =	sdelay $0x1  }
0x126: {  	v12 =	vadd.s32 v9, v12;
	_ =	sdelay $0x3  }
0x127: {  	s17 =	simm.s32 $0xF200;
	v11 =	vperm.xlane v11, v10  }
0x128: {  	[hbm4b:s4+s3] =	stream.indirect_vreg.scatter [tilespmem:s17], [sflag:$0x2], $0x80, v12, vm0, $0xb8;
	[tilespmem:$0x18200] =	vst v63  }
0x129: {  	s18 =	simm.s32 $0xFA00;
	v11 =	vadd.s32 v9, v11  }
0x12a: {  	[hbm4b:s7+s3] =	stream.indirect_vreg.scatter [tilespmem:s18], [sflag:$0x2], $0x80, v12, vm0, $0xb8;
	[tilespmem:$0x18200] =	vst v63  }
0x12b: {  	s17 =	simm.s32 $0x10200  }
0x12c: {  	[hbm4b:s8+s3] =	stream.indirect_vreg.scatter [tilespmem:s17], [sflag:$0x2], $0x80, v12, vm0, $0xb8;
	[tilespmem:$0x18200] =	vst v63  }
0x12d: {  	s18 =	simm.s32 $0x10A00  }
0x12e: {  	[hbm4b:s4+s3] =	stream.indirect_vreg.scatter [tilespmem:s18], [sflag:$0x2], $0x80, v11, vm0, $0xb8;
	[tilespmem:$0x18200] =	vst v63  }
0x12f: {  	s17 =	simm.s32 $0x11200  }
0x130: {  	[hbm4b:s7+s3] =	stream.indirect_vreg.scatter [tilespmem:s17], [sflag:$0x2], $0x80, v11, vm0, $0xb8;
	[tilespmem:$0x18200] =	vst v63  }
0x131: {  	s18 =	simm.s32 $0x11A00  }
0x132: {  	[hbm4b:s8+s3] =	stream.indirect_vreg.scatter [tilespmem:s18], [sflag:$0x2], $0x80, v11, vm0, $0xb8;
	[tilespmem:$0x18200] =	vst v63  }
0x133: {  	v11 =	vld [tilespmem:$0xA0];
	_ =	sdelay $0x4  }
0x134: {  	v62 =	vshrl.u32 v11, $0x3  }
0x135: {  	v12 =	vmul.u32 $0x30, v62  }
0x136: {  	v11 =	vand.u32 $0x7, v11  }
0x137: {  	v11 =	vor.u32 v11, v12  }
0x138: {  	v12 =	vperm.xlane v11, v8;
	_ =	sdelay $0x1  }
0x139: {  	v12 =	vadd.s32 v9, v12;
	_ =	sdelay $0x3  }
0x13a: {  	s17 =	simm.s32 $0x12200;
	v11 =	vperm.xlane v11, v10  }
0x13b: {  	[hbm4b:s4+s3] =	stream.indirect_vreg.scatter [tilespmem:s17], [sflag:$0x2], $0x80, v12, vm0, $0xb8;
	[tilespmem:$0x18200] =	vst v63  }
0x13c: {  	s18 =	simm.s32 $0x12A00;
	v11 =	vadd.s32 v9, v11  }
0x13d: {  	[hbm4b:s7+s3] =	stream.indirect_vreg.scatter [tilespmem:s18], [sflag:$0x2], $0x80, v12, vm0, $0xb8;
	[tilespmem:$0x18200] =	vst v63  }
0x13e: {  	s17 =	simm.s32 $0x13200  }
0x13f: {  	[hbm4b:s8+s3] =	stream.indirect_vreg.scatter [tilespmem:s17], [sflag:$0x2], $0x80, v12, vm0, $0xb8;
	[tilespmem:$0x18200] =	vst v63  }
0x140: {  	s18 =	simm.s32 $0x13A00  }
0x141: {  	[hbm4b:s4+s3] =	stream.indirect_vreg.scatter [tilespmem:s18], [sflag:$0x2], $0x80, v11, vm0, $0xb8;
	[tilespmem:$0x18200] =	vst v63  }
0x142: {  	s17 =	simm.s32 $0x14200  }
0x143: {  	[hbm4b:s7+s3] =	stream.indirect_vreg.scatter [tilespmem:s17], [sflag:$0x2], $0x80, v11, vm0, $0xb8;
	[tilespmem:$0x18200] =	vst v63  }
0x144: {  	s18 =	simm.s32 $0x14A00  }
0x145: {  	[hbm4b:s8+s3] =	stream.indirect_vreg.scatter [tilespmem:s18], [sflag:$0x2], $0x80, v11, vm0, $0xb8;
	[tilespmem:$0x18200] =	vst v63  }
0x146: {  	v11 =	vld [tilespmem:$0xB0];
	_ =	sdelay $0x4  }
0x147: {  	v63 =	vshrl.u32 v11, $0x3  }
0x148: {  	v12 =	vmul.u32 $0x30, v63  }
0x149: {  	v11 =	vand.u32 $0x7, v11  }
0x14a: {  	v11 =	vor.u32 v11, v12  }
0x14b: {  	v12 =	vperm.xlane v11, v8;
	_ =	sdelay $0x1  }
0x14c: {  	v12 =	vadd.s32 v9, v12;
	_ =	sdelay $0x3  }
0x14d: {  	s17 =	simm.s32 $0x15200;
	v11 =	vperm.xlane v11, v10  }
0x14e: {  	[hbm4b:s4+s3] =	stream.indirect_vreg.scatter [tilespmem:s17], [sflag:$0x2], $0x80, v12, vm0, $0xb8;
	[tilespmem:$0x18200] =	vst v63  }
0x14f: {  	s18 =	simm.s32 $0x15A00;
	v11 =	vadd.s32 v9, v11  }
0x150: {  	[hbm4b:s7+s3] =	stream.indirect_vreg.scatter [tilespmem:s18], [sflag:$0x2], $0x80, v12, vm0, $0xb8;
	[tilespmem:$0x18200] =	vst v63  }
0x151: {  	s17 =	simm.s32 $0x16200  }
0x152: {  	[hbm4b:s8+s3] =	stream.indirect_vreg.scatter [tilespmem:s17], [sflag:$0x2], $0x80, v12, vm0, $0xb8;
	[tilespmem:$0x18200] =	vst v63  }
0x153: {  	s18 =	simm.s32 $0x16A00  }
0x154: {  	[hbm4b:s4+s3] =	stream.indirect_vreg.scatter [tilespmem:s18], [sflag:$0x2], $0x80, v11, vm0, $0xb8;
	[tilespmem:$0x18200] =	vst v63  }
0x155: {  	s17 =	simm.s32 $0x17200  }
0x156: {  	[hbm4b:s7+s3] =	stream.indirect_vreg.scatter [tilespmem:s17], [sflag:$0x2], $0x80, v11, vm0, $0xb8;
	[tilespmem:$0x18200] =	vst v63  }
0x157: {  	s18 =	simm.s32 $0x17A00  }
0x158: {  	[hbm4b:s8+s3] =	stream.indirect_vreg.scatter [tilespmem:s18], [sflag:$0x2], $0x80, v11, vm0, $0xb8;
	[tilespmem:$0x18200] =	vst v63  }
0x159: {  	p0 =	sne.s32 s9, $0x1;
	_ =	swait.ge [sflag:s0], $0xC000  }
.Ltmp0:
0x15a: {  	[sflag:s0] =	ssyncset.done $0x0;
	(pc) =	sbr.rel @p0 .LBB2_1-.Ltmp0, $4  }
0x15b: {  	[sflag:s0] =	ssyncadd.s32 $0xFFFF4000  }
0x15c: {  	_ =	swait.ge [sflag:s1], $0xC000  }
0x15d: {  	[sflag:s1] =	ssyncset.done $0x0  }
0x15e: {  	s9 =	sadd.s32 $0xFFFFFFFF, s9;
	[sflag:s1] =	ssyncadd.s32 $0xFFFF4000  }
0x15f: {  	_ =	sfence.sel $0x180000  }
0x160: {  	[bflag:$0x0] =	sbarrier.arrive $0xFFFF  }
0x161: {  	_ =	strace $0x90000047  }
0x162: {  	s0 =	stileid.u32;
	[bflag:$0x2] =	sbarrier.arrive $0xFFFF  }
0x163: {  	p0 =	sne.s32 s0, $0x0;
	s0 =	rddreg [dreg:$0x2]  }
0x164: {  	s0 =	sadd.s32 @!p0 $0x100000, s0  }
0x165: {  	[sflag:s0] =	ssyncadd.tile.s32 @!p0 $0x1;
	_ =	shalt  }
.Lfunc_end2:
_tile_overlayer_lowered:
.L_overlay_start_2:
0x166: {  	(tag) =	ssettag $0x2  }
0x167: {  	s0 =	rddreg [dreg:$0x0];
	s2 =	stileid.u32  }
0x168: {  	s1 =	rddreg [dreg:$0x1];
	p0 =	sne.s32 s2, $0x0  }
0x169: {  	s3 =	rddreg [dreg:$0x2];
	[bflag:$0x3] =	sbarrier.arrive $0xFFFF;
	s2 =	simm.s32 @!p0 $0x1C03  }
0x16a: {  	[timem:s3], [sflag:s2] =	dma.local @!p0 [hbm:s0], s1  }
0x16b: {  	s0 =	simm.s32 @!p0 $0x3  }
0x16c: {  	_ =	swait.ge @!p0 [sflag:s0], s1  }
0x16d: {  	s1 =	ssub.s32 @!p0 $0x0, s1;
	[sflag:s0] =	ssyncset.done @!p0 $0x0  }
0x16e: {  	[sflag:s0] =	ssyncadd.s32 @!p0 s1  }
0x16f: {  	[bflag:$0x3] =	sbarrier.arrive $0xFFFF  }
0x170: {  	_ =	shalt  }

// kernel: kernel.9.cloned.1.call-start
scs
__scs_entry_jumppad:
0x0: {  	(pc) =	sbr.rel $0x88, $3  }
0x1: {  	(tag) =	ssettag $0x0;
	lr =	simm.s32 $0x1  }
0x2: {  	[smem:$0x3F9A] =	sst lr;
	_ =	strace $0xD0000000  }
0x3: {  	_ = 	snop  }
0x4: {  	_ = 	snop  }
0x5: {  	_ = 	snop  }
0x6: {  	_ = 	snop  }
0x7: {  	_ = 	snop  }
__scs_overlays_trampoline_lowered:
0x8: {  	[smem:$0x3FA9] =	sst s0  }
0x9: {  	[smem:$0x3FAA] =	sst s1  }
0xa: {  	[smem:$0x3FAB] =	sst s2  }
0xb: {  	[smem:$0x3FAC] =	sst s3  }
0xc: {  	[smem:$0x3FAD] =	sst s4  }
0xd: {  	[smem:$0x3FAE] =	sst s5  }
0xe: {  	[smem:$0x3FAF] =	sst s6  }
0xf: {  	[smem:$0x3FB0] =	sst s7  }
0x10: {  	[smem:$0x3FB1] =	sst s8  }
0x11: {  	[smem:$0x3FB2] =	sst s9;
	s0 =	simm.s32 @!p0 $0x0  }
0x12: {  	s1 =	sld [smem:$0x3F98];
	s0 =	simm.s32 @p0 $0x1  }
0x13: {  	[smem:$0x3FB3] =	sst s0;
	s0 =	simm.s32 @!p1 $0x0  }
0x14: {  	s2 =	sld [smem:$0x3F97];
	s0 =	simm.s32 @p1 $0x1  }
0x15: {  	[smem:$0x3FB4] =	sst s0;
	s0 =	simm.s32 @!p2 $0x0  }
0x16: {  	s3 =	sld [smem:$0x3FDB];
	s0 =	simm.s32 @p2 $0x1  }
0x17: {  	s4 =	simm.s32 $0x1BF5;
	[smem:$0x3FB6] =	sst s0  }
0x18: {  	s0 =	sld [smem:$0x3F99];
	_ =	swait.ge [sflag:s4], $0x0  }
0x19: {  	s7 =	sld [smem:$0x3F9A]  }
0x1a: {  	s8 =	sadd.s32 $0xFFFFE003, lr  }
0x1b: {  	s9 =	sadd.s32 $0xFFFFFEF7, lr;
	s5 =	simm.s32 $0xFFFFFFFF;
	p2 =	slt.u32 s8, $0xFFFFF086  }
0x1c: {  	p1 =	slt.u32 s9, $0xF7A;
	s5 =	simm.s32 @!p2 $0x0  }
0x1d: {  	s5 =	simm.s32 @p1 $0x1;
	p0 =	seq.s32 s7, s2  }
0x1e: {  	s7 =	smul.u32 @!p0 $0xF7A, s2;
	p2 =	seq.s32 @!p0 s5, $0x0  }
0x1f: {  	s9 =	smul.u32 $0xF7A, s1;
	s8 =	simm.s32 @!p0 $0x1BF5;
	p2 =	por !p2, p0  }
0x20: {  	[sflag:s8] =	ssyncset.s32 @!p0 $0xFFFFF086;
	s6 =	sadd.s32 @!p0 s3, s7;
	s7 =	simm.s32 @!p0 $0x108  }
0x21: {  	s3 =	sadd.s32 s3, s9;
	s6 =	sadd.s32 @!p0 $0x88, s6;
	s7 =	simm.s32 @p2 $0x1082  }
0x22: {  	[simem:s7], [sflag:s8] =	dma.local @!p0 [hbm:s6], $0xF7A  }
0x23: {  	s9 =	sor.u32 $0xD0000000, s2;
	s6 =	simm.s32 $0x108;
	_ =	swait.ge @!p0 [sflag:s8], $0x0  }
0x24: {  	s3 =	sadd.s32 $0x88, s3;
	s6 =	simm.s32 @!p1 $0x1082;
	[sflag:s4] =	ssyncset.s32 $0xFFFFF086  }
0x25: {  	[simem:s6], [sflag:s4] =	dma.local [hbm:s3], $0xF7A  }
0x26: {  	[smem:$0x3F9A] =	sst s1;
	(tag) =	ssettag s2;
	_ =	strace s9  }
0x27: {  	s1 =	sld [smem:$0x3FAA]  }
0x28: {  	s2 =	sld [smem:$0x3FAB]  }
0x29: {  	s4 =	sld [smem:$0x3FAD]  }
0x2a: {  	p0 =	seq.s32 s5, $0x0;
	s5 =	sld [smem:$0x3FAE]  }
0x2b: {  	s6 =	sld [smem:$0x3FAF]  }
0x2c: {  	s7 =	sld [smem:$0x3FB0]  }
0x2d: {  	s3 =	simm.s32 $0x108;
	s8 =	sld [smem:$0x3FB1]  }
0x2e: {  	s3 =	simm.s32 @!p0 $0x1082;
	s9 =	sld [smem:$0x3FB2]  }
0x2f: {  	lr =	sadd.s32 s0, s3;
	s0 =	sld [smem:$0x3FA9]  }
0x30: {  	s3 =	sld [smem:$0x3FAC]  }
0x31: {  	[smem:$0x3FB5] =	sst s10  }
0x32: {  	s10 =	sld [smem:$0x3FB3];
	_ =	sdelay $0x3  }
0x33: {  	p0 =	seq.s32 s10, $0x1;
	s10 =	sld [smem:$0x3FB5];
	_ =	sdelay $0x3  }
0x34: {  	[smem:$0x3FB5] =	sst s10  }
0x35: {  	s10 =	sld [smem:$0x3FB4];
	_ =	sdelay $0x3  }
0x36: {  	p1 =	seq.s32 s10, $0x1;
	s10 =	sld [smem:$0x3FB5];
	_ =	sdelay $0x3  }
0x37: {  	[smem:$0x3FB5] =	sst s10  }
0x38: {  	s10 =	sld [smem:$0x3FB6]  }
0x39: {  	_ = 	snop;
	(pc) =	sbr.ind lr, $3  }
0x3a: {  	_ = 	snop  }
0x3b: {  	_ = 	snop  }
0x3c: {  	p2 =	seq.s32 s10, $0x1;
	s10 =	sld [smem:$0x3FB5]  }
0x3d: {  	_ =	shalt  }
0x3e: {  	_ =	shalt  }
0x3f: {  	_ =	shalt  }
0x40: {  	_ =	shalt  }
0x41: {  	_ =	shalt  }
0x42: {  	_ =	shalt  }
0x43: {  	_ =	shalt  }
0x44: {  	_ =	shalt  }
0x45: {  	_ =	shalt  }
0x46: {  	_ =	shalt  }
0x47: {  	_ =	shalt  }
0x48: {  	_ =	shalt  }
0x49: {  	_ =	shalt  }
0x4a: {  	_ =	shalt  }
0x4b: {  	_ =	shalt  }
0x4c: {  	_ =	shalt  }
0x4d: {  	_ =	shalt  }
0x4e: {  	_ =	shalt  }
0x4f: {  	_ =	shalt  }
0x50: {  	_ =	shalt  }
0x51: {  	_ =	shalt  }
0x52: {  	_ =	shalt  }
0x53: {  	_ =	shalt  }
0x54: {  	_ =	shalt  }
0x55: {  	_ =	shalt  }
0x56: {  	_ =	shalt  }
0x57: {  	_ =	shalt  }
0x58: {  	_ =	shalt  }
0x59: {  	_ =	shalt  }
0x5a: {  	_ =	shalt  }
0x5b: {  	_ =	shalt  }
0x5c: {  	_ =	shalt  }
0x5d: {  	_ =	shalt  }
0x5e: {  	_ =	shalt  }
0x5f: {  	_ =	shalt  }
0x60: {  	_ =	shalt  }
0x61: {  	_ =	shalt  }
0x62: {  	_ =	shalt  }
0x63: {  	_ =	shalt  }
0x64: {  	_ =	shalt  }
0x65: {  	_ =	shalt  }
0x66: {  	_ =	shalt  }
0x67: {  	_ =	shalt  }
0x68: {  	_ =	shalt  }
0x69: {  	_ =	shalt  }
0x6a: {  	_ =	shalt  }
0x6b: {  	_ =	shalt  }
0x6c: {  	_ =	shalt  }
0x6d: {  	_ =	shalt  }
0x6e: {  	_ =	shalt  }
0x6f: {  	_ =	shalt  }
0x70: {  	_ =	shalt  }
0x71: {  	_ =	shalt  }
0x72: {  	_ =	shalt  }
0x73: {  	_ =	shalt  }
0x74: {  	_ =	shalt  }
0x75: {  	_ =	shalt  }
0x76: {  	_ =	shalt  }
0x77: {  	_ =	shalt  }
0x78: {  	_ =	shalt  }
0x79: {  	_ =	shalt  }
0x7a: {  	_ =	shalt  }
0x7b: {  	_ =	shalt  }
0x7c: {  	_ =	shalt  }
0x7d: {  	_ =	shalt  }
0x7e: {  	_ =	shalt  }
0x7f: {  	_ =	shalt  }
0x80: {  	_ =	shalt  }
0x81: {  	_ =	shalt  }
0x82: {  	_ =	shalt  }
0x83: {  	_ =	shalt  }
0x84: {  	_ =	shalt  }
0x85: {  	_ =	shalt  }
0x86: {  	_ =	shalt  }
0x87: {  	_ =	shalt  }
.Lfunc_end0:
.L_simem_size_0:
called_computation.1_lowered:
.L_overlay_start_0:
0x88: {  	s2 =	sld [smem:$0x3FD9]  }
0x89: {  	s3 =	sld [smem:$0x3FFE];
	_ =	sdelay $0x1  }
0x8a: {  	s1 =	srdreg.scid  }
0x8b: {  	s0 =	sand.u32 $0x1, s1  }
0x8c: {  	s14 =	sshll.u32 s0, $0xA;
	s2 =	sadd.s32 s3, s2  }
0x8d: {  	s2 =	sadd.s32 s2, s14  }
0x8e: {  	[smem:$0x3FC1] =	sst s2  }
0x8f: {  	_ = 	snop  }
0x90: {  	s2 =	sld [smem:$0x3FD0];
	_ =	sdelay $0x2  }
0x91: {  	s15 =	simm.s32 $0xA;
	s4 =	simm.s32 $0x10  }
0x92: {  	[smem:s4], [sflag:s15] =	dma.local [hbm:s2], $0x1  }
0x93: {  	_ =	swait.eq [sflag:s15], $0x1  }
0x94: {  	[sflag:s15] =	ssyncset.done $0x0  }
0x95: {  	[sflag:s15] =	ssyncadd.s32 $0xFFFFFFFF  }
0x96: {  	s16 =	sld [smem:$0x10];
	(tm) =	ssettm $0x1  }
0x97: {  	s17 =	sld [smem:$0x3FFB];
	_ =	sdelay $0x3  }
0x98: {  	_ =	strace s17  }
0x99: {  	s3 =	sld [smem:$0x3FFC];
	_ =	sdelay $0x3  }
0x9a: {  	_ =	strace s3  }
0x9b: {  	s3 =	sld [smem:$0x3FFD];
	_ =	sdelay $0x3  }
0x9c: {  	_ =	strace s3  }
0x9d: {  	_ =	strace $0x8FFFFFFF  }
0x9e: {  	s18 =	sld [smem:$0x3FDB];
	_ =	sdelay $0x1  }
0x9f: {  	s19 =	simm.s32 $_scs_section_size  }
0xa0: {  	s5 =	simm.s32 $_size__tile_overlayer_lowered;
	s6 =	simm.s32 $_tile_overlayer_lowered  }
0xa1: {  	s22 =	simm.s32 $0x1BFF;
	s21 =	sshll.u32 s6, $0x1;
	s3 =	sadd.s32 s19, s18  }
0xa2: {  	s7 =	simm.s32 $0x0;
	s20 =	sshll.u32 s5, $0x1;
	s5 =	sadd.s32 s21, s3  }
0xa3: {  	[timem:s7], [sflag:s22] =	dma.local [hbm:s5], s20  }
0xa4: {  	_ =	swait.ge [sflag:s22], s20  }
0xa5: {  	s4 =	ssub.s32 $0x0, s20;
	[sflag:s22] =	ssyncset.done $0x0  }
0xa6: {  	[sflag:s22] =	ssyncadd.s32 s4;
	_ =	sdelay $0x1  }
0xa7: {  	s23 =	simm.s32 $0x1B8B  }
0xa8: {  	_ =	swait.ge [sflag:s23], $0x1  }
0xa9: {  	[sflag:s23] =	ssyncset.done $0x0  }
0xaa: {  	s25 =	simm.s32 $0x1B8E;
	s24 =	sld [smem:$0x3FFE];
	[sflag:s23] =	ssyncadd.s32 $0xFFFFFFFF  }
0xab: {  	s26 =	simm.s32 $execute0_lowered;
	[smem:$0x3FD2] =	sst s25  }
0xac: {  	s5 =	sshll.u32 s26, $0x1;
	_ =	strace $0x80000049;
	[dreg:$0x1] =	wrdreg $0xFFFFFFFF  }
0xad: {  	s28 =	simm.s32 $_size_execute0_lowered;
	s3 =	sadd.s32 s3, s5;
	[dreg:$0x0] =	wrdreg $0x0  }
0xae: {  	s5 =	sshll.u32 s28, $0x1;
	[dreg:$0x2] =	wrdreg s3  }
0xaf: {  	[dreg:$0x3] =	wrdreg s5  }
0xb0: {  	[dreg:$0x4] =	wrdreg $0xC0  }
0xb1: {  	_ =	task [dreg:s7], $0x5FFFF  }
0xb2: {  	[dreg:$0x1] =	wrdreg $0xFFFFFFFF  }
0xb3: {  	[dreg:$0x0] =	wrdreg $0x60  }
0xb4: {  	[dreg:$0x2] =	wrdreg s24  }
0xb5: {  	[dreg:$0x3] =	wrdreg s16  }
0xb6: {  	[dreg:$0x4] =	wrdreg $0x9  }
0xb7: {  	_ =	task.clear_ibuf [dreg:s7], $0x5FFFF;
	_ =	strace $0x90000049  }
0xb8: {  	s29 =	simm.s32 $0x9;
	_ =	strace $0x8000004B  }
0xb9: {  	_ =	swait.ge [sflag:s29], $0x1  }
0xba: {  	[sflag:s29] =	ssyncadd.s32 $0xFFFFFFFF  }
0xbb: {  	_ =	strace $0x9000004B  }
0xbc: {  	_ =	sfence  }
0xbd: {  	s30 =	sld [smem:$0x0];
	_ =	sdelay $0x2  }
0xbe: {  	s31 =	sshll.u32 s1, $0xD;
	s1 =	sshrl.u32 s1, $0x2  }
0xbf: {  	s3 =	sand.u32 $0x4000, s31;
	s1 =	sadd.s32 s1, s30  }
0xc0: {  	s0 =	sor.u32 s3, s0;
	s1 =	sshll.u32 s1, $0x11  }
0xc1: {  	s0 =	sor.u32 s1, s0  }
0xc2: {  	s0 =	sadd.s32 $0x8F2B, s0  }
0xc3: {  	[sflag:s0] =	ssyncadd.remote.s32 $0x1  }
0xc4: {  	_ =	sfence.sel $0xFFFF  }
0xc5: {  	[dreg:$0x0] =	wrdreg $0xFFFFFFFF;
	(pc) =	sbr.abs _section_cstart, $3  }
0xc6: {  	[dreg:$0x1] =	wrdreg $0xFFFFFFFF  }
0xc7: {  	_ =	task.clear_ibuf [dreg:s7], $0x2FFFF;
	_ =	strace $0x9FFFFFFF  }
0xc8: {  	(tm) =	ssettm $0x7FFFFFFF  }
0xc9: {  	_ =	shalt  }
tec
execute0_lowered:
.L_overlay_start_1:
0x0: {  	(tag) =	ssettag $0x1  }
0x1: {  	s0 =	rddreg [dreg:$0x0]  }
0x2: {  	s1 =	rddreg [dreg:$0x1];
	s3 =	srdreg.scid  }
0x3: {  	s2 =	simm.s32 $0x0;
	s5 =	stileid.u32;
	s12 =	simm.s32 $0x3  }
0x4: {  	s14 =	simm.s32 $0x4100;
	s15 =	simm.s32 $0x17900;
	s16 =	simm.s32 $0x18100  }
0x5: {  	s17 =	simm.s32 $0x18900;
	s18 =	simm.s32 $0x19100;
	s19 =	simm.s32 $0x19900  }
0x6: {  	s20 =	simm.s32 $0x1A100;
	s21 =	simm.s32 $0x1A900;
	s22 =	simm.s32 $0x1B100  }
0x7: {  	s23 =	simm.s32 $0x1B900;
	s24 =	simm.s32 $0x1;
	s25 =	simm.s32 $0x2  }
0x8: {  	s26 =	simm.s32 $0x0;
	s4 =	sand.u32 $0x1, s3;
	[smem:$0x7FF] =	sst s2  }
0x9: {  	s5 =	sshll.u32 s5, $0x7;
	s3 =	sadd.s32 $0xD0E00, s0;
	s6 =	sshll.u32 s4, $0x6  }
0xa: {  	_ =	strace $0x8000004A;
	s4 =	ssub.s32 $0x2, s4;
	s5 =	sor.u32 s6, s5  }
0xb: {  	s31 =	sshrl.u32 s4, $0x1;
	s6 =	sshrl.u32 s5, $0x3;
	s5 =	sshll.u32 s5, $0x4  }
0xc: {  	s11 =	ssub.s32 s4, s31;
	s7 =	sadd.s32 s6, s0;
	s9 =	sadd.s32 s5, s0  }
0xd: {  	v2 =	vlaneseq.u32;
	s10 =	smul.u32 $0x300, s6;
	s6 =	sadd.s32 $0xD0F00, s0;
	s11 =	smax.u32 s11, $0x1  }
0xe: {  	vm0 =	vmmov $0xffff;
	v1 =	vshrl.u32 v2, $0x3;
	s4 =	sadd.s32 $0x10C00, s7;
	s5 =	sadd.s32 $0x10D00, s7;
	s7 =	sadd.s32 $0xD1000, s0  }
0xf: {  	v0 =	vand.u32 $0x7, v2;
	v2 =	vor.u32 $0x8, v2;
	v1 =	vmul.u32 $0x8, v1;
	s8 =	sadd.s32 $0xC00, s9;
	s9 =	sadd.s32 $0x8C00, s9;
	s10 =	sadd.s32 s1, s10  }
.LBB2_1:
0x10: {  	[tilespmem:s2], [sflag:$0x3] =	stream.linear.gather [hbm4b:s4+s2], $0x40, $0x38;
	[tilespmem:$0x1C100] =	vst v63  }
0x11: {  	_ =	swait.ge [sflag:s12], $0x40  }
0x12: {  	[sflag:s12] =	ssyncset.done $0x0  }
0x13: {  	s0 =	simm.s32 $0x80;
	[sflag:s12] =	ssyncadd.s32 $0xFFFFFFC0  }
0x14: {  	[tilespmem:s0], [sflag:$0x3] =	stream.linear.gather [hbm4b:s5+s2], $0x40, $0x38;
	[tilespmem:$0x1C100] =	vst v63  }
0x15: {  	_ =	swait.ge [sflag:s12], $0x40  }
0x16: {  	[sflag:s12] =	ssyncset.done $0x0  }
0x17: {  	[sflag:s12] =	ssyncadd.s32 $0xFFFFFFC0  }
0x18: {  	v3 =	vld [tilespmem:$0x0];
	_ =	sdelay $0x4  }
0x19: {  	v4 =	vshrl.u32 v3, $0x3  }
0x1a: {  	v4 =	vmul.u32 $0x30, v4  }
0x1b: {  	v3 =	vand.u32 $0x7, v3  }
0x1c: {  	v3 =	vor.u32 v3, v4  }
0x1d: {  	v4 =	vperm.xlane v3, v0;
	_ =	sdelay $0x1  }
0x1e: {  	v4 =	vadd.s32 v1, v4;
	_ =	sdelay $0x3  }
0x1f: {  	v3 =	vperm.xlane v3, v2  }
0x20: {  	[tilespmem:s14], [sflag:$0x1] =	stream.indirect_vreg.gather [hbm4b:s3+s2], $0x80, v4, vm0, $0xb8;
	[tilespmem:$0x1C100] =	vst v63  }
0x21: {  	s13 =	simm.s32 $0x4900;
	v3 =	vadd.s32 v1, v3  }
0x22: {  	[tilespmem:s13], [sflag:$0x1] =	stream.indirect_vreg.gather [hbm4b:s6+s2], $0x80, v4, vm0, $0xb8;
	[tilespmem:$0x1C100] =	vst v63  }
0x23: {  	s1 =	simm.s32 $0x5100  }
0x24: {  	[tilespmem:s1], [sflag:$0x1] =	stream.indirect_vreg.gather [hbm4b:s7+s2], $0x80, v4, vm0, $0xb8;
	[tilespmem:$0x1C100] =	vst v63  }
0x25: {  	s13 =	simm.s32 $0x5900  }
0x26: {  	[tilespmem:s13], [sflag:$0x1] =	stream.indirect_vreg.gather [hbm4b:s3+s2], $0x80, v3, vm0, $0xb8;
	[tilespmem:$0x1C100] =	vst v63  }
0x27: {  	s1 =	simm.s32 $0x6100  }
0x28: {  	[tilespmem:s1], [sflag:$0x1] =	stream.indirect_vreg.gather [hbm4b:s6+s2], $0x80, v3, vm0, $0xb8;
	[tilespmem:$0x1C100] =	vst v63  }
0x29: {  	s13 =	simm.s32 $0x6900  }
0x2a: {  	[tilespmem:s13], [sflag:$0x1] =	stream.indirect_vreg.gather [hbm4b:s7+s2], $0x80, v3, vm0, $0xb8;
	[tilespmem:$0x1C100] =	vst v63  }
0x2b: {  	v3 =	vld [tilespmem:$0x10];
	_ =	sdelay $0x4  }
0x2c: {  	v4 =	vshrl.u32 v3, $0x3  }
0x2d: {  	v4 =	vmul.u32 $0x30, v4  }
0x2e: {  	v3 =	vand.u32 $0x7, v3  }
0x2f: {  	v3 =	vor.u32 v3, v4  }
0x30: {  	v4 =	vperm.xlane v3, v0;
	_ =	sdelay $0x1  }
0x31: {  	v4 =	vadd.s32 v1, v4;
	_ =	sdelay $0x3  }
0x32: {  	s1 =	simm.s32 $0x7100;
	v3 =	vperm.xlane v3, v2  }
0x33: {  	[tilespmem:s1], [sflag:$0x1] =	stream.indirect_vreg.gather [hbm4b:s3+s2], $0x80, v4, vm0, $0xb8;
	[tilespmem:$0x1C100] =	vst v63  }
0x34: {  	s13 =	simm.s32 $0x7900;
	v3 =	vadd.s32 v1, v3  }
0x35: {  	[tilespmem:s13], [sflag:$0x1] =	stream.indirect_vreg.gather [hbm4b:s6+s2], $0x80, v4, vm0, $0xb8;
	[tilespmem:$0x1C100] =	vst v63  }
0x36: {  	s1 =	simm.s32 $0x8100  }
0x37: {  	[tilespmem:s1], [sflag:$0x1] =	stream.indirect_vreg.gather [hbm4b:s7+s2], $0x80, v4, vm0, $0xb8;
	[tilespmem:$0x1C100] =	vst v63  }
0x38: {  	s13 =	simm.s32 $0x8900  }
0x39: {  	[tilespmem:s13], [sflag:$0x1] =	stream.indirect_vreg.gather [hbm4b:s3+s2], $0x80, v3, vm0, $0xb8;
	[tilespmem:$0x1C100] =	vst v63  }
0x3a: {  	s1 =	simm.s32 $0x9100  }
0x3b: {  	[tilespmem:s1], [sflag:$0x1] =	stream.indirect_vreg.gather [hbm4b:s6+s2], $0x80, v3, vm0, $0xb8;
	[tilespmem:$0x1C100] =	vst v63  }
0x3c: {  	s13 =	simm.s32 $0x9900  }
0x3d: {  	[tilespmem:s13], [sflag:$0x1] =	stream.indirect_vreg.gather [hbm4b:s7+s2], $0x80, v3, vm0, $0xb8;
	[tilespmem:$0x1C100] =	vst v63  }
0x3e: {  	v3 =	vld [tilespmem:$0x20];
	_ =	sdelay $0x4  }
0x3f: {  	v4 =	vshrl.u32 v3, $0x3  }
0x40: {  	v4 =	vmul.u32 $0x30, v4  }
0x41: {  	v3 =	vand.u32 $0x7, v3  }
0x42: {  	v3 =	vor.u32 v3, v4  }
0x43: {  	v4 =	vperm.xlane v3, v0;
	_ =	sdelay $0x1  }
0x44: {  	v4 =	vadd.s32 v1, v4;
	_ =	sdelay $0x3  }
0x45: {  	s1 =	simm.s32 $0xA100;
	v3 =	vperm.xlane v3, v2  }
0x46: {  	[tilespmem:s1], [sflag:$0x1] =	stream.indirect_vreg.gather [hbm4b:s3+s2], $0x80, v4, vm0, $0xb8;
	[tilespmem:$0x1C100] =	vst v63  }
0x47: {  	s13 =	simm.s32 $0xA900;
	v3 =	vadd.s32 v1, v3  }
0x48: {  	[tilespmem:s13], [sflag:$0x1] =	stream.indirect_vreg.gather [hbm4b:s6+s2], $0x80, v4, vm0, $0xb8;
	[tilespmem:$0x1C100] =	vst v63  }
0x49: {  	s1 =	simm.s32 $0xB100  }
0x4a: {  	[tilespmem:s1], [sflag:$0x1] =	stream.indirect_vreg.gather [hbm4b:s7+s2], $0x80, v4, vm0, $0xb8;
	[tilespmem:$0x1C100] =	vst v63  }
0x4b: {  	s13 =	simm.s32 $0xB900  }
0x4c: {  	[tilespmem:s13], [sflag:$0x1] =	stream.indirect_vreg.gather [hbm4b:s3+s2], $0x80, v3, vm0, $0xb8;
	[tilespmem:$0x1C100] =	vst v63  }
0x4d: {  	s1 =	simm.s32 $0xC100  }
0x4e: {  	[tilespmem:s1], [sflag:$0x1] =	stream.indirect_vreg.gather [hbm4b:s6+s2], $0x80, v3, vm0, $0xb8;
	[tilespmem:$0x1C100] =	vst v63  }
0x4f: {  	s13 =	simm.s32 $0xC900  }
0x50: {  	[tilespmem:s13], [sflag:$0x1] =	stream.indirect_vreg.gather [hbm4b:s7+s2], $0x80, v3, vm0, $0xb8;
	[tilespmem:$0x1C100] =	vst v63  }
0x51: {  	v3 =	vld [tilespmem:$0x30];
	_ =	sdelay $0x4  }
0x52: {  	v4 =	vshrl.u32 v3, $0x3  }
0x53: {  	v4 =	vmul.u32 $0x30, v4  }
0x54: {  	v3 =	vand.u32 $0x7, v3  }
0x55: {  	v3 =	vor.u32 v3, v4  }
0x56: {  	v4 =	vperm.xlane v3, v0;
	_ =	sdelay $0x1  }
0x57: {  	v4 =	vadd.s32 v1, v4;
	_ =	sdelay $0x3  }
0x58: {  	s1 =	simm.s32 $0xD100;
	v3 =	vperm.xlane v3, v2  }
0x59: {  	[tilespmem:s1], [sflag:$0x1] =	stream.indirect_vreg.gather [hbm4b:s3+s2], $0x80, v4, vm0, $0xb8;
	[tilespmem:$0x1C100] =	vst v63  }
0x5a: {  	s13 =	simm.s32 $0xD900;
	v3 =	vadd.s32 v1, v3  }
0x5b: {  	[tilespmem:s13], [sflag:$0x1] =	stream.indirect_vreg.gather [hbm4b:s6+s2], $0x80, v4, vm0, $0xb8;
	[tilespmem:$0x1C100] =	vst v63  }
0x5c: {  	s1 =	simm.s32 $0xE100  }
0x5d: {  	[tilespmem:s1], [sflag:$0x1] =	stream.indirect_vreg.gather [hbm4b:s7+s2], $0x80, v4, vm0, $0xb8;
	[tilespmem:$0x1C100] =	vst v63  }
0x5e: {  	s13 =	simm.s32 $0xE900  }
0x5f: {  	[tilespmem:s13], [sflag:$0x1] =	stream.indirect_vreg.gather [hbm4b:s3+s2], $0x80, v3, vm0, $0xb8;
	[tilespmem:$0x1C100] =	vst v63  }
0x60: {  	s1 =	simm.s32 $0xF100  }
0x61: {  	[tilespmem:s1], [sflag:$0x1] =	stream.indirect_vreg.gather [hbm4b:s6+s2], $0x80, v3, vm0, $0xb8;
	[tilespmem:$0x1C100] =	vst v63  }
0x62: {  	s13 =	simm.s32 $0xF900  }
0x63: {  	[tilespmem:s13], [sflag:$0x1] =	stream.indirect_vreg.gather [hbm4b:s7+s2], $0x80, v3, vm0, $0xb8;
	[tilespmem:$0x1C100] =	vst v63  }
0x64: {  	v3 =	vld [tilespmem:$0x80];
	_ =	sdelay $0x4  }
0x65: {  	v4 =	vshrl.u32 v3, $0x3  }
0x66: {  	v4 =	vmul.u32 $0x30, v4  }
0x67: {  	v3 =	vand.u32 $0x7, v3  }
0x68: {  	v3 =	vor.u32 v3, v4  }
0x69: {  	v4 =	vperm.xlane v3, v0;
	_ =	sdelay $0x1  }
0x6a: {  	v4 =	vadd.s32 v1, v4;
	_ =	sdelay $0x3  }
0x6b: {  	s1 =	simm.s32 $0x10100;
	v3 =	vperm.xlane v3, v2  }
0x6c: {  	[tilespmem:s1], [sflag:$0x2] =	stream.indirect_vreg.gather [hbm4b:s3+s2], $0x80, v4, vm0, $0xb8;
	[tilespmem:$0x1C100] =	vst v63  }
0x6d: {  	s13 =	simm.s32 $0x10900;
	v3 =	vadd.s32 v1, v3  }
0x6e: {  	[tilespmem:s13], [sflag:$0x2] =	stream.indirect_vreg.gather [hbm4b:s6+s2], $0x80, v4, vm0, $0xb8;
	[tilespmem:$0x1C100] =	vst v63  }
0x6f: {  	s1 =	simm.s32 $0x11100  }
0x70: {  	[tilespmem:s1], [sflag:$0x2] =	stream.indirect_vreg.gather [hbm4b:s7+s2], $0x80, v4, vm0, $0xb8;
	[tilespmem:$0x1C100] =	vst v63  }
0x71: {  	s13 =	simm.s32 $0x11900  }
0x72: {  	[tilespmem:s13], [sflag:$0x2] =	stream.indirect_vreg.gather [hbm4b:s3+s2], $0x80, v3, vm0, $0xb8;
	[tilespmem:$0x1C100] =	vst v63  }
0x73: {  	s1 =	simm.s32 $0x12100  }
0x74: {  	[tilespmem:s1], [sflag:$0x2] =	stream.indirect_vreg.gather [hbm4b:s6+s2], $0x80, v3, vm0, $0xb8;
	[tilespmem:$0x1C100] =	vst v63  }
0x75: {  	s13 =	simm.s32 $0x12900  }
0x76: {  	[tilespmem:s13], [sflag:$0x2] =	stream.indirect_vreg.gather [hbm4b:s7+s2], $0x80, v3, vm0, $0xb8;
	[tilespmem:$0x1C100] =	vst v63  }
0x77: {  	v3 =	vld [tilespmem:$0x90];
	_ =	sdelay $0x4  }
0x78: {  	v4 =	vshrl.u32 v3, $0x3  }
0x79: {  	v4 =	vmul.u32 $0x30, v4  }
0x7a: {  	v3 =	vand.u32 $0x7, v3  }
0x7b: {  	v3 =	vor.u32 v3, v4  }
0x7c: {  	v4 =	vperm.xlane v3, v0;
	_ =	sdelay $0x1  }
0x7d: {  	v4 =	vadd.s32 v1, v4;
	_ =	sdelay $0x3  }
0x7e: {  	s1 =	simm.s32 $0x13100;
	v3 =	vperm.xlane v3, v2  }
0x7f: {  	[tilespmem:s1], [sflag:$0x2] =	stream.indirect_vreg.gather [hbm4b:s3+s2], $0x80, v4, vm0, $0xb8;
	[tilespmem:$0x1C100] =	vst v63  }
0x80: {  	s13 =	simm.s32 $0x13900;
	v3 =	vadd.s32 v1, v3  }
0x81: {  	[tilespmem:s13], [sflag:$0x2] =	stream.indirect_vreg.gather [hbm4b:s6+s2], $0x80, v4, vm0, $0xb8;
	[tilespmem:$0x1C100] =	vst v63  }
0x82: {  	s1 =	simm.s32 $0x14100  }
0x83: {  	[tilespmem:s1], [sflag:$0x2] =	stream.indirect_vreg.gather [hbm4b:s7+s2], $0x80, v4, vm0, $0xb8;
	[tilespmem:$0x1C100] =	vst v63  }
0x84: {  	s13 =	simm.s32 $0x14900  }
0x85: {  	[tilespmem:s13], [sflag:$0x2] =	stream.indirect_vreg.gather [hbm4b:s3+s2], $0x80, v3, vm0, $0xb8;
	[tilespmem:$0x1C100] =	vst v63  }
0x86: {  	s1 =	simm.s32 $0x15100  }
0x87: {  	[tilespmem:s1], [sflag:$0x2] =	stream.indirect_vreg.gather [hbm4b:s6+s2], $0x80, v3, vm0, $0xb8;
	[tilespmem:$0x1C100] =	vst v63  }
0x88: {  	s13 =	simm.s32 $0x15900  }
0x89: {  	[tilespmem:s13], [sflag:$0x2] =	stream.indirect_vreg.gather [hbm4b:s7+s2], $0x80, v3, vm0, $0xb8;
	[tilespmem:$0x1C100] =	vst v63  }
0x8a: {  	v3 =	vld [tilespmem:$0xA0];
	_ =	sdelay $0x4  }
0x8b: {  	v4 =	vshrl.u32 v3, $0x3  }
0x8c: {  	v4 =	vmul.u32 $0x30, v4  }
0x8d: {  	v3 =	vand.u32 $0x7, v3  }
0x8e: {  	v3 =	vor.u32 v3, v4  }
0x8f: {  	v4 =	vperm.xlane v3, v0;
	_ =	sdelay $0x1  }
0x90: {  	v4 =	vadd.s32 v1, v4;
	_ =	sdelay $0x3  }
0x91: {  	s1 =	simm.s32 $0x16100;
	v3 =	vperm.xlane v3, v2  }
0x92: {  	[tilespmem:s1], [sflag:$0x2] =	stream.indirect_vreg.gather [hbm4b:s3+s2], $0x80, v4, vm0, $0xb8;
	[tilespmem:$0x1C100] =	vst v63  }
0x93: {  	s13 =	simm.s32 $0x16900;
	v3 =	vadd.s32 v1, v3  }
0x94: {  	[tilespmem:s13], [sflag:$0x2] =	stream.indirect_vreg.gather [hbm4b:s6+s2], $0x80, v4, vm0, $0xb8;
	[tilespmem:$0x1C100] =	vst v63  }
0x95: {  	s1 =	simm.s32 $0x17100  }
0x96: {  	[tilespmem:s1], [sflag:$0x2] =	stream.indirect_vreg.gather [hbm4b:s7+s2], $0x80, v4, vm0, $0xb8;
	[tilespmem:$0x1C100] =	vst v63  }
0x97: {  	_ = 	snop  }
0x98: {  	[tilespmem:s15], [sflag:$0x2] =	stream.indirect_vreg.gather [hbm4b:s3+s2], $0x80, v3, vm0, $0xb8;
	[tilespmem:$0x1C100] =	vst v63  }
0x99: {  	_ = 	snop  }
0x9a: {  	[tilespmem:s16], [sflag:$0x2] =	stream.indirect_vreg.gather [hbm4b:s6+s2], $0x80, v3, vm0, $0xb8;
	[tilespmem:$0x1C100] =	vst v63  }
0x9b: {  	_ = 	snop  }
0x9c: {  	[tilespmem:s17], [sflag:$0x2] =	stream.indirect_vreg.gather [hbm4b:s7+s2], $0x80, v3, vm0, $0xb8;
	[tilespmem:$0x1C100] =	vst v63  }
0x9d: {  	v3 =	vld [tilespmem:$0xB0];
	_ =	sdelay $0x4  }
0x9e: {  	v4 =	vshrl.u32 v3, $0x3  }
0x9f: {  	v4 =	vmul.u32 $0x30, v4  }
0xa0: {  	v3 =	vand.u32 $0x7, v3  }
0xa1: {  	v3 =	vor.u32 v3, v4  }
0xa2: {  	v4 =	vperm.xlane v3, v0;
	_ =	sdelay $0x1  }
0xa3: {  	v4 =	vadd.s32 v1, v4;
	_ =	sdelay $0x3  }
0xa4: {  	v3 =	vperm.xlane v3, v2  }
0xa5: {  	[tilespmem:s18], [sflag:$0x2] =	stream.indirect_vreg.gather [hbm4b:s3+s2], $0x80, v4, vm0, $0xb8;
	[tilespmem:$0x1C100] =	vst v63  }
0xa6: {  	v3 =	vadd.s32 v1, v3  }
0xa7: {  	[tilespmem:s19], [sflag:$0x2] =	stream.indirect_vreg.gather [hbm4b:s6+s2], $0x80, v4, vm0, $0xb8;
	[tilespmem:$0x1C100] =	vst v63  }
0xa8: {  	_ = 	snop  }
0xa9: {  	[tilespmem:s20], [sflag:$0x2] =	stream.indirect_vreg.gather [hbm4b:s7+s2], $0x80, v4, vm0, $0xb8;
	[tilespmem:$0x1C100] =	vst v63  }
0xaa: {  	_ = 	snop  }
0xab: {  	[tilespmem:s21], [sflag:$0x2] =	stream.indirect_vreg.gather [hbm4b:s3+s2], $0x80, v3, vm0, $0xb8;
	[tilespmem:$0x1C100] =	vst v63  }
0xac: {  	_ = 	snop  }
0xad: {  	[tilespmem:s22], [sflag:$0x2] =	stream.indirect_vreg.gather [hbm4b:s6+s2], $0x80, v3, vm0, $0xb8;
	[tilespmem:$0x1C100] =	vst v63  }
0xae: {  	_ = 	snop  }
0xaf: {  	[tilespmem:s23], [sflag:$0x2] =	stream.indirect_vreg.gather [hbm4b:s7+s2], $0x80, v3, vm0, $0xb8;
	[tilespmem:$0x1C100] =	vst v63  }
0xb0: {  	s28 =	simm.s32 $0x100  }
0xb1: {  	[tilespmem:s28], [sflag:$0x3] =	stream.linear.gather [hbm4b:s8+s2], $0x2000, $0x38;
	[tilespmem:$0x1C100] =	vst v63  }
0xb2: {  	_ =	swait.ge [sflag:s12], $0x2000  }
0xb3: {  	[sflag:s12] =	ssyncset.done $0x0  }
0xb4: {  	s29 =	simm.s32 $0x2100;
	[sflag:s12] =	ssyncadd.s32 $0xFFFFE000  }
0xb5: {  	[tilespmem:s29], [sflag:$0x3] =	stream.linear.gather [hbm4b:s9+s2], $0x2000, $0x38;
	[tilespmem:$0x1C100] =	vst v63  }
0xb6: {  	_ =	swait.ge [sflag:s12], $0x2000  }
0xb7: {  	[sflag:s12] =	ssyncset.done $0x0  }
0xb8: {  	[sflag:s12] =	ssyncadd.s32 $0xFFFFE000  }
0xb9: {  	_ =	swait.ge [sflag:s24], $0xC000  }
0xba: {  	[sflag:s24] =	ssyncset.done $0x0  }
0xbb: {  	s13 =	simm.s32 $0x0;
	[sflag:s24] =	ssyncadd.s32 $0xFFFF4000  }
0xbc: {  	s0 =	smul.u32 $0x1800, s13;
	_ =	swait.ge [sflag:s25], $0xC000  }
0xbd: {  	s30 =	sand.u32 $0x380, s2;
	[sflag:s25] =	ssyncset.done $0x0  }
0xbe: {  	s0 =	sor.u32 s30, s0;
	[sflag:s25] =	ssyncadd.s32 $0xFFFF4000  }
0xbf: {  	v4 =	vld [tilespmem:s0+$0x4110]  }
0xc0: {  	v3 =	vld [tilespmem:s0+$0x10110]  }
0xc1: {  	v6 =	vld [tilespmem:s0+$0x4120]  }
0xc2: {  	v5 =	vld [tilespmem:s0+$0x10120]  }
0xc3: {  	v10 =	vld [tilespmem:s0+$0x4130]  }
0xc4: {  	v9 =	vld [tilespmem:s0+$0x10130]  }
0xc5: {  	v12 =	vld [tilespmem:s0+$0x4140]  }
0xc6: {  	v11 =	vld [tilespmem:s0+$0x10140]  }
0xc7: {  	v13 =	vld [tilespmem:s0+$0x4160]  }
0xc8: {  	v14 =	vld [tilespmem:s0+$0x4170]  }
0xc9: {  	v15 =	vld [tilespmem:s0+$0x4500]  }
0xca: {  	v16 =	vld [tilespmem:s0+$0x4510]  }
0xcb: {  	v17 =	vld [tilespmem:s0+$0x4520]  }
0xcc: {  	v18 =	vld [tilespmem:s0+$0x4530]  }
0xcd: {  	v19 =	vld [tilespmem:s0+$0x4540]  }
0xce: {  	v20 =	vld [tilespmem:s0+$0x4550]  }
0xcf: {  	v21 =	vld [tilespmem:s0+$0x4560]  }
0xd0: {  	v22 =	vld [tilespmem:s0+$0x4570]  }
0xd1: {  	v23 =	vld [tilespmem:s0+$0x4900]  }
0xd2: {  	v24 =	vld [tilespmem:s0+$0x4910]  }
0xd3: {  	v25 =	vld [tilespmem:s0+$0x4920]  }
0xd4: {  	v26 =	vld [tilespmem:s0+$0x4930]  }
0xd5: {  	v27 =	vld [tilespmem:s0+$0x4940]  }
0xd6: {  	v28 =	vld [tilespmem:s0+$0x4950]  }
0xd7: {  	v29 =	vld [tilespmem:s0+$0x4960]  }
0xd8: {  	v30 =	vld [tilespmem:s0+$0x4970]  }
0xd9: {  	v31 =	vld [tilespmem:s0+$0x4D00]  }
0xda: {  	v32 =	vld [tilespmem:s0+$0x4D10]  }
0xdb: {  	v33 =	vld [tilespmem:s0+$0x4D20]  }
0xdc: {  	v34 =	vld [tilespmem:s0+$0x4D30]  }
0xdd: {  	v35 =	vld [tilespmem:s0+$0x4D40]  }
0xde: {  	v36 =	vld [tilespmem:s0+$0x4D50]  }
0xdf: {  	v37 =	vld [tilespmem:s0+$0x4D60]  }
0xe0: {  	v38 =	vld [tilespmem:s0+$0x4D70]  }
0xe1: {  	v39 =	vld [tilespmem:s0+$0x5100]  }
0xe2: {  	v40 =	vld [tilespmem:s0+$0x5110]  }
0xe3: {  	v41 =	vld [tilespmem:s0+$0x5120]  }
0xe4: {  	v42 =	vld [tilespmem:s0+$0x5130]  }
0xe5: {  	v43 =	vld [tilespmem:s0+$0x5140]  }
0xe6: {  	v44 =	vld [tilespmem:s0+$0x5150]  }
0xe7: {  	v45 =	vld [tilespmem:s0+$0x5160]  }
0xe8: {  	v46 =	vld [tilespmem:s0+$0x5500]  }
0xe9: {  	v47 =	vld [tilespmem:s0+$0x5510]  }
0xea: {  	v48 =	vld [tilespmem:s0+$0x11510]  }
0xeb: {  	v49 =	vld [tilespmem:s0+$0x11530]  }
0xec: {  	v50 =	vld [tilespmem:s0+$0x5530]  }
0xed: {  	v51 =	vld [tilespmem:s0+$0x5520]  }
0xee: {  	v7 =	vld [tilespmem:s28+$0x0]  }
0xef: {  	v8 =	vld [tilespmem:s29+$0x0]  }
0xf0: {  	v52 =	vld [tilespmem:s0+$0x11520]  }
0xf1: {  	v53 =	vld [tilespmem:s0+$0x11500]  }
0xf2: {  	v54 =	vld [tilespmem:s0+$0x5170]  }
0xf3: {  	v55 =	vld [tilespmem:s0+$0x11170];
	v50 =	vmul.f32 v50, v7  }
0xf4: {  	v56 =	vld [tilespmem:s0+$0x11160];
	v49 =	vmul.f32 v49, v8;
	v51 =	vmul.f32 v51, v7  }
0xf5: {  	v57 =	vld [tilespmem:s0+$0x11150];
	v52 =	vmul.f32 v52, v8;
	v47 =	vmul.f32 v47, v7  }
0xf6: {  	v61 =	vld [tilespmem:s0+$0x11100];
	v48 =	vmul.f32 v48, v8;
	v46 =	vmul.f32 v46, v7  }
0xf7: {  	v58 =	vld [tilespmem:s0+$0x11140];
	v62 =	vmul.f32 v53, v8;
	v63 =	vmul.f32 v54, v7;
	v49 =	vadd.f32 v49, v50  }
0xf8: {  	v53 =	vld [tilespmem:s0+$0x11130];
	v59 =	vmul.f32 v55, v8;
	v45 =	vmul.f32 v45, v7;
	v51 =	vadd.f32 v52, v51  }
0xf9: {  	v60 =	vmul.f32 v56, v8;
	v44 =	vmul.f32 v44, v7;
	v56 =	vld [tilespmem:s0+$0x10D60];
	v47 =	vadd.f32 v48, v47;
	[tilespmem:s0+$0x5530] =	vst v49  }
0xfa: {  	v43 =	vmul.f32 v43, v7;
	v39 =	vmul.f32 v39, v7;
	v55 =	vld [tilespmem:s0+$0x10970];
	v46 =	vadd.f32 v62, v46;
	[tilespmem:s0+$0x5520] =	vst v51  }
0xfb: {  	v61 =	vmul.f32 v61, v8;
	v12 =	vmul.f32 v12, v7;
	v48 =	vld [tilespmem:s0+$0x11120];
	v52 =	vadd.f32 v59, v63;
	[tilespmem:s0+$0x5510] =	vst v47  }
0xfc: {  	v11 =	vmul.f32 v11, v8;
	v63 =	vmul.f32 v58, v8;
	v45 =	vadd.f32 v60, v45;
	v58 =	vld [tilespmem:s0+$0x10D50];
	[tilespmem:s0+$0x5500] =	vst v46  }
0xfd: {  	v42 =	vmul.f32 v42, v7;
	v62 =	vmul.f32 v57, v8;
	v59 =	vld [tilespmem:s0+$0x10D40];
	v39 =	vadd.f32 v61, v39;
	[tilespmem:s0+$0x5170] =	vst v52  }
0xfe: {  	v41 =	vmul.f32 v41, v7;
	v40 =	vmul.f32 v40, v7;
	v60 =	vld [tilespmem:s0+$0x10D30];
	v11 =	vadd.f32 v11, v12;
	[tilespmem:s0+$0x5160] =	vst v45  }
0xff: {  	v38 =	vmul.f32 v38, v7;
	v61 =	vld [tilespmem:s0+$0x10910];
	v44 =	vadd.f32 v62, v44;
	[tilespmem:s0+$0x5100] =	vst v39;
	v57 =	vmul.f32 v53, v8  }
0x100: {  	v37 =	vmul.f32 v37, v7;
	v49 =	vld [tilespmem:s0+$0x11110];
	v43 =	vadd.f32 v63, v43;
	[tilespmem:s0+$0x4140] =	vst v11;
	v46 =	vmul.f32 v56, v8  }
0x101: {  	v36 =	vmul.f32 v36, v7;
	v47 =	vld [tilespmem:s0+$0x10D70];
	[tilespmem:s0+$0x5150] =	vst v44;
	v48 =	vmul.f32 v48, v8;
	v42 =	vadd.f32 v57, v42  }
0x102: {  	v35 =	vmul.f32 v35, v7;
	v62 =	vld [tilespmem:s0+$0x10D20];
	[tilespmem:s0+$0x5140] =	vst v43;
	v54 =	vmul.f32 v58, v8;
	v37 =	vadd.f32 v46, v37  }
0x103: {  	v34 =	vmul.f32 v34, v7;
	v63 =	vld [tilespmem:s0+$0x10D10];
	v45 =	vmul.f32 v59, v8;
	v41 =	vadd.f32 v48, v41;
	[tilespmem:s0+$0x5130] =	vst v42  }
0x104: {  	v33 =	vmul.f32 v33, v7;
	v56 =	vld [tilespmem:s0+$0x10960];
	v44 =	vmul.f32 v60, v8;
	v36 =	vadd.f32 v54, v36;
	[tilespmem:s0+$0x4D60] =	vst v37  }
0x105: {  	v32 =	vmul.f32 v32, v7;
	v53 =	vld [tilespmem:s0+$0x10D00];
	v49 =	vmul.f32 v49, v8;
	v35 =	vadd.f32 v45, v35;
	[tilespmem:s0+$0x5120] =	vst v41  }
0x106: {  	v6 =	vmul.f32 v6, v7;
	v12 =	vld [tilespmem:s0+$0x5560];
	v47 =	vmul.f32 v47, v8;
	v34 =	vadd.f32 v44, v34;
	[tilespmem:s0+$0x4D50] =	vst v36  }
0x107: {  	v5 =	vmul.f32 v5, v8;
	v58 =	vld [tilespmem:s0+$0x10940];
	v43 =	vmul.f32 v62, v8;
	v40 =	vadd.f32 v49, v40;
	[tilespmem:s0+$0x4D40] =	vst v35  }
0x108: {  	v29 =	vmul.f32 v29, v7;
	v59 =	vld [tilespmem:s0+$0x10930];
	v42 =	vmul.f32 v63, v8;
	v38 =	vadd.f32 v47, v38;
	[tilespmem:s0+$0x4D30] =	vst v34  }
0x109: {  	v5 =	vadd.f32 v5, v6;
	v6 =	vld [tilespmem:s0+$0x4100];
	v39 =	vmul.f32 v56, v8;
	v33 =	vadd.f32 v43, v33;
	[tilespmem:s0+$0x5110] =	vst v40  }
0x10a: {  	v31 =	vmul.f32 v31, v7;
	v60 =	vld [tilespmem:s0+$0x10920];
	v41 =	vmul.f32 v53, v8;
	v32 =	vadd.f32 v42, v32;
	[tilespmem:s0+$0x4D70] =	vst v38  }
0x10b: {  	v24 =	vmul.f32 v24, v7;
	v57 =	vld [tilespmem:s0+$0x10950];
	v34 =	vmul.f32 v61, v8;
	v29 =	vadd.f32 v39, v29;
	[tilespmem:s0+$0x4D20] =	vst v33  }
0x10c: {  	v27 =	vmul.f32 v27, v7;
	v62 =	vld [tilespmem:s0+$0x10900];
	v37 =	vmul.f32 v58, v8;
	v31 =	vadd.f32 v41, v31;
	[tilespmem:s0+$0x4D10] =	vst v32  }
0x10d: {  	v26 =	vmul.f32 v26, v7;
	v63 =	vld [tilespmem:s0+$0x10570];
	v36 =	vmul.f32 v59, v8;
	v24 =	vadd.f32 v34, v24;
	[tilespmem:s0+$0x4960] =	vst v29  }
0x10e: {  	v30 =	vmul.f32 v30, v7;
	v40 =	vmul.f32 v55, v8;
	v27 =	vadd.f32 v37, v27;
	v29 =	vld [tilespmem:s0+$0x10540];
	[tilespmem:s0+$0x4D00] =	vst v31  }
0x10f: {  	v25 =	vmul.f32 v25, v7;
	v35 =	vmul.f32 v60, v8;
	v26 =	vadd.f32 v36, v26;
	v31 =	vld [tilespmem:s0+$0x10560];
	[tilespmem:s0+$0x4910] =	vst v24  }
0x110: {  	v28 =	vmul.f32 v28, v7;
	v38 =	vmul.f32 v57, v8;
	v30 =	vadd.f32 v40, v30;
	v24 =	vld [tilespmem:s0+$0x10170];
	[tilespmem:s0+$0x4940] =	vst v27  }
0x111: {  	v23 =	vmul.f32 v23, v7;
	v33 =	vmul.f32 v62, v8;
	v25 =	vadd.f32 v35, v25;
	v27 =	vld [tilespmem:s0+$0x10520];
	[tilespmem:s0+$0x4930] =	vst v26  }
0x112: {  	v22 =	vmul.f32 v22, v7;
	v32 =	vmul.f32 v63, v8;
	v28 =	vadd.f32 v38, v28;
	[tilespmem:s0+$0x4970] =	vst v30;
	v30 =	vld [tilespmem:s0+$0x10550]  }
0x113: {  	v19 =	vmul.f32 v19, v7;
	v23 =	vadd.f32 v33, v23;
	[tilespmem:s0+$0x4920] =	vst v25;
	v25 =	vld [tilespmem:s0+$0x10500];
	v29 =	vmul.f32 v29, v8  }
0x114: {  	v21 =	vmul.f32 v21, v7;
	v22 =	vadd.f32 v32, v22;
	[tilespmem:s0+$0x4950] =	vst v28;
	v28 =	vld [tilespmem:s0+$0x10530];
	v31 =	vmul.f32 v31, v8  }
0x115: {  	v14 =	vmul.f32 v14, v7;
	[tilespmem:s0+$0x4900] =	vst v23;
	v23 =	vld [tilespmem:s0+$0x10160];
	v24 =	vmul.f32 v24, v8;
	v19 =	vadd.f32 v29, v19  }
0x116: {  	v17 =	vmul.f32 v17, v7;
	v26 =	vld [tilespmem:s0+$0x10510];
	[tilespmem:s0+$0x4570] =	vst v22;
	v27 =	vmul.f32 v27, v8;
	v21 =	vadd.f32 v31, v21  }
0x117: {  	v20 =	vmul.f32 v20, v7;
	v22 =	vld [tilespmem:s0+$0x4150];
	v30 =	vmul.f32 v30, v8;
	v14 =	vadd.f32 v24, v14;
	[tilespmem:s0+$0x4540] =	vst v19  }
0x118: {  	v15 =	vmul.f32 v15, v7;
	v25 =	vmul.f32 v25, v8;
	v17 =	vadd.f32 v27, v17;
	v19 =	vld [tilespmem:s0+$0x11550];
	[tilespmem:s0+$0x4560] =	vst v21  }
0x119: {  	v18 =	vmul.f32 v18, v7;
	v28 =	vmul.f32 v28, v8;
	v20 =	vadd.f32 v30, v20;
	v21 =	vld [tilespmem:s0+$0x10150];
	[tilespmem:s0+$0x4170] =	vst v14  }
0x11a: {  	v13 =	vmul.f32 v13, v7;
	v23 =	vmul.f32 v23, v8;
	v15 =	vadd.f32 v25, v15;
	[tilespmem:s0+$0x4520] =	vst v17;
	v17 =	vld [tilespmem:s0+$0x5540]  }
0x11b: {  	v16 =	vmul.f32 v16, v7;
	v26 =	vmul.f32 v26, v8;
	v18 =	vadd.f32 v28, v18;
	[tilespmem:s0+$0x4550] =	vst v20;
	v20 =	vld [tilespmem:s0+$0x11540]  }
0x11c: {  	v10 =	vmul.f32 v10, v7;
	v9 =	vmul.f32 v9, v8;
	v13 =	vadd.f32 v23, v13;
	[tilespmem:s0+$0x4500] =	vst v15;
	v15 =	vld [tilespmem:s0+$0x5550]  }
0x11d: {  	v4 =	vmul.f32 v4, v7;
	v3 =	vmul.f32 v3, v8;
	v16 =	vadd.f32 v26, v16;
	[tilespmem:s0+$0x4530] =	vst v18;
	v18 =	vld [tilespmem:s0+$0x11560]  }
0x11e: {  	v9 =	vadd.f32 v9, v10;
	v10 =	vmul.f32 v22, v7;
	v14 =	vld [tilespmem:s0+$0x5570];
	[tilespmem:s0+$0x4160] =	vst v13;
	v13 =	vmul.f32 v21, v8  }
0x11f: {  	v3 =	vadd.f32 v3, v4;
	[tilespmem:s0+$0x4510] =	vst v16;
	v16 =	vld [tilespmem:s0+$0x11570]  }
0x120: {  	s30 =	simm.s32 $0x0;
	[tilespmem:s0+$0x4130] =	vst v9;
	v9 =	vld [tilespmem:s0+$0x10100];
	v11 =	vmul.f32 v17, v7;
	v17 =	vmul.f32 v20, v8;
	v4 =	vadd.f32 v13, v10  }
0x121: {  	s31 =	simm.s32 $0x80;
	s30 =	smul.u32 $0x1800, s30;
	[tilespmem:s0+$0x4120] =	vst v5;
	v5 =	vmul.f32 v15, v7;
	v10 =	vmul.f32 v19, v8  }
0x122: {  	s1 =	sand.u32 $0x380, s31;
	v11 =	vadd.f32 v17, v11;
	[tilespmem:s0+$0x4150] =	vst v4;
	v4 =	vmul.f32 v12, v7;
	v12 =	vmul.f32 v18, v8  }
0x123: {  	s30 =	sor.u32 s1, s30;
	[tilespmem:s0+$0x4110] =	vst v3;
	v5 =	vadd.f32 v10, v5  }
0x124: {  	v3 =	vld [tilespmem:s30+$0x4110];
	v10 =	vmul.f32 v14, v7;
	[tilespmem:s0+$0x5540] =	vst v11;
	v11 =	vmul.f32 v16, v8;
	v12 =	vadd.f32 v12, v4  }
0x125: {  	v7 =	vmul.f32 v6, v7;
	v8 =	vmul.f32 v9, v8;
	v4 =	vld [tilespmem:s30+$0x10110];
	[tilespmem:s0+$0x5550] =	vst v5  }
0x126: {  	v9 =	vadd.f32 v11, v10;
	v6 =	vld [tilespmem:s30+$0x4120];
	[tilespmem:s0+$0x5560] =	vst v12  }
0x127: {  	v7 =	vadd.f32 v8, v7;
	v5 =	vld [tilespmem:s30+$0x10120]  }
0x128: {  	v8 =	vld [tilespmem:s30+$0x4130];
	[tilespmem:s0+$0x5570] =	vst v9  }
0x129: {  	v18 =	vld [tilespmem:s30+$0x4530];
	[tilespmem:s0+$0x4100] =	vst v7  }
0x12a: {  	v7 =	vld [tilespmem:s30+$0x10130]  }
0x12b: {  	v10 =	vld [tilespmem:s30+$0x4140]  }
0x12c: {  	v9 =	vld [tilespmem:s30+$0x10140]  }
0x12d: {  	v12 =	vld [tilespmem:s30+$0x4150]  }
0x12e: {  	v11 =	vld [tilespmem:s30+$0x10150]  }
0x12f: {  	v13 =	vld [tilespmem:s30+$0x4160]  }
0x130: {  	v14 =	vld [tilespmem:s30+$0x4170]  }
0x131: {  	v15 =	vld [tilespmem:s30+$0x4500]  }
0x132: {  	v16 =	vld [tilespmem:s30+$0x4510]  }
0x133: {  	v17 =	vld [tilespmem:s30+$0x4520]  }
0x134: {  	v19 =	vld [tilespmem:s30+$0x4540]  }
0x135: {  	v20 =	vld [tilespmem:s30+$0x4550]  }
0x136: {  	v21 =	vld [tilespmem:s30+$0x4560]  }
0x137: {  	v22 =	vld [tilespmem:s30+$0x4570]  }
0x138: {  	v23 =	vld [tilespmem:s30+$0x4900]  }
0x139: {  	v24 =	vld [tilespmem:s30+$0x4910]  }
0x13a: {  	v25 =	vld [tilespmem:s30+$0x4920]  }
0x13b: {  	v26 =	vld [tilespmem:s30+$0x4930]  }
0x13c: {  	v27 =	vld [tilespmem:s30+$0x4940]  }
0x13d: {  	v28 =	vld [tilespmem:s30+$0x4950]  }
0x13e: {  	v29 =	vld [tilespmem:s30+$0x4960]  }
0x13f: {  	v30 =	vld [tilespmem:s30+$0x4970]  }
0x140: {  	v31 =	vld [tilespmem:s30+$0x4D00]  }
0x141: {  	v34 =	vld [tilespmem:s30+$0x4D10]  }
0x142: {  	v35 =	vld [tilespmem:s30+$0x4D20]  }
0x143: {  	v36 =	vld [tilespmem:s30+$0x4D30]  }
0x144: {  	v37 =	vld [tilespmem:s30+$0x4D40]  }
0x145: {  	v38 =	vld [tilespmem:s30+$0x4D50]  }
0x146: {  	v39 =	vld [tilespmem:s30+$0x4D60]  }
0x147: {  	v40 =	vld [tilespmem:s30+$0x4D70]  }
0x148: {  	v41 =	vld [tilespmem:s30+$0x5100]  }
0x149: {  	v42 =	vld [tilespmem:s30+$0x5110]  }
0x14a: {  	v43 =	vld [tilespmem:s30+$0x5120]  }
0x14b: {  	v44 =	vld [tilespmem:s30+$0x5130]  }
0x14c: {  	v45 =	vld [tilespmem:s30+$0x5140]  }
0x14d: {  	v46 =	vld [tilespmem:s30+$0x5150]  }
0x14e: {  	v47 =	vld [tilespmem:s30+$0x5160]  }
0x14f: {  	v48 =	vld [tilespmem:s30+$0x5500]  }
0x150: {  	v50 =	vld [tilespmem:s30+$0x5510]  }
0x151: {  	v49 =	vld [tilespmem:s30+$0x11510]  }
0x152: {  	s0 =	simm.s32 $0x2;
	v51 =	vld [tilespmem:s30+$0x11530]  }
.LBB2_2:
0x153: {  	p0 =	sne.s32 s0, $0x3F;
	v52 =	vld [tilespmem:s30+$0x5530]  }
0x154: {  	s28 =	sadd.s32 $0x80, s28;
	v53 =	vld [tilespmem:s30+$0x5520]  }
0x155: {  	s29 =	sadd.s32 $0x80, s29;
	v33 =	vld [tilespmem:s28+$0x0]  }
0x156: {  	v32 =	vld [tilespmem:s29+$0x0]  }
0x157: {  	v54 =	vld [tilespmem:s30+$0x11520]  }
0x158: {  	v55 =	vld [tilespmem:s30+$0x11500]  }
0x159: {  	v56 =	vld [tilespmem:s30+$0x5170]  }
0x15a: {  	v57 =	vld [tilespmem:s30+$0x11170];
	v50 =	vmul.f32 v50, v33;
	v53 =	vmul.f32 v53, v33  }
0x15b: {  	v52 =	vmul.f32 v52, v33;
	v58 =	vld [tilespmem:s30+$0x11160];
	v51 =	vmul.f32 v51, v32  }
0x15c: {  	v49 =	vmul.f32 v49, v32;
	v59 =	vld [tilespmem:s30+$0x11150];
	v54 =	vmul.f32 v54, v32  }
0x15d: {  	v48 =	vmul.f32 v48, v33;
	v60 =	vld [tilespmem:s30+$0x11140];
	v55 =	vmul.f32 v55, v32;
	v51 =	vadd.f32 v51, v52  }
0x15e: {  	v49 =	vadd.f32 v49, v50;
	v52 =	vld [tilespmem:s30+$0x11130];
	v56 =	vmul.f32 v56, v33;
	v50 =	vadd.f32 v54, v53  }
0x15f: {  	v47 =	vmul.f32 v47, v33;
	v53 =	vld [tilespmem:s30+$0x11120];
	v54 =	vmul.f32 v57, v32;
	v48 =	vadd.f32 v55, v48;
	[tilespmem:s30+$0x5530] =	vst v51  }
0x160: {  	v46 =	vmul.f32 v46, v33;
	v51 =	vld [tilespmem:s30+$0x11110];
	v55 =	vmul.f32 v58, v32;
	[tilespmem:s30+$0x5520] =	vst v50  }
0x161: {  	v45 =	vmul.f32 v45, v33;
	v50 =	vld [tilespmem:s30+$0x11100];
	v57 =	vmul.f32 v59, v32;
	v54 =	vadd.f32 v54, v56;
	[tilespmem:s30+$0x5510] =	vst v49  }
0x162: {  	v44 =	vmul.f32 v44, v33;
	v49 =	vld [tilespmem:s30+$0x10D70];
	v56 =	vmul.f32 v60, v32;
	v47 =	vadd.f32 v55, v47;
	[tilespmem:s30+$0x5500] =	vst v48  }
0x163: {  	v43 =	vmul.f32 v43, v33;
	v48 =	vld [tilespmem:s30+$0x10D60];
	v52 =	vmul.f32 v52, v32;
	v46 =	vadd.f32 v57, v46;
	[tilespmem:s30+$0x5170] =	vst v54  }
0x164: {  	v42 =	vmul.f32 v42, v33;
	v54 =	vld [tilespmem:s30+$0x10D50];
	v53 =	vmul.f32 v53, v32;
	v45 =	vadd.f32 v56, v45;
	[tilespmem:s30+$0x5160] =	vst v47  }
0x165: {  	v41 =	vmul.f32 v41, v33;
	v47 =	vld [tilespmem:s30+$0x10D40];
	v51 =	vmul.f32 v51, v32;
	v44 =	vadd.f32 v52, v44;
	[tilespmem:s30+$0x5150] =	vst v46  }
0x166: {  	v40 =	vmul.f32 v40, v33;
	v46 =	vld [tilespmem:s30+$0x10D30];
	v50 =	vmul.f32 v50, v32;
	v43 =	vadd.f32 v53, v43;
	[tilespmem:s30+$0x5140] =	vst v45  }
0x167: {  	v39 =	vmul.f32 v39, v33;
	v45 =	vld [tilespmem:s30+$0x10D20];
	v49 =	vmul.f32 v49, v32;
	v42 =	vadd.f32 v51, v42;
	[tilespmem:s30+$0x5130] =	vst v44  }
0x168: {  	v38 =	vmul.f32 v38, v33;
	v44 =	vld [tilespmem:s30+$0x10D10];
	v48 =	vmul.f32 v48, v32;
	v41 =	vadd.f32 v50, v41;
	[tilespmem:s30+$0x5120] =	vst v43  }
0x169: {  	v37 =	vmul.f32 v37, v33;
	v43 =	vld [tilespmem:s30+$0x10D00];
	v50 =	vmul.f32 v54, v32;
	v40 =	vadd.f32 v49, v40;
	[tilespmem:s30+$0x5110] =	vst v42  }
0x16a: {  	v36 =	vmul.f32 v36, v33;
	v42 =	vld [tilespmem:s30+$0x10970];
	v47 =	vmul.f32 v47, v32;
	v39 =	vadd.f32 v48, v39;
	[tilespmem:s30+$0x5100] =	vst v41  }
0x16b: {  	v35 =	vmul.f32 v35, v33;
	v41 =	vld [tilespmem:s30+$0x10960];
	v46 =	vmul.f32 v46, v32;
	v38 =	vadd.f32 v50, v38;
	[tilespmem:s30+$0x4D70] =	vst v40  }
0x16c: {  	v34 =	vmul.f32 v34, v33;
	v40 =	vld [tilespmem:s30+$0x10950];
	v45 =	vmul.f32 v45, v32;
	v37 =	vadd.f32 v47, v37;
	[tilespmem:s30+$0x4D60] =	vst v39  }
0x16d: {  	v31 =	vmul.f32 v31, v33;
	v39 =	vld [tilespmem:s30+$0x10940];
	v44 =	vmul.f32 v44, v32;
	v36 =	vadd.f32 v46, v36;
	[tilespmem:s30+$0x4D50] =	vst v38  }
0x16e: {  	v30 =	vmul.f32 v30, v33;
	v38 =	vld [tilespmem:s30+$0x10930];
	v43 =	vmul.f32 v43, v32;
	v35 =	vadd.f32 v45, v35;
	[tilespmem:s30+$0x4D40] =	vst v37  }
0x16f: {  	v29 =	vmul.f32 v29, v33;
	v37 =	vld [tilespmem:s30+$0x10920];
	v42 =	vmul.f32 v42, v32;
	v34 =	vadd.f32 v44, v34;
	[tilespmem:s30+$0x4D30] =	vst v36  }
0x170: {  	v28 =	vmul.f32 v28, v33;
	v36 =	vld [tilespmem:s30+$0x10910];
	v41 =	vmul.f32 v41, v32;
	v31 =	vadd.f32 v43, v31;
	[tilespmem:s30+$0x4D20] =	vst v35  }
0x171: {  	v27 =	vmul.f32 v27, v33;
	v35 =	vld [tilespmem:s30+$0x10900];
	v40 =	vmul.f32 v40, v32;
	v30 =	vadd.f32 v42, v30;
	[tilespmem:s30+$0x4D10] =	vst v34  }
0x172: {  	v26 =	vmul.f32 v26, v33;
	v34 =	vld [tilespmem:s30+$0x10570];
	v39 =	vmul.f32 v39, v32;
	v29 =	vadd.f32 v41, v29;
	[tilespmem:s30+$0x4D00] =	vst v31  }
0x173: {  	v25 =	vmul.f32 v25, v33;
	v31 =	vld [tilespmem:s30+$0x10560];
	v38 =	vmul.f32 v38, v32;
	v28 =	vadd.f32 v40, v28;
	[tilespmem:s30+$0x4970] =	vst v30  }
0x174: {  	v24 =	vmul.f32 v24, v33;
	v30 =	vld [tilespmem:s30+$0x10550];
	v37 =	vmul.f32 v37, v32;
	v27 =	vadd.f32 v39, v27;
	[tilespmem:s30+$0x4960] =	vst v29  }
0x175: {  	v23 =	vmul.f32 v23, v33;
	v29 =	vld [tilespmem:s30+$0x10540];
	v36 =	vmul.f32 v36, v32;
	v26 =	vadd.f32 v38, v26;
	[tilespmem:s30+$0x4950] =	vst v28  }
0x176: {  	v22 =	vmul.f32 v22, v33;
	v28 =	vld [tilespmem:s30+$0x10530];
	v35 =	vmul.f32 v35, v32;
	v25 =	vadd.f32 v37, v25;
	[tilespmem:s30+$0x4940] =	vst v27  }
0x177: {  	v21 =	vmul.f32 v21, v33;
	v27 =	vld [tilespmem:s30+$0x10520];
	v34 =	vmul.f32 v34, v32;
	v24 =	vadd.f32 v36, v24;
	[tilespmem:s30+$0x4930] =	vst v26  }
0x178: {  	v20 =	vmul.f32 v20, v33;
	v26 =	vld [tilespmem:s30+$0x10510];
	v31 =	vmul.f32 v31, v32;
	v23 =	vadd.f32 v35, v23;
	[tilespmem:s30+$0x4920] =	vst v25  }
0x179: {  	v19 =	vmul.f32 v19, v33;
	v25 =	vld [tilespmem:s30+$0x10500];
	v30 =	vmul.f32 v30, v32;
	v22 =	vadd.f32 v34, v22;
	[tilespmem:s30+$0x4910] =	vst v24  }
0x17a: {  	v18 =	vmul.f32 v18, v33;
	v24 =	vld [tilespmem:s30+$0x10170];
	v29 =	vmul.f32 v29, v32;
	v21 =	vadd.f32 v31, v21;
	[tilespmem:s30+$0x4900] =	vst v23  }
0x17b: {  	v17 =	vmul.f32 v17, v33;
	v23 =	vld [tilespmem:s30+$0x10160];
	v28 =	vmul.f32 v28, v32;
	v20 =	vadd.f32 v30, v20;
	[tilespmem:s30+$0x4570] =	vst v22  }
0x17c: {  	v16 =	vmul.f32 v16, v33;
	v22 =	vmul.f32 v27, v32;
	v19 =	vadd.f32 v29, v19;
	[tilespmem:s30+$0x4560] =	vst v21;
	v21 =	vld [tilespmem:s30+$0x11540]  }
0x17d: {  	v15 =	vmul.f32 v15, v33;
	v26 =	vmul.f32 v26, v32;
	v18 =	vadd.f32 v28, v18;
	[tilespmem:s30+$0x4550] =	vst v20;
	v20 =	vld [tilespmem:s30+$0x11550]  }
0x17e: {  	v14 =	vmul.f32 v14, v33;
	v25 =	vmul.f32 v25, v32;
	v17 =	vadd.f32 v22, v17;
	[tilespmem:s30+$0x4540] =	vst v19;
	v19 =	vld [tilespmem:s30+$0x11560]  }
0x17f: {  	v13 =	vmul.f32 v13, v33;
	v22 =	vmul.f32 v24, v32;
	v16 =	vadd.f32 v26, v16;
	[tilespmem:s30+$0x4530] =	vst v18;
	v18 =	vld [tilespmem:s30+$0x11570]  }
0x180: {  	v12 =	vmul.f32 v12, v33;
	v23 =	vmul.f32 v23, v32;
	v15 =	vadd.f32 v25, v15;
	[tilespmem:s30+$0x4520] =	vst v17;
	v17 =	vld [tilespmem:s30+$0x5540]  }
0x181: {  	v10 =	vmul.f32 v10, v33;
	v11 =	vmul.f32 v11, v32;
	v14 =	vadd.f32 v22, v14;
	[tilespmem:s30+$0x4510] =	vst v16;
	v16 =	vld [tilespmem:s30+$0x5550]  }
0x182: {  	v8 =	vmul.f32 v8, v33;
	v9 =	vmul.f32 v9, v32;
	v13 =	vadd.f32 v23, v13;
	[tilespmem:s30+$0x4500] =	vst v15;
	v15 =	vld [tilespmem:s30+$0x5560]  }
0x183: {  	v6 =	vmul.f32 v6, v33;
	v7 =	vmul.f32 v7, v32;
	v11 =	vadd.f32 v11, v12;
	[tilespmem:s30+$0x4170] =	vst v14;
	v12 =	vld [tilespmem:s30+$0x5570]  }
0x184: {  	v3 =	vmul.f32 v3, v33;
	v5 =	vmul.f32 v5, v32;
	v9 =	vadd.f32 v9, v10;
	v14 =	vld [tilespmem:s30+$0x4100];
	[tilespmem:s30+$0x4160] =	vst v13  }
0x185: {  	v4 =	vmul.f32 v4, v32;
	v7 =	vadd.f32 v7, v8;
	v10 =	vld [tilespmem:s30+$0x10100];
	[tilespmem:s30+$0x4150] =	vst v11;
	v8 =	vmul.f32 v17, v33  }
0x186: {  	s1 =	sshrl.u32 s0, $0x3;
	v5 =	vadd.f32 v5, v6;
	v6 =	vmul.f32 v21, v32;
	[tilespmem:s30+$0x4140] =	vst v9;
	v9 =	vmul.f32 v16, v33  }
0x187: {  	s31 =	sadd.s32 $0x80, s31;
	s1 =	smul.u32 $0x1800, s1;
	v3 =	vadd.f32 v4, v3;
	v4 =	vmul.f32 v20, v32;
	[tilespmem:s30+$0x4130] =	vst v7;
	v7 =	vmul.f32 v15, v33  }
0x188: {  	s13 =	sand.u32 $0x380, s31;
	[tilespmem:s30+$0x4120] =	vst v5;
	v5 =	vadd.f32 v6, v8;
	v6 =	vmul.f32 v19, v32;
	v8 =	vmul.f32 v12, v33  }
0x189: {  	s1 =	sor.u32 s13, s1;
	v9 =	vadd.f32 v4, v9;
	v12 =	vmul.f32 v18, v32;
	v11 =	vmul.f32 v14, v33;
	[tilespmem:s30+$0x4110] =	vst v3  }
0x18a: {  	v3 =	vld [tilespmem:s1+$0x4110];
	v10 =	vmul.f32 v10, v32;
	[tilespmem:s30+$0x5540] =	vst v5;
	v5 =	vadd.f32 v6, v7  }
0x18b: {  	v7 =	vadd.f32 v12, v8;
	v4 =	vld [tilespmem:s1+$0x10110];
	[tilespmem:s30+$0x5550] =	vst v9  }
0x18c: {  	v6 =	vld [tilespmem:s1+$0x4120];
	v9 =	vadd.f32 v10, v11;
	[tilespmem:s30+$0x5560] =	vst v5  }
0x18d: {  	v5 =	vld [tilespmem:s1+$0x10120];
	[tilespmem:s30+$0x5570] =	vst v7  }
0x18e: {  	v8 =	vld [tilespmem:s1+$0x4130];
	[tilespmem:s30+$0x4100] =	vst v9;
	s30 =	smov.u32 s1  }
0x18f: {  	v7 =	vld [tilespmem:s30+$0x10130]  }
0x190: {  	v10 =	vld [tilespmem:s30+$0x4140]  }
0x191: {  	v9 =	vld [tilespmem:s30+$0x10140]  }
0x192: {  	v12 =	vld [tilespmem:s30+$0x4150]  }
0x193: {  	v11 =	vld [tilespmem:s30+$0x10150]  }
0x194: {  	v13 =	vld [tilespmem:s30+$0x4160]  }
0x195: {  	v14 =	vld [tilespmem:s30+$0x4170]  }
0x196: {  	v15 =	vld [tilespmem:s30+$0x4500]  }
0x197: {  	v16 =	vld [tilespmem:s30+$0x4510]  }
0x198: {  	v17 =	vld [tilespmem:s30+$0x4520]  }
0x199: {  	v18 =	vld [tilespmem:s30+$0x4530]  }
0x19a: {  	v19 =	vld [tilespmem:s30+$0x4540]  }
0x19b: {  	v20 =	vld [tilespmem:s30+$0x4550]  }
0x19c: {  	v21 =	vld [tilespmem:s30+$0x4560]  }
0x19d: {  	v22 =	vld [tilespmem:s30+$0x4570]  }
0x19e: {  	v23 =	vld [tilespmem:s30+$0x4900]  }
0x19f: {  	v24 =	vld [tilespmem:s30+$0x4910]  }
0x1a0: {  	v25 =	vld [tilespmem:s30+$0x4920]  }
0x1a1: {  	v26 =	vld [tilespmem:s30+$0x4930]  }
0x1a2: {  	v27 =	vld [tilespmem:s30+$0x4940]  }
0x1a3: {  	v28 =	vld [tilespmem:s30+$0x4950]  }
0x1a4: {  	v29 =	vld [tilespmem:s30+$0x4960]  }
0x1a5: {  	v30 =	vld [tilespmem:s30+$0x4970]  }
0x1a6: {  	v31 =	vld [tilespmem:s30+$0x4D00]  }
0x1a7: {  	v34 =	vld [tilespmem:s30+$0x4D10]  }
0x1a8: {  	v35 =	vld [tilespmem:s30+$0x4D20]  }
0x1a9: {  	v36 =	vld [tilespmem:s30+$0x4D30]  }
0x1aa: {  	v37 =	vld [tilespmem:s30+$0x4D40]  }
0x1ab: {  	v38 =	vld [tilespmem:s30+$0x4D50]  }
0x1ac: {  	v39 =	vld [tilespmem:s30+$0x4D60]  }
0x1ad: {  	v40 =	vld [tilespmem:s30+$0x4D70]  }
0x1ae: {  	v41 =	vld [tilespmem:s30+$0x5100]  }
0x1af: {  	v42 =	vld [tilespmem:s30+$0x5110]  }
0x1b0: {  	v43 =	vld [tilespmem:s30+$0x5120]  }
0x1b1: {  	v44 =	vld [tilespmem:s30+$0x5130]  }
0x1b2: {  	v45 =	vld [tilespmem:s30+$0x5140]  }
0x1b3: {  	v46 =	vld [tilespmem:s30+$0x5150]  }
.Ltmp0:
0x1b4: {  	v47 =	vld [tilespmem:s30+$0x5160];
	(pc) =	sbr.rel @p0 .LBB2_2-.Ltmp0, $4  }
0x1b5: {  	v48 =	vld [tilespmem:s30+$0x5500]  }
0x1b6: {  	v50 =	vld [tilespmem:s30+$0x5510]  }
0x1b7: {  	v49 =	vld [tilespmem:s30+$0x11510]  }
0x1b8: {  	s0 =	sadd.s32 $0x1, s0;
	v51 =	vld [tilespmem:s30+$0x11530]  }
0x1b9: {  	v52 =	vld [tilespmem:s30+$0x5530]  }
0x1ba: {  	v53 =	vld [tilespmem:s30+$0x5520];
	s0 =	sadd.s32 $0x80, s28  }
0x1bb: {  	s31 =	sadd.s32 $0x80, s29;
	v32 =	vld [tilespmem:s0+$0x0]  }
0x1bc: {  	v33 =	vld [tilespmem:s31+$0x0]  }
0x1bd: {  	v54 =	vld [tilespmem:s30+$0x11520];
	_ =	sdelay $0x1  }
0x1be: {  	v55 =	vld [tilespmem:s30+$0x11500]  }
0x1bf: {  	v56 =	vld [tilespmem:s30+$0x5170]  }
0x1c0: {  	v58 =	vld [tilespmem:s30+$0x11160];
	v52 =	vmul.f32 v52, v32;
	v51 =	vmul.f32 v51, v33  }
0x1c1: {  	v57 =	vld [tilespmem:s30+$0x11170];
	v53 =	vmul.f32 v53, v32;
	v54 =	vmul.f32 v54, v33  }
0x1c2: {  	v59 =	vld [tilespmem:s30+$0x11150];
	v50 =	vmul.f32 v50, v32;
	v49 =	vmul.f32 v49, v33  }
0x1c3: {  	v60 =	vld [tilespmem:s30+$0x11140];
	v48 =	vmul.f32 v48, v32;
	v62 =	vmul.f32 v55, v33;
	v51 =	vadd.f32 v51, v52  }
0x1c4: {  	v61 =	vld [tilespmem:s30+$0x11120];
	v63 =	vmul.f32 v56, v32;
	v47 =	vmul.f32 v47, v32;
	v53 =	vadd.f32 v54, v53  }
0x1c5: {  	v58 =	vmul.f32 v58, v33;
	v55 =	vld [tilespmem:s30+$0x10560];
	v12 =	vmul.f32 v12, v32;
	v49 =	vadd.f32 v49, v50;
	[tilespmem:s30+$0x5530] =	vst v51  }
0x1c6: {  	v56 =	vld [tilespmem:s30+$0x10550];
	v11 =	vmul.f32 v11, v33;
	v10 =	vmul.f32 v10, v32;
	v48 =	vadd.f32 v62, v48;
	[tilespmem:s30+$0x5520] =	vst v53  }
0x1c7: {  	v9 =	vmul.f32 v9, v33;
	v8 =	vmul.f32 v8, v32;
	v52 =	vld [tilespmem:s30+$0x11130];
	v47 =	vadd.f32 v58, v47;
	[tilespmem:s30+$0x5510] =	vst v49  }
0x1c8: {  	v7 =	vmul.f32 v7, v33;
	v6 =	vmul.f32 v6, v32;
	v50 =	vld [tilespmem:s30+$0x11100];
	v11 =	vadd.f32 v11, v12;
	[tilespmem:s30+$0x5500] =	vst v48  }
0x1c9: {  	v5 =	vmul.f32 v5, v33;
	v3 =	vmul.f32 v3, v32;
	v58 =	vld [tilespmem:s30+$0x10D20];
	v9 =	vadd.f32 v9, v10;
	[tilespmem:s30+$0x5160] =	vst v47  }
0x1ca: {  	v4 =	vmul.f32 v4, v33;
	v62 =	vmul.f32 v59, v33;
	v59 =	vld [tilespmem:s30+$0x10D10];
	v7 =	vadd.f32 v7, v8;
	[tilespmem:s30+$0x4150] =	vst v11  }
0x1cb: {  	v57 =	vmul.f32 v57, v33;
	v54 =	vld [tilespmem:s30+$0x10570];
	v5 =	vadd.f32 v5, v6;
	[tilespmem:s30+$0x4140] =	vst v9  }
0x1cc: {  	v46 =	vmul.f32 v46, v32;
	v3 =	vadd.f32 v4, v3;
	v51 =	vld [tilespmem:s30+$0x11110];
	[tilespmem:s30+$0x4130] =	vst v7  }
0x1cd: {  	v45 =	vmul.f32 v45, v32;
	v49 =	vld [tilespmem:s30+$0x10D70];
	v53 =	vadd.f32 v57, v63;
	v63 =	vmul.f32 v60, v33;
	[tilespmem:s30+$0x4120] =	vst v5  }
0x1ce: {  	v43 =	vmul.f32 v43, v32;
	v48 =	vld [tilespmem:s30+$0x10D60];
	v46 =	vadd.f32 v62, v46;
	v57 =	vmul.f32 v61, v33;
	[tilespmem:s30+$0x4110] =	vst v3  }
0x1cf: {  	v44 =	vmul.f32 v44, v32;
	v47 =	vld [tilespmem:s30+$0x10D40];
	[tilespmem:s30+$0x5170] =	vst v53;
	v45 =	vadd.f32 v63, v45;
	v52 =	vmul.f32 v52, v33  }
0x1d0: {  	v41 =	vmul.f32 v41, v32;
	v60 =	vld [tilespmem:s30+$0x10D00];
	[tilespmem:s30+$0x5150] =	vst v46;
	v43 =	vadd.f32 v57, v43;
	v50 =	vmul.f32 v50, v33  }
0x1d1: {  	v35 =	vmul.f32 v35, v32;
	v61 =	vld [tilespmem:s30+$0x10970];
	[tilespmem:s30+$0x5140] =	vst v45;
	v45 =	vmul.f32 v58, v33;
	v44 =	vadd.f32 v52, v44  }
0x1d2: {  	v42 =	vmul.f32 v42, v32;
	v53 =	vld [tilespmem:s30+$0x10D50];
	[tilespmem:s30+$0x5120] =	vst v43;
	v51 =	vmul.f32 v51, v33;
	v41 =	vadd.f32 v50, v41  }
0x1d3: {  	v40 =	vmul.f32 v40, v32;
	v46 =	vld [tilespmem:s30+$0x10D30];
	v49 =	vmul.f32 v49, v33;
	v35 =	vadd.f32 v45, v35;
	[tilespmem:s30+$0x5130] =	vst v44  }
0x1d4: {  	v39 =	vmul.f32 v39, v32;
	v62 =	vld [tilespmem:s30+$0x10960];
	v48 =	vmul.f32 v48, v33;
	v42 =	vadd.f32 v51, v42;
	[tilespmem:s30+$0x5100] =	vst v41  }
0x1d5: {  	v37 =	vmul.f32 v37, v32;
	v57 =	vld [tilespmem:s30+$0x10540];
	v47 =	vmul.f32 v47, v33;
	v40 =	vadd.f32 v49, v40;
	[tilespmem:s30+$0x4D20] =	vst v35  }
0x1d6: {  	v31 =	vmul.f32 v31, v32;
	v58 =	vld [tilespmem:s30+$0x10530];
	v43 =	vmul.f32 v60, v33;
	v39 =	vadd.f32 v48, v39;
	[tilespmem:s30+$0x5110] =	vst v42  }
0x1d7: {  	v38 =	vmul.f32 v38, v32;
	v50 =	vld [tilespmem:s30+$0x10930];
	v63 =	vmul.f32 v53, v33;
	v37 =	vadd.f32 v47, v37;
	[tilespmem:s30+$0x4D70] =	vst v40  }
0x1d8: {  	v36 =	vmul.f32 v36, v32;
	v60 =	vld [tilespmem:s30+$0x10510];
	v46 =	vmul.f32 v46, v33;
	v31 =	vadd.f32 v43, v31;
	[tilespmem:s30+$0x4D60] =	vst v39  }
0x1d9: {  	v34 =	vmul.f32 v34, v32;
	v52 =	vld [tilespmem:s30+$0x10910];
	v44 =	vmul.f32 v59, v33;
	v38 =	vadd.f32 v63, v38;
	[tilespmem:s30+$0x4D40] =	vst v37  }
0x1da: {  	v29 =	vmul.f32 v29, v32;
	v45 =	vld [tilespmem:s30+$0x5540];
	v41 =	vmul.f32 v62, v33;
	v36 =	vadd.f32 v46, v36;
	[tilespmem:s30+$0x4D00] =	vst v31  }
0x1db: {  	v21 =	vmul.f32 v21, v32;
	v48 =	vld [tilespmem:s30+$0x10950];
	v62 =	vmul.f32 v55, v33;
	v34 =	vadd.f32 v44, v34;
	[tilespmem:s30+$0x4D50] =	vst v38  }
0x1dc: {  	v30 =	vmul.f32 v30, v32;
	v49 =	vld [tilespmem:s30+$0x10940];
	v42 =	vmul.f32 v61, v33;
	v29 =	vadd.f32 v41, v29;
	[tilespmem:s30+$0x4D30] =	vst v36  }
0x1dd: {  	v16 =	vmul.f32 v16, v32;
	v51 =	vld [tilespmem:s30+$0x10920];
	v21 =	vadd.f32 v62, v21;
	v41 =	vmul.f32 v60, v33;
	[tilespmem:s30+$0x4D10] =	vst v34  }
0x1de: {  	v26 =	vmul.f32 v26, v32;
	v53 =	vld [tilespmem:s30+$0x10900];
	v30 =	vadd.f32 v42, v30;
	[tilespmem:s30+$0x4960] =	vst v29;
	v38 =	vmul.f32 v50, v33  }
0x1df: {  	v24 =	vmul.f32 v24, v32;
	v59 =	vld [tilespmem:s30+$0x10520];
	v36 =	vmul.f32 v52, v33;
	[tilespmem:s30+$0x4560] =	vst v21;
	v16 =	vadd.f32 v41, v16  }
0x1e0: {  	v22 =	vmul.f32 v22, v32;
	v43 =	vld [tilespmem:s30+$0x11570];
	v34 =	vmul.f32 v54, v33;
	[tilespmem:s30+$0x4970] =	vst v30;
	v26 =	vadd.f32 v38, v26  }
0x1e1: {  	v28 =	vmul.f32 v28, v32;
	v61 =	vld [tilespmem:s30+$0x10500];
	v40 =	vmul.f32 v48, v33;
	v24 =	vadd.f32 v36, v24;
	[tilespmem:s30+$0x4510] =	vst v16  }
0x1e2: {  	v27 =	vmul.f32 v27, v32;
	v63 =	vld [tilespmem:s30+$0x10170];
	v39 =	vmul.f32 v49, v33;
	v22 =	vadd.f32 v34, v22;
	[tilespmem:s30+$0x4930] =	vst v26  }
0x1e3: {  	v25 =	vmul.f32 v25, v32;
	v46 =	vld [tilespmem:s30+$0x5550];
	v37 =	vmul.f32 v51, v33;
	v28 =	vadd.f32 v40, v28;
	[tilespmem:s30+$0x4910] =	vst v24  }
0x1e4: {  	v23 =	vmul.f32 v23, v32;
	v50 =	vld [tilespmem:s30+$0x10100];
	v35 =	vmul.f32 v53, v33;
	v27 =	vadd.f32 v39, v27;
	[tilespmem:s30+$0x4570] =	vst v22  }
0x1e5: {  	v20 =	vmul.f32 v20, v32;
	v48 =	vld [tilespmem:s30+$0x5560];
	v30 =	vmul.f32 v56, v33;
	v25 =	vadd.f32 v37, v25;
	[tilespmem:s30+$0x4950] =	vst v28  }
0x1e6: {  	v19 =	vmul.f32 v19, v32;
	v51 =	vld [tilespmem:s30+$0x4100];
	v23 =	vadd.f32 v35, v23;
	v35 =	vmul.f32 v57, v33;
	[tilespmem:s30+$0x4940] =	vst v27  }
0x1e7: {  	v18 =	vmul.f32 v18, v32;
	v34 =	vld [tilespmem:s30+$0x10160];
	v37 =	vmul.f32 v58, v33;
	v20 =	vadd.f32 v30, v20;
	[tilespmem:s30+$0x4920] =	vst v25  }
0x1e8: {  	v17 =	vmul.f32 v17, v32;
	v36 =	vld [tilespmem:s30+$0x11540];
	v39 =	vmul.f32 v59, v33;
	[tilespmem:s30+$0x4900] =	vst v23;
	v19 =	vadd.f32 v35, v19  }
0x1e9: {  	v15 =	vmul.f32 v15, v32;
	v38 =	vld [tilespmem:s30+$0x11550];
	v42 =	vmul.f32 v61, v33;
	v18 =	vadd.f32 v37, v18;
	[tilespmem:s30+$0x4550] =	vst v20  }
0x1ea: {  	v14 =	vmul.f32 v14, v32;
	v40 =	vld [tilespmem:s30+$0x11560];
	v44 =	vmul.f32 v63, v33;
	v17 =	vadd.f32 v39, v17;
	[tilespmem:s30+$0x4540] =	vst v19  }
0x1eb: {  	v49 =	vld [tilespmem:s30+$0x5570];
	v15 =	vadd.f32 v42, v15;
	v10 =	vmul.f32 v50, v33;
	v61 =	vmul.f32 v51, v32;
	[tilespmem:s30+$0x4530] =	vst v18  }
0x1ec: {  	v13 =	vmul.f32 v13, v32;
	v14 =	vadd.f32 v44, v14;
	[tilespmem:s30+$0x4520] =	vst v17;
	v47 =	vmul.f32 v34, v33  }
0x1ed: {  	v52 =	vmul.f32 v45, v32;
	[tilespmem:s30+$0x4500] =	vst v15;
	v53 =	vmul.f32 v36, v33;
	v63 =	vadd.f32 v10, v61  }
0x1ee: {  	v54 =	vmul.f32 v46, v32;
	[tilespmem:s30+$0x4170] =	vst v14;
	v55 =	vmul.f32 v38, v33;
	v13 =	vadd.f32 v47, v13  }
0x1ef: {  	v56 =	vmul.f32 v48, v32;
	v58 =	vmul.f32 v40, v33;
	v57 =	vadd.f32 v53, v52;
	[tilespmem:s30+$0x4100] =	vst v63  }
0x1f0: {  	v60 =	vmul.f32 v43, v33;
	v59 =	vmul.f32 v49, v32;
	v3 =	vadd.f32 v55, v54;
	[tilespmem:s30+$0x4160] =	vst v13  }
0x1f1: {  	v62 =	vadd.f32 v58, v56;
	[tilespmem:s30+$0x5540] =	vst v57  }
0x1f2: {  	s26 =	sadd.s32 $0x1, s26;
	[tilespmem:s30+$0x5550] =	vst v3;
	v3 =	vadd.f32 v60, v59  }
0x1f3: {  	p0 =	sne.s32 s26, s11;
	[tilespmem:s30+$0x5560] =	vst v62  }
.Ltmp1:
0x1f4: {  	[tilespmem:s30+$0x5570] =	vst v3;
	(pc) =	sbr.rel @p0 .LBB2_1-.Ltmp1, $4  }
0x1f5: {  	[hbm4b:s10+s2] =	stream.linear.scatter [tilespmem:s14], [sflag:$0x3], $0xC000, $0x38;
	[tilespmem:$0x1C100] =	vst v63  }
0x1f6: {  	_ =	swait.ge [sflag:s12], $0xC000  }
0x1f7: {  	[sflag:s12] =	ssyncset.done $0x0  }
0x1f8: {  	[sflag:s12] =	ssyncadd.s32 $0xFFFF4000  }
0x1f9: {  	_ =	sfence.sel $0x180000  }
0x1fa: {  	[bflag:$0x0] =	sbarrier.arrive $0xFFFF  }
0x1fb: {  	_ =	strace $0x9000004A  }
0x1fc: {  	s0 =	stileid.u32;
	[bflag:$0x2] =	sbarrier.arrive $0xFFFF  }
0x1fd: {  	p0 =	sne.s32 s0, $0x0;
	s0 =	rddreg [dreg:$0x2]  }
0x1fe: {  	s0 =	sadd.s32 @!p0 $0x100000, s0  }
0x1ff: {  	[sflag:s0] =	ssyncadd.tile.s32 @!p0 $0x1;
	_ =	shalt  }
.Lfunc_end2:
_tile_overlayer_lowered:
.L_overlay_start_2:
0x200: {  	(tag) =	ssettag $0x2  }
0x201: {  	s0 =	rddreg [dreg:$0x0];
	s2 =	stileid.u32  }
0x202: {  	s1 =	rddreg [dreg:$0x1];
	p0 =	sne.s32 s2, $0x0  }
0x203: {  	s3 =	rddreg [dreg:$0x2];
	[bflag:$0x3] =	sbarrier.arrive $0xFFFF;
	s2 =	simm.s32 @!p0 $0x1C03  }
0x204: {  	[timem:s3], [sflag:s2] =	dma.local @!p0 [hbm:s0], s1  }
0x205: {  	s0 =	simm.s32 @!p0 $0x3  }
0x206: {  	_ =	swait.ge @!p0 [sflag:s0], s1  }
0x207: {  	s1 =	ssub.s32 @!p0 $0x0, s1;
	[sflag:s0] =	ssyncset.done @!p0 $0x0  }
0x208: {  	[sflag:s0] =	ssyncadd.s32 @!p0 s1  }
0x209: {  	[bflag:$0x3] =	sbarrier.arrive $0xFFFF  }
0x20a: {  	_ =	shalt  }

</sc_bundles>
